<compile_context>
chip_gen: v7x
topology: tpu7x:2x2x1
jax: 0.10.2.dev20260603
libtpu: 0.0.44.dev20260713+nightly
codegen_flags: <defaults>
</compile_context>

<pallas_src>
import functools
import math

import jax
import jax.numpy as jnp
from jax import lax
from jax.experimental import pallas as pl
from jax.experimental.pallas import tpu as pltpu
from jax.experimental.pallas import tpu_sc as plsc

N_NODES = 10000
N_EDGES = 320000
F = 128
K = 10
NITER = 10
KPAD = 128

NTILES = 16
NROWS = N_EDGES // 128
R_BIG = 160
R_LAST = NROWS - 15 * R_BIG
NPAD = 10240
ZCHUNK = NPAD // NTILES
NBUF = 16


def _tc_body(x_ref, c0_ref, wq_ref, wv_ref, alloc_ref, alloc16_ref, et_ref):
    x = x_ref[...]
    row = lax.broadcasted_iota(jnp.int32, (16, 1), 0)
    rvalid = row < K
    ones_col = jnp.ones((N_NODES, 1), jnp.float32)
    xa = jnp.concatenate([x, ones_col], axis=1)

    def assign(c):
        cn = jnp.sum(c * c, axis=1, keepdims=True)
        b = jnp.concatenate([c, -0.5 * cn], axis=1)
        dots = lax.dot_general(b, xa, (((1,), (1,)), ((), ())),
                               preferred_element_type=jnp.float32)
        score = jnp.where(rvalid, -2.0 * dots, 1e30)
        m = jnp.min(score, axis=0, keepdims=True)
        return jnp.min(jnp.where(score == m, row, 16), axis=0,
                       keepdims=True)

    def update(cl):
        onehot = (cl == row).astype(jnp.float32)
        sa = lax.dot_general(onehot, xa, (((1,), (0,)), ((), ())),
                             preferred_element_type=jnp.float32)
        return jnp.where(rvalid, sa[:, :F] / sa[:, F:F + 1], 0.0)

    c9 = lax.fori_loop(0, NITER - 1, lambda i, c: update(assign(c)),
                       c0_ref[...])
    cl = assign(c9)
    c10 = update(cl)

    q = jnp.dot(c10, wq_ref[...], preferred_element_type=jnp.float32)
    v = jnp.dot(c10, wv_ref[...], preferred_element_type=jnp.float32)
    prods = lax.dot_general(q, v, (((1,), (1,)), ((), ())),
                            preferred_element_type=jnp.float32)
    prods = prods * (1.0 / math.sqrt(F))
    cvalid = lax.broadcasted_iota(jnp.int32, (1, 16), 1) < K
    p = jnp.where(cvalid, prods, -1e30)
    m = jnp.max(p, axis=1, keepdims=True)
    e = jnp.exp(p - m)
    tab = e / jnp.sum(e, axis=1, keepdims=True)

    alloc_ref[...] = cl
    alloc16_ref[...] = cl * 16
    et_ref[...] = jnp.exp(tab)


_tc_call = pl.pallas_call(
    _tc_body,
    out_shape=[
        jax.ShapeDtypeStruct((1, N_NODES), jnp.int32),
        jax.ShapeDtypeStruct((1, N_NODES), jnp.int32),
        jax.ShapeDtypeStruct((16, 16), jnp.float32),
    ],
)


def _sc_body(src_hbm, dst_hbm, alloc_hbm, alloc16_hbm, et_hbm, out_hbm,
             src_v, dst_v, w_v, alloc_v, alloc16_v, et_v, s_v, z_v, s_sh,
             dsem, lsem):
    sid = lax.axis_index("s")
    row0 = pl.multiple_of(sid * R_BIG, 8)
    is_last = sid == NTILES - 1
    nrows = jnp.where(is_last, R_LAST, R_BIG)

    cps = [
        pltpu.async_copy(alloc_hbm, alloc_v, lsem),
        pltpu.async_copy(alloc16_hbm, alloc16_v, lsem),
        pltpu.async_copy(et_hbm, et_v, lsem),
    ]

    @pl.when(jnp.logical_not(is_last))
    def _():
        c1 = pltpu.async_copy(src_hbm.at[pl.ds(row0, R_BIG)],
                              src_v.at[pl.ds(0, R_BIG)], lsem)
        c2 = pltpu.async_copy(dst_hbm.at[pl.ds(row0, R_BIG)],
                              dst_v.at[pl.ds(0, R_BIG)], lsem)
        c1.wait()
        c2.wait()

    @pl.when(is_last)
    def _():
        c1 = pltpu.async_copy(src_hbm.at[pl.ds(15 * R_BIG, R_LAST)],
                              src_v.at[pl.ds(0, R_LAST)], lsem)
        c2 = pltpu.async_copy(dst_hbm.at[pl.ds(15 * R_BIG, R_LAST)],
                              dst_v.at[pl.ds(0, R_LAST)], lsem)
        c1.wait()
        c2.wait()

    for t in range(ZCHUNK // 16):
        z_v[pl.ds(t * 16, 16)] = jnp.zeros((16,), jnp.float32)
    for c in cps:
        c.wait()
    pltpu.sync_copy(z_v, s_sh.at[pl.ds(sid * ZCHUNK, ZCHUNK)])
    plsc.subcore_barrier()

    def fill_row(j):
        for k in range(8):
            off = k * 16
            s16 = src_v[j, pl.ds(off, 16)]
            d16 = dst_v[j, pl.ds(off, 16)]
            cs16 = plsc.load_gather(alloc16_v, [s16])
            cd = plsc.load_gather(alloc_v, [d16])
            w_v[j, pl.ds(off, 16)] = plsc.load_gather(et_v, [cs16 + cd])

    def fire(j):
        pltpu.async_copy(w_v.at[j], s_sh.at[src_v.at[j]], dsem, add=True)

    def wait(j):
        pltpu.make_async_copy(w_v.at[j], s_sh.at[src_v.at[j]], dsem).wait()

    def prologue_row(j, carry):
        fill_row(j)
        fire(j)
        return carry

    def steady_row(j, carry):
        wait(j - NBUF)
        fill_row(j)
        fire(j)
        return carry

    def drain_row(j, carry):
        wait(j)
        return carry

    lax.fori_loop(0, NBUF, prologue_row, 0)
    lax.fori_loop(NBUF, nrows, steady_row, 0)
    lax.fori_loop(nrows - NBUF, nrows, drain_row, 0)
    plsc.subcore_barrier()

    pltpu.sync_copy(s_sh.at[pl.ds(sid * ZCHUNK, ZCHUNK)], z_v)
    for t in range(ZCHUNK // 16):
        z_v[pl.ds(t * 16, 16)] = 1.0 / z_v[pl.ds(t * 16, 16)]
    pltpu.sync_copy(z_v, s_sh.at[pl.ds(sid * ZCHUNK, ZCHUNK)])
    plsc.subcore_barrier()
    pltpu.sync_copy(s_sh, s_v)

    @plsc.parallel_loop(0, nrows, 1, unroll=2)
    def _(j):
        for k in range(8):
            off = k * 16
            s16 = src_v[j, pl.ds(off, 16)]
            inv = plsc.load_gather(s_v, [s16])
            w_v[j, pl.ds(off, 16)] = w_v[j, pl.ds(off, 16)] * inv

    @pl.when(jnp.logical_not(is_last))
    def _():
        pltpu.sync_copy(w_v.at[pl.ds(0, R_BIG)],
                        out_hbm.at[pl.ds(row0, R_BIG)])

    @pl.when(is_last)
    def _():
        pltpu.sync_copy(w_v.at[pl.ds(0, R_LAST)],
                        out_hbm.at[pl.ds(15 * R_BIG, R_LAST)])


_sc_call = pl.kernel(
    _sc_body,
    mesh=plsc.VectorSubcoreMesh(core_axis_name="c", subcore_axis_name="s",
                                num_cores=1),
    compiler_params=pltpu.CompilerParams(needs_layout_passes=False),
    out_type=jax.ShapeDtypeStruct((NROWS, 128), jnp.float32),
    scratch_types=[
        pltpu.VMEM((R_BIG, 128), jnp.int32),
        pltpu.VMEM((R_BIG, 128), jnp.int32),
        pltpu.VMEM((R_BIG, 128), jnp.float32),
        pltpu.VMEM((N_NODES,), jnp.int32),
        pltpu.VMEM((N_NODES,), jnp.int32),
        pltpu.VMEM((256,), jnp.float32),
        pltpu.VMEM((NPAD,), jnp.float32),
        pltpu.VMEM((ZCHUNK,), jnp.float32),
        pltpu.VMEM_SHARED((NPAD,), jnp.float32),
        pltpu.SemaphoreType.DMA,
        pltpu.SemaphoreType.DMA,
    ],
)


def kernel(x, edge, WQ, WV, WK, a):
    c0 = jnp.concatenate(
        [x[:K], jnp.zeros((16 - K, F), jnp.float32)], axis=0)
    alloc2, alloc16_2, et16 = _tc_call(x, c0, WQ, WV)
    outp = _sc_call(edge[0].reshape(NROWS, 128), edge[1].reshape(NROWS, 128),
                    alloc2.reshape(N_NODES), alloc16_2.reshape(N_NODES),
                    et16.reshape(256))
    return outp.reshape(N_EDGES)

# --- scband reference (transcript-rebuilt; emitter-appended) ---
"""Pipeline reference for scband-sp-graph-attention-layer-90168543412402 (READ-ONLY COPY).

The authoritative reference and input builder live on the scoring server;
editing this copy changes nothing except your own understanding.
"""

import jax, jax.numpy as jnp
import numpy as np

N_NODES = 10000
N_EDGES = 320000
IN_F = 128
OUT_F = 128
KM_K = 10
KM_NITER = 10
NORM_IDX = 0


def _xavier_normal(key, shape, gain=1.414):
    fan_in, fan_out = shape[0], shape[1]
    std = gain * np.sqrt(2.0 / (fan_in + fan_out))
    return (jax.random.normal(key, shape, dtype=jnp.float32) * std).astype(jnp.float32)


def setup_inputs(seed: int = 0) -> dict:
    key = jax.random.key(seed)
    k1, k2, k3, k4, k5, k6 = jax.random.split(key, 6)
    x = jax.random.normal(k1, (N_NODES, IN_F), dtype=jnp.float32)
    edge = jax.random.randint(k2, (2, N_EDGES), 0, N_NODES, dtype=jnp.int32)
    WQ = _xavier_normal(k3, (IN_F, OUT_F))
    WV = _xavier_normal(k4, (IN_F, OUT_F))
    WK = _xavier_normal(k5, (IN_F, OUT_F))
    a = _xavier_normal(k6, (1, 2 * OUT_F))
    return {"x": x, "edge": edge, "WQ": WQ, "WV": WV, "WK": WK, "a": a}


def _kmeans(x, K=KM_K, Niter=KM_NITER):
    c = x[:K, :]
    cl = jnp.zeros((x.shape[0],), dtype=jnp.int32)
    for _ in range(Niter):
        D_ij = ((x[:, None, :] - c[None, :, :]) ** 2).sum(-1)
        cl = jnp.argmin(D_ij, axis=1)
        Ncl = jnp.bincount(cl, length=K).astype(x.dtype)
        sums = jax.ops.segment_sum(x, cl, num_segments=K)
        c = sums / Ncl[:, None]
    return cl, c


def _get_attention(centroids, WQ, WV, WK):
    q = centroids @ WQ
    v = centroids @ WV
    prods = (q @ v.T) / np.sqrt(WK.shape[1])
    return jax.nn.softmax(prods, axis=1)


def _segment_softmax(vals, seg, num_segments):
    m = jax.ops.segment_max(vals, seg, num_segments=num_segments)
    m = jnp.where(jnp.isfinite(m), m, 0.0)
    e = jnp.exp(vals - m[seg])
    s = jax.ops.segment_sum(e, seg, num_segments=num_segments)
    return e / s[seg]


def reference(x, edge, WQ, WV, WK, a):
    alloc, centroids = _kmeans(x)
    centroid_attention = _get_attention(centroids, WQ, WV, WK)
    src_centroid = alloc[edge[0, :]]
    dst_centroid = alloc[edge[1, :]]
    edge_attention = centroid_attention[src_centroid, dst_centroid]
    attention = _segment_softmax(edge_attention, edge[NORM_IDX], N_NODES)
    return attention

if __name__ == "__main__":
    import jax
    _d = setup_inputs()
    print(jax.jit(kernel)(*tuple(_d.values())))

</pallas_src>

<mosaic_0001>
#map = affine_map<(d0, d1) -> (0, 0)>
#map1 = affine_map<(d0, d1) -> (0)>
module attributes {stable_mosaic.version = 14 : i64} {
  func.func @_sc_body(%arg0: i32, %arg1: i32, %arg2: memref<2500x128xi32, #tpu.memory_space<hbm>>, %arg3: memref<2500x128xi32, #tpu.memory_space<hbm>>, %arg4: memref<10000xi32, #tpu.memory_space<hbm>>, %arg5: memref<10000xi32, #tpu.memory_space<hbm>>, %arg6: memref<256xf32, #tpu.memory_space<hbm>>, %arg7: memref<2500x128xf32, #tpu.memory_space<hbm>>, %arg8: memref<160x128xi32, #tpu.memory_space<vmem>>, %arg9: memref<160x128xi32, #tpu.memory_space<vmem>>, %arg10: memref<160x128xf32, #tpu.memory_space<vmem>>, %arg11: memref<10000xi32, #tpu.memory_space<vmem>>, %arg12: memref<10000xi32, #tpu.memory_space<vmem>>, %arg13: memref<256xf32, #tpu.memory_space<vmem>>, %arg14: memref<10240xf32, #tpu.memory_space<vmem>>, %arg15: memref<640xf32, #tpu.memory_space<vmem>>, %arg16: memref<10240xf32, #tpu.memory_space<vmem_shared>>, %arg17: memref<!tpu.dma_semaphore, #tpu.memory_space<semaphore_mem>>, %arg18: memref<!tpu.dma_semaphore, #tpu.memory_space<semaphore_mem>>) attributes {dimension_semantics = [#tpu.dimension_semantics<core_parallel>, #tpu.dimension_semantics<subcore_parallel>], iteration_bounds = array<i64: 1, 16>, scalar_prefetch = 0 : i64, scratch_operands = 11 : i64, tpu.core_type = #tpu.core_type<sc_vector_subcore>, window_params = [{transform_indices = #map}, {transform_indices = #map}, {transform_indices = #map1}, {transform_indices = #map1}, {transform_indices = #map1}, {transform_indices = #map}]} {
    %mul3A = arith.constant 160 : i32
    %mul3A_0 = arith.muli %arg1, %mul3A : i32
    %multiple_of3A = tpu.assume_multiple %mul3A_0, 8 : i32
    %eq3A = arith.constant 15 : i32
    %eq3A_1 = arith.cmpi eq, %arg1, %eq3A : i32
    %jit3A = arith.constant 100 : i32
    %jit3A_2 = arith.constant 160 : i32
    %select_n3A = arith.select %eq3A_1, %jit3A, %jit3A_2 : i32
    tpu.enqueue_dma source(%arg4 : memref<10000xi32, #tpu.memory_space<hbm>>) target(%arg11 : memref<10000xi32, #tpu.memory_space<vmem>>) target_semaphore(%arg18 : memref<!tpu.dma_semaphore, #tpu.memory_space<semaphore_mem>>)
    tpu.enqueue_dma source(%arg5 : memref<10000xi32, #tpu.memory_space<hbm>>) target(%arg12 : memref<10000xi32, #tpu.memory_space<vmem>>) target_semaphore(%arg18 : memref<!tpu.dma_semaphore, #tpu.memory_space<semaphore_mem>>)
    tpu.enqueue_dma source(%arg6 : memref<256xf32, #tpu.memory_space<hbm>>) target(%arg13 : memref<256xf32, #tpu.memory_space<vmem>>) target_semaphore(%arg18 : memref<!tpu.dma_semaphore, #tpu.memory_space<semaphore_mem>>)
    %not3A = arith.constant true
    %not3A_3 = arith.xori %eq3A_1, %not3A : i1
    %convert_element_type3A = arith.extui %not3A_3 : i1 to i32
    %cond3A = arith.constant 0 : i32
    %cond3A_4 = arith.cmpi ne, %convert_element_type3A, %cond3A : i32
    scf.if %cond3A_4 {
      %dma_start3A = arith.constant 0 : i32
      %dma_start3A_485 = arith.constant 0 : i32
      %dma_start3A_486 = tpu.memref_slice %arg8[%dma_start3A, %dma_start3A_485] : memref<160x128xi32, #tpu.memory_space<vmem>> -> memref<160x128xi32, #tpu.memory_space<vmem>>
      %dma_start3A_487 = arith.constant 0 : i32
      %dma_start3A_488 = tpu.memref_slice %arg2[%multiple_of3A, %dma_start3A_487] : memref<2500x128xi32, #tpu.memory_space<hbm>> -> memref<160x128xi32, #tpu.memory_space<hbm>>
      %dma_start3A_489 = arith.constant 0 : i32
      %dma_start3A_490 = arith.constant 0 : i32
      %dma_start3A_491 = tpu.memref_slice %arg8[%dma_start3A_489, %dma_start3A_490] : memref<160x128xi32, #tpu.memory_space<vmem>> -> memref<160x128xi32, #tpu.memory_space<vmem>>
      %dma_start3A_492 = arith.constant 0 : i32
      %dma_start3A_493 = tpu.memref_slice %arg2[%multiple_of3A, %dma_start3A_492] : memref<2500x128xi32, #tpu.memory_space<hbm>> -> memref<160x128xi32, #tpu.memory_space<hbm>>
      tpu.enqueue_dma source(%dma_start3A_493 : memref<160x128xi32, #tpu.memory_space<hbm>>) target(%dma_start3A_491 : memref<160x128xi32, #tpu.memory_space<vmem>>) target_semaphore(%arg18 : memref<!tpu.dma_semaphore, #tpu.memory_space<semaphore_mem>>)
      %dma_start3A_494 = arith.constant 0 : i32
      %dma_start3A_495 = arith.constant 0 : i32
      %dma_start3A_496 = tpu.memref_slice %arg9[%dma_start3A_494, %dma_start3A_495] : memref<160x128xi32, #tpu.memory_space<vmem>> -> memref<160x128xi32, #tpu.memory_space<vmem>>
      %dma_start3A_497 = arith.constant 0 : i32
      %dma_start3A_498 = tpu.memref_slice %arg3[%multiple_of3A, %dma_start3A_497] : memref<2500x128xi32, #tpu.memory_space<hbm>> -> memref<160x128xi32, #tpu.memory_space<hbm>>
      %dma_start3A_499 = arith.constant 0 : i32
      %dma_start3A_500 = arith.constant 0 : i32
      %dma_start3A_501 = tpu.memref_slice %arg9[%dma_start3A_499, %dma_start3A_500] : memref<160x128xi32, #tpu.memory_space<vmem>> -> memref<160x128xi32, #tpu.memory_space<vmem>>
      %dma_start3A_502 = arith.constant 0 : i32
      %dma_start3A_503 = tpu.memref_slice %arg3[%multiple_of3A, %dma_start3A_502] : memref<2500x128xi32, #tpu.memory_space<hbm>> -> memref<160x128xi32, #tpu.memory_space<hbm>>
      tpu.enqueue_dma source(%dma_start3A_503 : memref<160x128xi32, #tpu.memory_space<hbm>>) target(%dma_start3A_501 : memref<160x128xi32, #tpu.memory_space<vmem>>) target_semaphore(%arg18 : memref<!tpu.dma_semaphore, #tpu.memory_space<semaphore_mem>>)
      %dma_wait3A = arith.constant 0 : i32
      %dma_wait3A_504 = arith.constant 0 : i32
      %dma_wait3A_505 = tpu.memref_slice %arg8[%dma_wait3A, %dma_wait3A_504] : memref<160x128xi32, #tpu.memory_space<vmem>> -> memref<160x128xi32, #tpu.memory_space<vmem>>
      %dma_wait3A_506 = arith.constant 0 : i32
      %dma_wait3A_507 = tpu.memref_slice %arg2[%multiple_of3A, %dma_wait3A_506] : memref<2500x128xi32, #tpu.memory_space<hbm>> -> memref<160x128xi32, #tpu.memory_space<hbm>>
      %dma_wait3A_508 = arith.constant 0 : i32
      %dma_wait3A_509 = arith.constant 0 : i32
      %dma_wait3A_510 = tpu.memref_slice %arg8[%dma_wait3A_508, %dma_wait3A_509] : memref<160x128xi32, #tpu.memory_space<vmem>> -> memref<160x128xi32, #tpu.memory_space<vmem>>
      %dma_wait3A_511 = arith.constant 0 : i32
      %dma_wait3A_512 = tpu.memref_slice %arg2[%multiple_of3A, %dma_wait3A_511] : memref<2500x128xi32, #tpu.memory_space<hbm>> -> memref<160x128xi32, #tpu.memory_space<hbm>>
      tpu.wait_dma2 semaphore(%arg18 : memref<!tpu.dma_semaphore, #tpu.memory_space<semaphore_mem>>) src(%dma_wait3A_512 : memref<160x128xi32, #tpu.memory_space<hbm>>) dst(%dma_wait3A_510 : memref<160x128xi32, #tpu.memory_space<vmem>>)
      %dma_wait3A_513 = arith.constant 0 : i32
      %dma_wait3A_514 = arith.constant 0 : i32
      %dma_wait3A_515 = tpu.memref_slice %arg9[%dma_wait3A_513, %dma_wait3A_514] : memref<160x128xi32, #tpu.memory_space<vmem>> -> memref<160x128xi32, #tpu.memory_space<vmem>>
      %dma_wait3A_516 = arith.constant 0 : i32
      %dma_wait3A_517 = tpu.memref_slice %arg3[%multiple_of3A, %dma_wait3A_516] : memref<2500x128xi32, #tpu.memory_space<hbm>> -> memref<160x128xi32, #tpu.memory_space<hbm>>
      %dma_wait3A_518 = arith.constant 0 : i32
      %dma_wait3A_519 = arith.constant 0 : i32
      %dma_wait3A_520 = tpu.memref_slice %arg9[%dma_wait3A_518, %dma_wait3A_519] : memref<160x128xi32, #tpu.memory_space<vmem>> -> memref<160x128xi32, #tpu.memory_space<vmem>>
      %dma_wait3A_521 = arith.constant 0 : i32
      %dma_wait3A_522 = tpu.memref_slice %arg3[%multiple_of3A, %dma_wait3A_521] : memref<2500x128xi32, #tpu.memory_space<hbm>> -> memref<160x128xi32, #tpu.memory_space<hbm>>
      tpu.wait_dma2 semaphore(%arg18 : memref<!tpu.dma_semaphore, #tpu.memory_space<semaphore_mem>>) src(%dma_wait3A_522 : memref<160x128xi32, #tpu.memory_space<hbm>>) dst(%dma_wait3A_520 : memref<160x128xi32, #tpu.memory_space<vmem>>)
    } else {
    }
    %convert_element_type3A_5 = arith.extui %eq3A_1 : i1 to i32
    %cond3A_6 = arith.constant 0 : i32
    %cond3A_7 = arith.cmpi ne, %convert_element_type3A_5, %cond3A_6 : i32
    scf.if %cond3A_7 {
      %dma_start3A = arith.constant 0 : i32
      %dma_start3A_485 = arith.constant 0 : i32
      %dma_start3A_486 = tpu.memref_slice %arg8[%dma_start3A, %dma_start3A_485] : memref<160x128xi32, #tpu.memory_space<vmem>> -> memref<100x128xi32, #tpu.memory_space<vmem>>
      %dma_start3A_487 = arith.constant 2400 : i32
      %dma_start3A_488 = arith.constant 0 : i32
      %dma_start3A_489 = tpu.memref_slice %arg2[%dma_start3A_487, %dma_start3A_488] : memref<2500x128xi32, #tpu.memory_space<hbm>> -> memref<100x128xi32, #tpu.memory_space<hbm>>
      %dma_start3A_490 = arith.constant 0 : i32
      %dma_start3A_491 = arith.constant 0 : i32
      %dma_start3A_492 = tpu.memref_slice %arg8[%dma_start3A_490, %dma_start3A_491] : memref<160x128xi32, #tpu.memory_space<vmem>> -> memref<100x128xi32, #tpu.memory_space<vmem>>
      %dma_start3A_493 = arith.constant 2400 : i32
      %dma_start3A_494 = arith.constant 0 : i32
      %dma_start3A_495 = tpu.memref_slice %arg2[%dma_start3A_493, %dma_start3A_494] : memref<2500x128xi32, #tpu.memory_space<hbm>> -> memref<100x128xi32, #tpu.memory_space<hbm>>
      tpu.enqueue_dma source(%dma_start3A_495 : memref<100x128xi32, #tpu.memory_space<hbm>>) target(%dma_start3A_492 : memref<100x128xi32, #tpu.memory_space<vmem>>) target_semaphore(%arg18 : memref<!tpu.dma_semaphore, #tpu.memory_space<semaphore_mem>>)
      %dma_start3A_496 = arith.constant 0 : i32
      %dma_start3A_497 = arith.constant 0 : i32
      %dma_start3A_498 = tpu.memref_slice %arg9[%dma_start3A_496, %dma_start3A_497] : memref<160x128xi32, #tpu.memory_space<vmem>> -> memref<100x128xi32, #tpu.memory_space<vmem>>
      %dma_start3A_499 = arith.constant 2400 : i32
      %dma_start3A_500 = arith.constant 0 : i32
      %dma_start3A_501 = tpu.memref_slice %arg3[%dma_start3A_499, %dma_start3A_500] : memref<2500x128xi32, #tpu.memory_space<hbm>> -> memref<100x128xi32, #tpu.memory_space<hbm>>
      %dma_start3A_502 = arith.constant 0 : i32
      %dma_start3A_503 = arith.constant 0 : i32
      %dma_start3A_504 = tpu.memref_slice %arg9[%dma_start3A_502, %dma_start3A_503] : memref<160x128xi32, #tpu.memory_space<vmem>> -> memref<100x128xi32, #tpu.memory_space<vmem>>
      %dma_start3A_505 = arith.constant 2400 : i32
      %dma_start3A_506 = arith.constant 0 : i32
      %dma_start3A_507 = tpu.memref_slice %arg3[%dma_start3A_505, %dma_start3A_506] : memref<2500x128xi32, #tpu.memory_space<hbm>> -> memref<100x128xi32, #tpu.memory_space<hbm>>
      tpu.enqueue_dma source(%dma_start3A_507 : memref<100x128xi32, #tpu.memory_space<hbm>>) target(%dma_start3A_504 : memref<100x128xi32, #tpu.memory_space<vmem>>) target_semaphore(%arg18 : memref<!tpu.dma_semaphore, #tpu.memory_space<semaphore_mem>>)
      %dma_wait3A = arith.constant 0 : i32
      %dma_wait3A_508 = arith.constant 0 : i32
      %dma_wait3A_509 = tpu.memref_slice %arg8[%dma_wait3A, %dma_wait3A_508] : memref<160x128xi32, #tpu.memory_space<vmem>> -> memref<100x128xi32, #tpu.memory_space<vmem>>
      %dma_wait3A_510 = arith.constant 2400 : i32
      %dma_wait3A_511 = arith.constant 0 : i32
      %dma_wait3A_512 = tpu.memref_slice %arg2[%dma_wait3A_510, %dma_wait3A_511] : memref<2500x128xi32, #tpu.memory_space<hbm>> -> memref<100x128xi32, #tpu.memory_space<hbm>>
      %dma_wait3A_513 = arith.constant 0 : i32
      %dma_wait3A_514 = arith.constant 0 : i32
      %dma_wait3A_515 = tpu.memref_slice %arg8[%dma_wait3A_513, %dma_wait3A_514] : memref<160x128xi32, #tpu.memory_space<vmem>> -> memref<100x128xi32, #tpu.memory_space<vmem>>
      %dma_wait3A_516 = arith.constant 2400 : i32
      %dma_wait3A_517 = arith.constant 0 : i32
      %dma_wait3A_518 = tpu.memref_slice %arg2[%dma_wait3A_516, %dma_wait3A_517] : memref<2500x128xi32, #tpu.memory_space<hbm>> -> memref<100x128xi32, #tpu.memory_space<hbm>>
      tpu.wait_dma2 semaphore(%arg18 : memref<!tpu.dma_semaphore, #tpu.memory_space<semaphore_mem>>) src(%dma_wait3A_518 : memref<100x128xi32, #tpu.memory_space<hbm>>) dst(%dma_wait3A_515 : memref<100x128xi32, #tpu.memory_space<vmem>>)
      %dma_wait3A_519 = arith.constant 0 : i32
      %dma_wait3A_520 = arith.constant 0 : i32
      %dma_wait3A_521 = tpu.memref_slice %arg9[%dma_wait3A_519, %dma_wait3A_520] : memref<160x128xi32, #tpu.memory_space<vmem>> -> memref<100x128xi32, #tpu.memory_space<vmem>>
      %dma_wait3A_522 = arith.constant 2400 : i32
      %dma_wait3A_523 = arith.constant 0 : i32
      %dma_wait3A_524 = tpu.memref_slice %arg3[%dma_wait3A_522, %dma_wait3A_523] : memref<2500x128xi32, #tpu.memory_space<hbm>> -> memref<100x128xi32, #tpu.memory_space<hbm>>
      %dma_wait3A_525 = arith.constant 0 : i32
      %dma_wait3A_526 = arith.constant 0 : i32
      %dma_wait3A_527 = tpu.memref_slice %arg9[%dma_wait3A_525, %dma_wait3A_526] : memref<160x128xi32, #tpu.memory_space<vmem>> -> memref<100x128xi32, #tpu.memory_space<vmem>>
      %dma_wait3A_528 = arith.constant 2400 : i32
      %dma_wait3A_529 = arith.constant 0 : i32
      %dma_wait3A_530 = tpu.memref_slice %arg3[%dma_wait3A_528, %dma_wait3A_529] : memref<2500x128xi32, #tpu.memory_space<hbm>> -> memref<100x128xi32, #tpu.memory_space<hbm>>
      tpu.wait_dma2 semaphore(%arg18 : memref<!tpu.dma_semaphore, #tpu.memory_space<semaphore_mem>>) src(%dma_wait3A_530 : memref<100x128xi32, #tpu.memory_space<hbm>>) dst(%dma_wait3A_527 : memref<100x128xi32, #tpu.memory_space<vmem>>)
    } else {
    }
    %broadcast_in_dim3A = arith.constant 0.000000e+00 : f32
    %broadcast_in_dim3A_8 = vector.broadcast %broadcast_in_dim3A : f32 to vector<16xf32>
    %swap3A = arith.constant 0 : index
    %swap3A_9 = tpu.vector_load %arg15[%swap3A] {strides = array<i32>} : memref<640xf32, #tpu.memory_space<vmem>>, vector<16xf32>,
    tpu.vector_store %arg15[%swap3A], %broadcast_in_dim3A_8 {strides = array<i32>} : memref<640xf32, #tpu.memory_space<vmem>>, vector<16xf32>,
    %broadcast_in_dim3A_10 = arith.constant 0.000000e+00 : f32
    %broadcast_in_dim3A_11 = vector.broadcast %broadcast_in_dim3A_10 : f32 to vector<16xf32>
    %swap3A_12 = arith.constant 16 : index
    %swap3A_13 = tpu.vector_load %arg15[%swap3A_12] {strides = array<i32>} : memref<640xf32, #tpu.memory_space<vmem>>, vector<16xf32>,
    tpu.vector_store %arg15[%swap3A_12], %broadcast_in_dim3A_11 {strides = array<i32>} : memref<640xf32, #tpu.memory_space<vmem>>, vector<16xf32>,
    %broadcast_in_dim3A_14 = arith.constant 0.000000e+00 : f32
    %broadcast_in_dim3A_15 = vector.broadcast %broadcast_in_dim3A_14 : f32 to vector<16xf32>
    %swap3A_16 = arith.constant 32 : index
    %swap3A_17 = tpu.vector_load %arg15[%swap3A_16] {strides = array<i32>} : memref<640xf32, #tpu.memory_space<vmem>>, vector<16xf32>,
    tpu.vector_store %arg15[%swap3A_16], %broadcast_in_dim3A_15 {strides = array<i32>} : memref<640xf32, #tpu.memory_space<vmem>>, vector<16xf32>,
    %broadcast_in_dim3A_18 = arith.constant 0.000000e+00 : f32
    %broadcast_in_dim3A_19 = vector.broadcast %broadcast_in_dim3A_18 : f32 to vector<16xf32>
    %swap3A_20 = arith.constant 48 : index
    %swap3A_21 = tpu.vector_load %arg15[%swap3A_20] {strides = array<i32>} : memref<640xf32, #tpu.memory_space<vmem>>, vector<16xf32>,
    tpu.vector_store %arg15[%swap3A_20], %broadcast_in_dim3A_19 {strides = array<i32>} : memref<640xf32, #tpu.memory_space<vmem>>, vector<16xf32>,
    %broadcast_in_dim3A_22 = arith.constant 0.000000e+00 : f32
    %broadcast_in_dim3A_23 = vector.broadcast %broadcast_in_dim3A_22 : f32 to vector<16xf32>
    %swap3A_24 = arith.constant 64 : index
    %swap3A_25 = tpu.vector_load %arg15[%swap3A_24] {strides = array<i32>} : memref<640xf32, #tpu.memory_space<vmem>>, vector<16xf32>,
    tpu.vector_store %arg15[%swap3A_24], %broadcast_in_dim3A_23 {strides = array<i32>} : memref<640xf32, #tpu.memory_space<vmem>>, vector<16xf32>,
    %broadcast_in_dim3A_26 = arith.constant 0.000000e+00 : f32
    %broadcast_in_dim3A_27 = vector.broadcast %broadcast_in_dim3A_26 : f32 to vector<16xf32>
    %swap3A_28 = arith.constant 80 : index
    %swap3A_29 = tpu.vector_load %arg15[%swap3A_28] {strides = array<i32>} : memref<640xf32, #tpu.memory_space<vmem>>, vector<16xf32>,
    tpu.vector_store %arg15[%swap3A_28], %broadcast_in_dim3A_27 {strides = array<i32>} : memref<640xf32, #tpu.memory_space<vmem>>, vector<16xf32>,
    %broadcast_in_dim3A_30 = arith.constant 0.000000e+00 : f32
    %broadcast_in_dim3A_31 = vector.broadcast %broadcast_in_dim3A_30 : f32 to vector<16xf32>
    %swap3A_32 = arith.constant 96 : index
    %swap3A_33 = tpu.vector_load %arg15[%swap3A_32] {strides = array<i32>} : memref<640xf32, #tpu.memory_space<vmem>>, vector<16xf32>,
    tpu.vector_store %arg15[%swap3A_32], %broadcast_in_dim3A_31 {strides = array<i32>} : memref<640xf32, #tpu.memory_space<vmem>>, vector<16xf32>,
    %broadcast_in_dim3A_34 = arith.constant 0.000000e+00 : f32
    %broadcast_in_dim3A_35 = vector.broadcast %broadcast_in_dim3A_34 : f32 to vector<16xf32>
    %swap3A_36 = arith.constant 112 : index
    %swap3A_37 = tpu.vector_load %arg15[%swap3A_36] {strides = array<i32>} : memref<640xf32, #tpu.memory_space<vmem>>, vector<16xf32>,
    tpu.vector_store %arg15[%swap3A_36], %broadcast_in_dim3A_35 {strides = array<i32>} : memref<640xf32, #tpu.memory_space<vmem>>, vector<16xf32>,
    %broadcast_in_dim3A_38 = arith.constant 0.000000e+00 : f32
    %broadcast_in_dim3A_39 = vector.broadcast %broadcast_in_dim3A_38 : f32 to vector<16xf32>
    %swap3A_40 = arith.constant 128 : index
    %swap3A_41 = tpu.vector_load %arg15[%swap3A_40] {strides = array<i32>} : memref<640xf32, #tpu.memory_space<vmem>>, vector<16xf32>,
    tpu.vector_store %arg15[%swap3A_40], %broadcast_in_dim3A_39 {strides = array<i32>} : memref<640xf32, #tpu.memory_space<vmem>>, vector<16xf32>,
    %broadcast_in_dim3A_42 = arith.constant 0.000000e+00 : f32
    %broadcast_in_dim3A_43 = vector.broadcast %broadcast_in_dim3A_42 : f32 to vector<16xf32>
    %swap3A_44 = arith.constant 144 : index
    %swap3A_45 = tpu.vector_load %arg15[%swap3A_44] {strides = array<i32>} : memref<640xf32, #tpu.memory_space<vmem>>, vector<16xf32>,
    tpu.vector_store %arg15[%swap3A_44], %broadcast_in_dim3A_43 {strides = array<i32>} : memref<640xf32, #tpu.memory_space<vmem>>, vector<16xf32>,
    %broadcast_in_dim3A_46 = arith.constant 0.000000e+00 : f32
    %broadcast_in_dim3A_47 = vector.broadcast %broadcast_in_dim3A_46 : f32 to vector<16xf32>
    %swap3A_48 = arith.constant 160 : index
    %swap3A_49 = tpu.vector_load %arg15[%swap3A_48] {strides = array<i32>} : memref<640xf32, #tpu.memory_space<vmem>>, vector<16xf32>,
    tpu.vector_store %arg15[%swap3A_48], %broadcast_in_dim3A_47 {strides = array<i32>} : memref<640xf32, #tpu.memory_space<vmem>>, vector<16xf32>,
    %broadcast_in_dim3A_50 = arith.constant 0.000000e+00 : f32
    %broadcast_in_dim3A_51 = vector.broadcast %broadcast_in_dim3A_50 : f32 to vector<16xf32>
    %swap3A_52 = arith.constant 176 : index
    %swap3A_53 = tpu.vector_load %arg15[%swap3A_52] {strides = array<i32>} : memref<640xf32, #tpu.memory_space<vmem>>, vector<16xf32>,
    tpu.vector_store %arg15[%swap3A_52], %broadcast_in_dim3A_51 {strides = array<i32>} : memref<640xf32, #tpu.memory_space<vmem>>, vector<16xf32>,
    %broadcast_in_dim3A_54 = arith.constant 0.000000e+00 : f32
    %broadcast_in_dim3A_55 = vector.broadcast %broadcast_in_dim3A_54 : f32 to vector<16xf32>
    %swap3A_56 = arith.constant 192 : index
    %swap3A_57 = tpu.vector_load %arg15[%swap3A_56] {strides = array<i32>} : memref<640xf32, #tpu.memory_space<vmem>>, vector<16xf32>,
    tpu.vector_store %arg15[%swap3A_56], %broadcast_in_dim3A_55 {strides = array<i32>} : memref<640xf32, #tpu.memory_space<vmem>>, vector<16xf32>,
    %broadcast_in_dim3A_58 = arith.constant 0.000000e+00 : f32
    %broadcast_in_dim3A_59 = vector.broadcast %broadcast_in_dim3A_58 : f32 to vector<16xf32>
    %swap3A_60 = arith.constant 208 : index
    %swap3A_61 = tpu.vector_load %arg15[%swap3A_60] {strides = array<i32>} : memref<640xf32, #tpu.memory_space<vmem>>, vector<16xf32>,
    tpu.vector_store %arg15[%swap3A_60], %broadcast_in_dim3A_59 {strides = array<i32>} : memref<640xf32, #tpu.memory_space<vmem>>, vector<16xf32>,
    %broadcast_in_dim3A_62 = arith.constant 0.000000e+00 : f32
    %broadcast_in_dim3A_63 = vector.broadcast %broadcast_in_dim3A_62 : f32 to vector<16xf32>
    %swap3A_64 = arith.constant 224 : index
    %swap3A_65 = tpu.vector_load %arg15[%swap3A_64] {strides = array<i32>} : memref<640xf32, #tpu.memory_space<vmem>>, vector<16xf32>,
    tpu.vector_store %arg15[%swap3A_64], %broadcast_in_dim3A_63 {strides = array<i32>} : memref<640xf32, #tpu.memory_space<vmem>>, vector<16xf32>,
    %broadcast_in_dim3A_66 = arith.constant 0.000000e+00 : f32
    %broadcast_in_dim3A_67 = vector.broadcast %broadcast_in_dim3A_66 : f32 to vector<16xf32>
    %swap3A_68 = arith.constant 240 : index
    %swap3A_69 = tpu.vector_load %arg15[%swap3A_68] {strides = array<i32>} : memref<640xf32, #tpu.memory_space<vmem>>, vector<16xf32>,
    tpu.vector_store %arg15[%swap3A_68], %broadcast_in_dim3A_67 {strides = array<i32>} : memref<640xf32, #tpu.memory_space<vmem>>, vector<16xf32>,
    %broadcast_in_dim3A_70 = arith.constant 0.000000e+00 : f32
    %broadcast_in_dim3A_71 = vector.broadcast %broadcast_in_dim3A_70 : f32 to vector<16xf32>
    %swap3A_72 = arith.constant 256 : index
    %swap3A_73 = tpu.vector_load %arg15[%swap3A_72] {strides = array<i32>} : memref<640xf32, #tpu.memory_space<vmem>>, vector<16xf32>,
    tpu.vector_store %arg15[%swap3A_72], %broadcast_in_dim3A_71 {strides = array<i32>} : memref<640xf32, #tpu.memory_space<vmem>>, vector<16xf32>,
    %broadcast_in_dim3A_74 = arith.constant 0.000000e+00 : f32
    %broadcast_in_dim3A_75 = vector.broadcast %broadcast_in_dim3A_74 : f32 to vector<16xf32>
    %swap3A_76 = arith.constant 272 : index
    %swap3A_77 = tpu.vector_load %arg15[%swap3A_76] {strides = array<i32>} : memref<640xf32, #tpu.memory_space<vmem>>, vector<16xf32>,
    tpu.vector_store %arg15[%swap3A_76], %broadcast_in_dim3A_75 {strides = array<i32>} : memref<640xf32, #tpu.memory_space<vmem>>, vector<16xf32>,
    %broadcast_in_dim3A_78 = arith.constant 0.000000e+00 : f32
    %broadcast_in_dim3A_79 = vector.broadcast %broadcast_in_dim3A_78 : f32 to vector<16xf32>
    %swap3A_80 = arith.constant 288 : index
    %swap3A_81 = tpu.vector_load %arg15[%swap3A_80] {strides = array<i32>} : memref<640xf32, #tpu.memory_space<vmem>>, vector<16xf32>,
    tpu.vector_store %arg15[%swap3A_80], %broadcast_in_dim3A_79 {strides = array<i32>} : memref<640xf32, #tpu.memory_space<vmem>>, vector<16xf32>,
    %broadcast_in_dim3A_82 = arith.constant 0.000000e+00 : f32
    %broadcast_in_dim3A_83 = vector.broadcast %broadcast_in_dim3A_82 : f32 to vector<16xf32>
    %swap3A_84 = arith.constant 304 : index
    %swap3A_85 = tpu.vector_load %arg15[%swap3A_84] {strides = array<i32>} : memref<640xf32, #tpu.memory_space<vmem>>, vector<16xf32>,
    tpu.vector_store %arg15[%swap3A_84], %broadcast_in_dim3A_83 {strides = array<i32>} : memref<640xf32, #tpu.memory_space<vmem>>, vector<16xf32>,
    %broadcast_in_dim3A_86 = arith.constant 0.000000e+00 : f32
    %broadcast_in_dim3A_87 = vector.broadcast %broadcast_in_dim3A_86 : f32 to vector<16xf32>
    %swap3A_88 = arith.constant 320 : index
    %swap3A_89 = tpu.vector_load %arg15[%swap3A_88] {strides = array<i32>} : memref<640xf32, #tpu.memory_space<vmem>>, vector<16xf32>,
    tpu.vector_store %arg15[%swap3A_88], %broadcast_in_dim3A_87 {strides = array<i32>} : memref<640xf32, #tpu.memory_space<vmem>>, vector<16xf32>,
    %broadcast_in_dim3A_90 = arith.constant 0.000000e+00 : f32
    %broadcast_in_dim3A_91 = vector.broadcast %broadcast_in_dim3A_90 : f32 to vector<16xf32>
    %swap3A_92 = arith.constant 336 : index
    %swap3A_93 = tpu.vector_load %arg15[%swap3A_92] {strides = array<i32>} : memref<640xf32, #tpu.memory_space<vmem>>, vector<16xf32>,
    tpu.vector_store %arg15[%swap3A_92], %broadcast_in_dim3A_91 {strides = array<i32>} : memref<640xf32, #tpu.memory_space<vmem>>, vector<16xf32>,
    %broadcast_in_dim3A_94 = arith.constant 0.000000e+00 : f32
    %broadcast_in_dim3A_95 = vector.broadcast %broadcast_in_dim3A_94 : f32 to vector<16xf32>
    %swap3A_96 = arith.constant 352 : index
    %swap3A_97 = tpu.vector_load %arg15[%swap3A_96] {strides = array<i32>} : memref<640xf32, #tpu.memory_space<vmem>>, vector<16xf32>,
    tpu.vector_store %arg15[%swap3A_96], %broadcast_in_dim3A_95 {strides = array<i32>} : memref<640xf32, #tpu.memory_space<vmem>>, vector<16xf32>,
    %broadcast_in_dim3A_98 = arith.constant 0.000000e+00 : f32
    %broadcast_in_dim3A_99 = vector.broadcast %broadcast_in_dim3A_98 : f32 to vector<16xf32>
    %swap3A_100 = arith.constant 368 : index
    %swap3A_101 = tpu.vector_load %arg15[%swap3A_100] {strides = array<i32>} : memref<640xf32, #tpu.memory_space<vmem>>, vector<16xf32>,
    tpu.vector_store %arg15[%swap3A_100], %broadcast_in_dim3A_99 {strides = array<i32>} : memref<640xf32, #tpu.memory_space<vmem>>, vector<16xf32>,
    %broadcast_in_dim3A_102 = arith.constant 0.000000e+00 : f32
    %broadcast_in_dim3A_103 = vector.broadcast %broadcast_in_dim3A_102 : f32 to vector<16xf32>
    %swap3A_104 = arith.constant 384 : index
    %swap3A_105 = tpu.vector_load %arg15[%swap3A_104] {strides = array<i32>} : memref<640xf32, #tpu.memory_space<vmem>>, vector<16xf32>,
    tpu.vector_store %arg15[%swap3A_104], %broadcast_in_dim3A_103 {strides = array<i32>} : memref<640xf32, #tpu.memory_space<vmem>>, vector<16xf32>,
    %broadcast_in_dim3A_106 = arith.constant 0.000000e+00 : f32
    %broadcast_in_dim3A_107 = vector.broadcast %broadcast_in_dim3A_106 : f32 to vector<16xf32>
    %swap3A_108 = arith.constant 400 : index
    %swap3A_109 = tpu.vector_load %arg15[%swap3A_108] {strides = array<i32>} : memref<640xf32, #tpu.memory_space<vmem>>, vector<16xf32>,
    tpu.vector_store %arg15[%swap3A_108], %broadcast_in_dim3A_107 {strides = array<i32>} : memref<640xf32, #tpu.memory_space<vmem>>, vector<16xf32>,
    %broadcast_in_dim3A_110 = arith.constant 0.000000e+00 : f32
    %broadcast_in_dim3A_111 = vector.broadcast %broadcast_in_dim3A_110 : f32 to vector<16xf32>
    %swap3A_112 = arith.constant 416 : index
    %swap3A_113 = tpu.vector_load %arg15[%swap3A_112] {strides = array<i32>} : memref<640xf32, #tpu.memory_space<vmem>>, vector<16xf32>,
    tpu.vector_store %arg15[%swap3A_112], %broadcast_in_dim3A_111 {strides = array<i32>} : memref<640xf32, #tpu.memory_space<vmem>>, vector<16xf32>,
    %broadcast_in_dim3A_114 = arith.constant 0.000000e+00 : f32
    %broadcast_in_dim3A_115 = vector.broadcast %broadcast_in_dim3A_114 : f32 to vector<16xf32>
    %swap3A_116 = arith.constant 432 : index
    %swap3A_117 = tpu.vector_load %arg15[%swap3A_116] {strides = array<i32>} : memref<640xf32, #tpu.memory_space<vmem>>, vector<16xf32>,
    tpu.vector_store %arg15[%swap3A_116], %broadcast_in_dim3A_115 {strides = array<i32>} : memref<640xf32, #tpu.memory_space<vmem>>, vector<16xf32>,
    %broadcast_in_dim3A_118 = arith.constant 0.000000e+00 : f32
    %broadcast_in_dim3A_119 = vector.broadcast %broadcast_in_dim3A_118 : f32 to vector<16xf32>
    %swap3A_120 = arith.constant 448 : index
    %swap3A_121 = tpu.vector_load %arg15[%swap3A_120] {strides = array<i32>} : memref<640xf32, #tpu.memory_space<vmem>>, vector<16xf32>,
    tpu.vector_store %arg15[%swap3A_120], %broadcast_in_dim3A_119 {strides = array<i32>} : memref<640xf32, #tpu.memory_space<vmem>>, vector<16xf32>,
    %broadcast_in_dim3A_122 = arith.constant 0.000000e+00 : f32
    %broadcast_in_dim3A_123 = vector.broadcast %broadcast_in_dim3A_122 : f32 to vector<16xf32>
    %swap3A_124 = arith.constant 464 : index
    %swap3A_125 = tpu.vector_load %arg15[%swap3A_124] {strides = array<i32>} : memref<640xf32, #tpu.memory_space<vmem>>, vector<16xf32>,
    tpu.vector_store %arg15[%swap3A_124], %broadcast_in_dim3A_123 {strides = array<i32>} : memref<640xf32, #tpu.memory_space<vmem>>, vector<16xf32>,
    %broadcast_in_dim3A_126 = arith.constant 0.000000e+00 : f32
    %broadcast_in_dim3A_127 = vector.broadcast %broadcast_in_dim3A_126 : f32 to vector<16xf32>
    %swap3A_128 = arith.constant 480 : index
    %swap3A_129 = tpu.vector_load %arg15[%swap3A_128] {strides = array<i32>} : memref<640xf32, #tpu.memory_space<vmem>>, vector<16xf32>,
    tpu.vector_store %arg15[%swap3A_128], %broadcast_in_dim3A_127 {strides = array<i32>} : memref<640xf32, #tpu.memory_space<vmem>>, vector<16xf32>,
    %broadcast_in_dim3A_130 = arith.constant 0.000000e+00 : f32
    %broadcast_in_dim3A_131 = vector.broadcast %broadcast_in_dim3A_130 : f32 to vector<16xf32>
    %swap3A_132 = arith.constant 496 : index
    %swap3A_133 = tpu.vector_load %arg15[%swap3A_132] {strides = array<i32>} : memref<640xf32, #tpu.memory_space<vmem>>, vector<16xf32>,
    tpu.vector_store %arg15[%swap3A_132], %broadcast_in_dim3A_131 {strides = array<i32>} : memref<640xf32, #tpu.memory_space<vmem>>, vector<16xf32>,
    %broadcast_in_dim3A_134 = arith.constant 0.000000e+00 : f32
    %broadcast_in_dim3A_135 = vector.broadcast %broadcast_in_dim3A_134 : f32 to vector<16xf32>
    %swap3A_136 = arith.constant 512 : index
    %swap3A_137 = tpu.vector_load %arg15[%swap3A_136] {strides = array<i32>} : memref<640xf32, #tpu.memory_space<vmem>>, vector<16xf32>,
    tpu.vector_store %arg15[%swap3A_136], %broadcast_in_dim3A_135 {strides = array<i32>} : memref<640xf32, #tpu.memory_space<vmem>>, vector<16xf32>,
    %broadcast_in_dim3A_138 = arith.constant 0.000000e+00 : f32
    %broadcast_in_dim3A_139 = vector.broadcast %broadcast_in_dim3A_138 : f32 to vector<16xf32>
    %swap3A_140 = arith.constant 528 : index
    %swap3A_141 = tpu.vector_load %arg15[%swap3A_140] {strides = array<i32>} : memref<640xf32, #tpu.memory_space<vmem>>, vector<16xf32>,
    tpu.vector_store %arg15[%swap3A_140], %broadcast_in_dim3A_139 {strides = array<i32>} : memref<640xf32, #tpu.memory_space<vmem>>, vector<16xf32>,
    %broadcast_in_dim3A_142 = arith.constant 0.000000e+00 : f32
    %broadcast_in_dim3A_143 = vector.broadcast %broadcast_in_dim3A_142 : f32 to vector<16xf32>
    %swap3A_144 = arith.constant 544 : index
    %swap3A_145 = tpu.vector_load %arg15[%swap3A_144] {strides = array<i32>} : memref<640xf32, #tpu.memory_space<vmem>>, vector<16xf32>,
    tpu.vector_store %arg15[%swap3A_144], %broadcast_in_dim3A_143 {strides = array<i32>} : memref<640xf32, #tpu.memory_space<vmem>>, vector<16xf32>,
    %broadcast_in_dim3A_146 = arith.constant 0.000000e+00 : f32
    %broadcast_in_dim3A_147 = vector.broadcast %broadcast_in_dim3A_146 : f32 to vector<16xf32>
    %swap3A_148 = arith.constant 560 : index
    %swap3A_149 = tpu.vector_load %arg15[%swap3A_148] {strides = array<i32>} : memref<640xf32, #tpu.memory_space<vmem>>, vector<16xf32>,
    tpu.vector_store %arg15[%swap3A_148], %broadcast_in_dim3A_147 {strides = array<i32>} : memref<640xf32, #tpu.memory_space<vmem>>, vector<16xf32>,
    %broadcast_in_dim3A_150 = arith.constant 0.000000e+00 : f32
    %broadcast_in_dim3A_151 = vector.broadcast %broadcast_in_dim3A_150 : f32 to vector<16xf32>
    %swap3A_152 = arith.constant 576 : index
    %swap3A_153 = tpu.vector_load %arg15[%swap3A_152] {strides = array<i32>} : memref<640xf32, #tpu.memory_space<vmem>>, vector<16xf32>,
    tpu.vector_store %arg15[%swap3A_152], %broadcast_in_dim3A_151 {strides = array<i32>} : memref<640xf32, #tpu.memory_space<vmem>>, vector<16xf32>,
    %broadcast_in_dim3A_154 = arith.constant 0.000000e+00 : f32
    %broadcast_in_dim3A_155 = vector.broadcast %broadcast_in_dim3A_154 : f32 to vector<16xf32>
    %swap3A_156 = arith.constant 592 : index
    %swap3A_157 = tpu.vector_load %arg15[%swap3A_156] {strides = array<i32>} : memref<640xf32, #tpu.memory_space<vmem>>, vector<16xf32>,
    tpu.vector_store %arg15[%swap3A_156], %broadcast_in_dim3A_155 {strides = array<i32>} : memref<640xf32, #tpu.memory_space<vmem>>, vector<16xf32>,
    %broadcast_in_dim3A_158 = arith.constant 0.000000e+00 : f32
    %broadcast_in_dim3A_159 = vector.broadcast %broadcast_in_dim3A_158 : f32 to vector<16xf32>
    %swap3A_160 = arith.constant 608 : index
    %swap3A_161 = tpu.vector_load %arg15[%swap3A_160] {strides = array<i32>} : memref<640xf32, #tpu.memory_space<vmem>>, vector<16xf32>,
    tpu.vector_store %arg15[%swap3A_160], %broadcast_in_dim3A_159 {strides = array<i32>} : memref<640xf32, #tpu.memory_space<vmem>>, vector<16xf32>,
    %broadcast_in_dim3A_162 = arith.constant 0.000000e+00 : f32
    %broadcast_in_dim3A_163 = vector.broadcast %broadcast_in_dim3A_162 : f32 to vector<16xf32>
    %swap3A_164 = arith.constant 624 : index
    %swap3A_165 = tpu.vector_load %arg15[%swap3A_164] {strides = array<i32>} : memref<640xf32, #tpu.memory_space<vmem>>, vector<16xf32>,
    tpu.vector_store %arg15[%swap3A_164], %broadcast_in_dim3A_163 {strides = array<i32>} : memref<640xf32, #tpu.memory_space<vmem>>, vector<16xf32>,
    tpu.wait_dma2 semaphore(%arg18 : memref<!tpu.dma_semaphore, #tpu.memory_space<semaphore_mem>>) src(%arg4 : memref<10000xi32, #tpu.memory_space<hbm>>) dst(%arg11 : memref<10000xi32, #tpu.memory_space<vmem>>)
    tpu.wait_dma2 semaphore(%arg18 : memref<!tpu.dma_semaphore, #tpu.memory_space<semaphore_mem>>) src(%arg5 : memref<10000xi32, #tpu.memory_space<hbm>>) dst(%arg12 : memref<10000xi32, #tpu.memory_space<vmem>>)
    tpu.wait_dma2 semaphore(%arg18 : memref<!tpu.dma_semaphore, #tpu.memory_space<semaphore_mem>>) src(%arg6 : memref<256xf32, #tpu.memory_space<hbm>>) dst(%arg13 : memref<256xf32, #tpu.memory_space<vmem>>)
    %mul3A_166 = arith.constant 640 : i32
    %mul3A_167 = arith.muli %arg1, %mul3A_166 : i32
    "tpu.region"() ({
      %run_scoped3A = tpu.sem_alloc : memref<!tpu.dma_semaphore, #tpu.memory_space<semaphore_mem>>
      %dma_start3A = tpu.memref_slice %arg16[%mul3A_167] : memref<10240xf32, #tpu.memory_space<vmem_shared>> -> memref<640xf32, #tpu.memory_space<vmem_shared>>
      %dma_start3A_485 = tpu.memref_slice %arg16[%mul3A_167] : memref<10240xf32, #tpu.memory_space<vmem_shared>> -> memref<640xf32, #tpu.memory_space<vmem_shared>>
      tpu.enqueue_dma source(%arg15 : memref<640xf32, #tpu.memory_space<vmem>>) target(%dma_start3A_485 : memref<640xf32, #tpu.memory_space<vmem_shared>>) target_semaphore(%run_scoped3A : memref<!tpu.dma_semaphore, #tpu.memory_space<semaphore_mem>>)
      %dma_wait3A = tpu.memref_slice %arg16[%mul3A_167] : memref<10240xf32, #tpu.memory_space<vmem_shared>> -> memref<640xf32, #tpu.memory_space<vmem_shared>>
      %dma_wait3A_486 = tpu.memref_slice %arg16[%mul3A_167] : memref<10240xf32, #tpu.memory_space<vmem_shared>> -> memref<640xf32, #tpu.memory_space<vmem_shared>>
      tpu.wait_dma2 semaphore(%run_scoped3A : memref<!tpu.dma_semaphore, #tpu.memory_space<semaphore_mem>>) src(%arg15 : memref<640xf32, #tpu.memory_space<vmem>>) dst(%dma_wait3A_486 : memref<640xf32, #tpu.memory_space<vmem_shared>>)
      tpu.yield
    }) : () -> ()
    %barrier3A = arith.constant 0 : index
    tpu.barrier barrier_id(%barrier3A)
    %scan3A = arith.constant 0 : i32
    %scan3A_168 = arith.constant 0 : i32
    %scan3A_169 = arith.constant 16 : i32
    %scan3A_170 = arith.addi %scan3A_168, %scan3A_169 : i32
    %scan3A_171 = arith.constant 1 : i32
    scf.for %scan3A_485 = %scan3A_168 to %scan3A_170 step %scan3A_171  : i32 {
      %get3A_486 = arith.index_cast %scan3A_485 : i32 to index
      %get3A_487 = arith.constant 0 : index
      %get3A_488 = tpu.vector_load %arg8[%get3A_486, %get3A_487] {strides = array<i32>} : memref<160x128xi32, #tpu.memory_space<vmem>>, vector<16xi32>,
      %get3A_489 = arith.index_cast %scan3A_485 : i32 to index
      %get3A_490 = arith.constant 0 : index
      %get3A_491 = tpu.vector_load %arg9[%get3A_489, %get3A_490] {strides = array<i32>} : memref<160x128xi32, #tpu.memory_space<vmem>>, vector<16xi32>,
      %gather3A = tpu.vector_load_idx %arg12[%get3A_488] : memref<10000xi32, #tpu.memory_space<vmem>>[vector<16xi32>], vector<16xi32>,
      %gather3A_492 = tpu.vector_load_idx %arg11[%get3A_491] : memref<10000xi32, #tpu.memory_space<vmem>>[vector<16xi32>], vector<16xi32>,
      %add3A = arith.addi %gather3A, %gather3A_492 : vector<16xi32>
      %gather3A_493 = tpu.vector_load_idx %arg13[%add3A] : memref<256xf32, #tpu.memory_space<vmem>>[vector<16xi32>], vector<16xf32>,
      %swap3A_494 = arith.index_cast %scan3A_485 : i32 to index
      %swap3A_495 = arith.constant 0 : index
      %swap3A_496 = tpu.vector_load %arg10[%swap3A_494, %swap3A_495] {strides = array<i32>} : memref<160x128xf32, #tpu.memory_space<vmem>>, vector<16xf32>,
      tpu.vector_store %arg10[%swap3A_494, %swap3A_495], %gather3A_493 {strides = array<i32>} : memref<160x128xf32, #tpu.memory_space<vmem>>, vector<16xf32>,
      %get3A_497 = arith.index_cast %scan3A_485 : i32 to index
      %get3A_498 = arith.constant 16 : index
      %get3A_499 = tpu.vector_load %arg8[%get3A_497, %get3A_498] {strides = array<i32>} : memref<160x128xi32, #tpu.memory_space<vmem>>, vector<16xi32>,
      %get3A_500 = arith.index_cast %scan3A_485 : i32 to index
      %get3A_501 = arith.constant 16 : index
      %get3A_502 = tpu.vector_load %arg9[%get3A_500, %get3A_501] {strides = array<i32>} : memref<160x128xi32, #tpu.memory_space<vmem>>, vector<16xi32>,
      %gather3A_503 = tpu.vector_load_idx %arg12[%get3A_499] : memref<10000xi32, #tpu.memory_space<vmem>>[vector<16xi32>], vector<16xi32>,
      %gather3A_504 = tpu.vector_load_idx %arg11[%get3A_502] : memref<10000xi32, #tpu.memory_space<vmem>>[vector<16xi32>], vector<16xi32>,
      %add3A_505 = arith.addi %gather3A_503, %gather3A_504 : vector<16xi32>
      %gather3A_506 = tpu.vector_load_idx %arg13[%add3A_505] : memref<256xf32, #tpu.memory_space<vmem>>[vector<16xi32>], vector<16xf32>,
      %swap3A_507 = arith.index_cast %scan3A_485 : i32 to index
      %swap3A_508 = arith.constant 16 : index
      %swap3A_509 = tpu.vector_load %arg10[%swap3A_507, %swap3A_508] {strides = array<i32>} : memref<160x128xf32, #tpu.memory_space<vmem>>, vector<16xf32>,
      tpu.vector_store %arg10[%swap3A_507, %swap3A_508], %gather3A_506 {strides = array<i32>} : memref<160x128xf32, #tpu.memory_space<vmem>>, vector<16xf32>,
      %get3A_510 = arith.index_cast %scan3A_485 : i32 to index
      %get3A_511 = arith.constant 32 : index
      %get3A_512 = tpu.vector_load %arg8[%get3A_510, %get3A_511] {strides = array<i32>} : memref<160x128xi32, #tpu.memory_space<vmem>>, vector<16xi32>,
      %get3A_513 = arith.index_cast %scan3A_485 : i32 to index
      %get3A_514 = arith.constant 32 : index
      %get3A_515 = tpu.vector_load %arg9[%get3A_513, %get3A_514] {strides = array<i32>} : memref<160x128xi32, #tpu.memory_space<vmem>>, vector<16xi32>,
      %gather3A_516 = tpu.vector_load_idx %arg12[%get3A_512] : memref<10000xi32, #tpu.memory_space<vmem>>[vector<16xi32>], vector<16xi32>,
      %gather3A_517 = tpu.vector_load_idx %arg11[%get3A_515] : memref<10000xi32, #tpu.memory_space<vmem>>[vector<16xi32>], vector<16xi32>,
      %add3A_518 = arith.addi %gather3A_516, %gather3A_517 : vector<16xi32>
      %gather3A_519 = tpu.vector_load_idx %arg13[%add3A_518] : memref<256xf32, #tpu.memory_space<vmem>>[vector<16xi32>], vector<16xf32>,
      %swap3A_520 = arith.index_cast %scan3A_485 : i32 to index
      %swap3A_521 = arith.constant 32 : index
      %swap3A_522 = tpu.vector_load %arg10[%swap3A_520, %swap3A_521] {strides = array<i32>} : memref<160x128xf32, #tpu.memory_space<vmem>>, vector<16xf32>,
      tpu.vector_store %arg10[%swap3A_520, %swap3A_521], %gather3A_519 {strides = array<i32>} : memref<160x128xf32, #tpu.memory_space<vmem>>, vector<16xf32>,
      %get3A_523 = arith.index_cast %scan3A_485 : i32 to index
      %get3A_524 = arith.constant 48 : index
      %get3A_525 = tpu.vector_load %arg8[%get3A_523, %get3A_524] {strides = array<i32>} : memref<160x128xi32, #tpu.memory_space<vmem>>, vector<16xi32>,
      %get3A_526 = arith.index_cast %scan3A_485 : i32 to index
      %get3A_527 = arith.constant 48 : index
      %get3A_528 = tpu.vector_load %arg9[%get3A_526, %get3A_527] {strides = array<i32>} : memref<160x128xi32, #tpu.memory_space<vmem>>, vector<16xi32>,
      %gather3A_529 = tpu.vector_load_idx %arg12[%get3A_525] : memref<10000xi32, #tpu.memory_space<vmem>>[vector<16xi32>], vector<16xi32>,
      %gather3A_530 = tpu.vector_load_idx %arg11[%get3A_528] : memref<10000xi32, #tpu.memory_space<vmem>>[vector<16xi32>], vector<16xi32>,
      %add3A_531 = arith.addi %gather3A_529, %gather3A_530 : vector<16xi32>
      %gather3A_532 = tpu.vector_load_idx %arg13[%add3A_531] : memref<256xf32, #tpu.memory_space<vmem>>[vector<16xi32>], vector<16xf32>,
      %swap3A_533 = arith.index_cast %scan3A_485 : i32 to index
      %swap3A_534 = arith.constant 48 : index
      %swap3A_535 = tpu.vector_load %arg10[%swap3A_533, %swap3A_534] {strides = array<i32>} : memref<160x128xf32, #tpu.memory_space<vmem>>, vector<16xf32>,
      tpu.vector_store %arg10[%swap3A_533, %swap3A_534], %gather3A_532 {strides = array<i32>} : memref<160x128xf32, #tpu.memory_space<vmem>>, vector<16xf32>,
      %get3A_536 = arith.index_cast %scan3A_485 : i32 to index
      %get3A_537 = arith.constant 64 : index
      %get3A_538 = tpu.vector_load %arg8[%get3A_536, %get3A_537] {strides = array<i32>} : memref<160x128xi32, #tpu.memory_space<vmem>>, vector<16xi32>,
      %get3A_539 = arith.index_cast %scan3A_485 : i32 to index
      %get3A_540 = arith.constant 64 : index
      %get3A_541 = tpu.vector_load %arg9[%get3A_539, %get3A_540] {strides = array<i32>} : memref<160x128xi32, #tpu.memory_space<vmem>>, vector<16xi32>,
      %gather3A_542 = tpu.vector_load_idx %arg12[%get3A_538] : memref<10000xi32, #tpu.memory_space<vmem>>[vector<16xi32>], vector<16xi32>,
      %gather3A_543 = tpu.vector_load_idx %arg11[%get3A_541] : memref<10000xi32, #tpu.memory_space<vmem>>[vector<16xi32>], vector<16xi32>,
      %add3A_544 = arith.addi %gather3A_542, %gather3A_543 : vector<16xi32>
      %gather3A_545 = tpu.vector_load_idx %arg13[%add3A_544] : memref<256xf32, #tpu.memory_space<vmem>>[vector<16xi32>], vector<16xf32>,
      %swap3A_546 = arith.index_cast %scan3A_485 : i32 to index
      %swap3A_547 = arith.constant 64 : index
      %swap3A_548 = tpu.vector_load %arg10[%swap3A_546, %swap3A_547] {strides = array<i32>} : memref<160x128xf32, #tpu.memory_space<vmem>>, vector<16xf32>,
      tpu.vector_store %arg10[%swap3A_546, %swap3A_547], %gather3A_545 {strides = array<i32>} : memref<160x128xf32, #tpu.memory_space<vmem>>, vector<16xf32>,
      %get3A_549 = arith.index_cast %scan3A_485 : i32 to index
      %get3A_550 = arith.constant 80 : index
      %get3A_551 = tpu.vector_load %arg8[%get3A_549, %get3A_550] {strides = array<i32>} : memref<160x128xi32, #tpu.memory_space<vmem>>, vector<16xi32>,
      %get3A_552 = arith.index_cast %scan3A_485 : i32 to index
      %get3A_553 = arith.constant 80 : index
      %get3A_554 = tpu.vector_load %arg9[%get3A_552, %get3A_553] {strides = array<i32>} : memref<160x128xi32, #tpu.memory_space<vmem>>, vector<16xi32>,
      %gather3A_555 = tpu.vector_load_idx %arg12[%get3A_551] : memref<10000xi32, #tpu.memory_space<vmem>>[vector<16xi32>], vector<16xi32>,
      %gather3A_556 = tpu.vector_load_idx %arg11[%get3A_554] : memref<10000xi32, #tpu.memory_space<vmem>>[vector<16xi32>], vector<16xi32>,
      %add3A_557 = arith.addi %gather3A_555, %gather3A_556 : vector<16xi32>
      %gather3A_558 = tpu.vector_load_idx %arg13[%add3A_557] : memref<256xf32, #tpu.memory_space<vmem>>[vector<16xi32>], vector<16xf32>,
      %swap3A_559 = arith.index_cast %scan3A_485 : i32 to index
      %swap3A_560 = arith.constant 80 : index
      %swap3A_561 = tpu.vector_load %arg10[%swap3A_559, %swap3A_560] {strides = array<i32>} : memref<160x128xf32, #tpu.memory_space<vmem>>, vector<16xf32>,
      tpu.vector_store %arg10[%swap3A_559, %swap3A_560], %gather3A_558 {strides = array<i32>} : memref<160x128xf32, #tpu.memory_space<vmem>>, vector<16xf32>,
      %get3A_562 = arith.index_cast %scan3A_485 : i32 to index
      %get3A_563 = arith.constant 96 : index
      %get3A_564 = tpu.vector_load %arg8[%get3A_562, %get3A_563] {strides = array<i32>} : memref<160x128xi32, #tpu.memory_space<vmem>>, vector<16xi32>,
      %get3A_565 = arith.index_cast %scan3A_485 : i32 to index
      %get3A_566 = arith.constant 96 : index
      %get3A_567 = tpu.vector_load %arg9[%get3A_565, %get3A_566] {strides = array<i32>} : memref<160x128xi32, #tpu.memory_space<vmem>>, vector<16xi32>,
      %gather3A_568 = tpu.vector_load_idx %arg12[%get3A_564] : memref<10000xi32, #tpu.memory_space<vmem>>[vector<16xi32>], vector<16xi32>,
      %gather3A_569 = tpu.vector_load_idx %arg11[%get3A_567] : memref<10000xi32, #tpu.memory_space<vmem>>[vector<16xi32>], vector<16xi32>,
      %add3A_570 = arith.addi %gather3A_568, %gather3A_569 : vector<16xi32>
      %gather3A_571 = tpu.vector_load_idx %arg13[%add3A_570] : memref<256xf32, #tpu.memory_space<vmem>>[vector<16xi32>], vector<16xf32>,
      %swap3A_572 = arith.index_cast %scan3A_485 : i32 to index
      %swap3A_573 = arith.constant 96 : index
      %swap3A_574 = tpu.vector_load %arg10[%swap3A_572, %swap3A_573] {strides = array<i32>} : memref<160x128xf32, #tpu.memory_space<vmem>>, vector<16xf32>,
      tpu.vector_store %arg10[%swap3A_572, %swap3A_573], %gather3A_571 {strides = array<i32>} : memref<160x128xf32, #tpu.memory_space<vmem>>, vector<16xf32>,
      %get3A_575 = arith.index_cast %scan3A_485 : i32 to index
      %get3A_576 = arith.constant 112 : index
      %get3A_577 = tpu.vector_load %arg8[%get3A_575, %get3A_576] {strides = array<i32>} : memref<160x128xi32, #tpu.memory_space<vmem>>, vector<16xi32>,
      %get3A_578 = arith.index_cast %scan3A_485 : i32 to index
      %get3A_579 = arith.constant 112 : index
      %get3A_580 = tpu.vector_load %arg9[%get3A_578, %get3A_579] {strides = array<i32>} : memref<160x128xi32, #tpu.memory_space<vmem>>, vector<16xi32>,
      %gather3A_581 = tpu.vector_load_idx %arg12[%get3A_577] : memref<10000xi32, #tpu.memory_space<vmem>>[vector<16xi32>], vector<16xi32>,
      %gather3A_582 = tpu.vector_load_idx %arg11[%get3A_580] : memref<10000xi32, #tpu.memory_space<vmem>>[vector<16xi32>], vector<16xi32>,
      %add3A_583 = arith.addi %gather3A_581, %gather3A_582 : vector<16xi32>
      %gather3A_584 = tpu.vector_load_idx %arg13[%add3A_583] : memref<256xf32, #tpu.memory_space<vmem>>[vector<16xi32>], vector<16xf32>,
      %swap3A_585 = arith.index_cast %scan3A_485 : i32 to index
      %swap3A_586 = arith.constant 112 : index
      %swap3A_587 = tpu.vector_load %arg10[%swap3A_585, %swap3A_586] {strides = array<i32>} : memref<160x128xf32, #tpu.memory_space<vmem>>, vector<16xf32>,
      tpu.vector_store %arg10[%swap3A_585, %swap3A_586], %gather3A_584 {strides = array<i32>} : memref<160x128xf32, #tpu.memory_space<vmem>>, vector<16xf32>,
      %dma_start3A = arith.constant 0 : i32
      %dma_start3A_588 = tpu.memref_slice %arg10[%scan3A_485, %dma_start3A] : memref<160x128xf32, #tpu.memory_space<vmem>> -> memref<1x128xf32, #tpu.memory_space<vmem>>
      %dma_start3A_589 = tpu.memref_squeeze %dma_start3A_588 : memref<1x128xf32, #tpu.memory_space<vmem>> -> memref<128xf32, #tpu.memory_space<vmem>>
      %dma_start3A_590 = arith.constant 0 : i32
      %dma_start3A_591 = tpu.memref_slice %arg8[%scan3A_485, %dma_start3A_590] : memref<160x128xi32, #tpu.memory_space<vmem>> -> memref<1x128xi32, #tpu.memory_space<vmem>>
      %dma_start3A_592 = tpu.memref_squeeze %dma_start3A_591 : memref<1x128xi32, #tpu.memory_space<vmem>> -> memref<128xi32, #tpu.memory_space<vmem>>
      %dma_start3A_593 = arith.constant 0 : i32
      %dma_start3A_594 = tpu.memref_slice %arg16[%dma_start3A_593] : memref<10240xf32, #tpu.memory_space<vmem_shared>> -> memref<10240xf32, #tpu.memory_space<vmem_shared>>
      tpu.enqueue_indirect_dma source(%dma_start3A_589 : memref<128xf32, #tpu.memory_space<vmem>>) target(%dma_start3A_594 : memref<10240xf32, #tpu.memory_space<vmem_shared>>) offsets(%dma_start3A_592 : memref<128xi32, #tpu.memory_space<vmem>>) semaphore(%arg17 : memref<!tpu.dma_semaphore, #tpu.memory_space<semaphore_mem>>) {add = true}
    }
    %scan3A_172 = arith.constant 16 : i32
    %while3A = arith.constant 0 : i32
    %while3A_173 = arith.constant 16 : i32
    %while3A_174 = arith.subi %select_n3A, %while3A_173 : i32
    %while3A_175 = arith.addi %while3A_173, %while3A_174 : i32
    %while3A_176 = arith.constant 1 : i32
    %while3A_177 = arith.divsi %while3A_174, %while3A_176 : i32
    %while3A_178 = arith.muli %while3A_177, %while3A_176 : i32
    %while3A_179 = arith.addi %while3A_173, %while3A_178 : i32
    %while3A_180 = arith.constant 1 : i32
    scf.for %while3A_485 = %while3A_173 to %while3A_179 step %while3A_180  : i32 {
      %sub3A_486 = arith.constant 16 : i32
      %sub3A_487 = arith.subi %while3A_485, %sub3A_486 : i32
      %dma_wait3A = arith.constant 0 : i32
      %dma_wait3A_488 = tpu.memref_slice %arg10[%sub3A_487, %dma_wait3A] : memref<160x128xf32, #tpu.memory_space<vmem>> -> memref<1x128xf32, #tpu.memory_space<vmem>>
      %dma_wait3A_489 = tpu.memref_squeeze %dma_wait3A_488 : memref<1x128xf32, #tpu.memory_space<vmem>> -> memref<128xf32, #tpu.memory_space<vmem>>
      %dma_wait3A_490 = arith.constant 0 : i32
      %dma_wait3A_491 = tpu.memref_slice %arg8[%sub3A_487, %dma_wait3A_490] : memref<160x128xi32, #tpu.memory_space<vmem>> -> memref<1x128xi32, #tpu.memory_space<vmem>>
      %dma_wait3A_492 = tpu.memref_squeeze %dma_wait3A_491 : memref<1x128xi32, #tpu.memory_space<vmem>> -> memref<128xi32, #tpu.memory_space<vmem>>
      %dma_wait3A_493 = arith.constant 0 : i32
      %dma_wait3A_494 = tpu.memref_slice %arg16[%dma_wait3A_493] : memref<10240xf32, #tpu.memory_space<vmem_shared>> -> memref<10240xf32, #tpu.memory_space<vmem_shared>>
      tpu.wait_indirect_dma semaphore(%arg17 : memref<!tpu.dma_semaphore, #tpu.memory_space<semaphore_mem>>) src(%dma_wait3A_489 : memref<128xf32, #tpu.memory_space<vmem>>) dst(%dma_wait3A_494 : memref<10240xf32, #tpu.memory_space<vmem_shared>>)
      %get3A_495 = arith.index_cast %while3A_485 : i32 to index
      %get3A_496 = arith.constant 0 : index
      %get3A_497 = tpu.vector_load %arg8[%get3A_495, %get3A_496] {strides = array<i32>} : memref<160x128xi32, #tpu.memory_space<vmem>>, vector<16xi32>,
      %get3A_498 = arith.index_cast %while3A_485 : i32 to index
      %get3A_499 = arith.constant 0 : index
      %get3A_500 = tpu.vector_load %arg9[%get3A_498, %get3A_499] {strides = array<i32>} : memref<160x128xi32, #tpu.memory_space<vmem>>, vector<16xi32>,
      %gather3A = tpu.vector_load_idx %arg12[%get3A_497] : memref<10000xi32, #tpu.memory_space<vmem>>[vector<16xi32>], vector<16xi32>,
      %gather3A_501 = tpu.vector_load_idx %arg11[%get3A_500] : memref<10000xi32, #tpu.memory_space<vmem>>[vector<16xi32>], vector<16xi32>,
      %add3A = arith.addi %gather3A, %gather3A_501 : vector<16xi32>
      %gather3A_502 = tpu.vector_load_idx %arg13[%add3A] : memref<256xf32, #tpu.memory_space<vmem>>[vector<16xi32>], vector<16xf32>,
      %swap3A_503 = arith.index_cast %while3A_485 : i32 to index
      %swap3A_504 = arith.constant 0 : index
      %swap3A_505 = tpu.vector_load %arg10[%swap3A_503, %swap3A_504] {strides = array<i32>} : memref<160x128xf32, #tpu.memory_space<vmem>>, vector<16xf32>,
      tpu.vector_store %arg10[%swap3A_503, %swap3A_504], %gather3A_502 {strides = array<i32>} : memref<160x128xf32, #tpu.memory_space<vmem>>, vector<16xf32>,
      %get3A_506 = arith.index_cast %while3A_485 : i32 to index
      %get3A_507 = arith.constant 16 : index
      %get3A_508 = tpu.vector_load %arg8[%get3A_506, %get3A_507] {strides = array<i32>} : memref<160x128xi32, #tpu.memory_space<vmem>>, vector<16xi32>,
      %get3A_509 = arith.index_cast %while3A_485 : i32 to index
      %get3A_510 = arith.constant 16 : index
      %get3A_511 = tpu.vector_load %arg9[%get3A_509, %get3A_510] {strides = array<i32>} : memref<160x128xi32, #tpu.memory_space<vmem>>, vector<16xi32>,
      %gather3A_512 = tpu.vector_load_idx %arg12[%get3A_508] : memref<10000xi32, #tpu.memory_space<vmem>>[vector<16xi32>], vector<16xi32>,
      %gather3A_513 = tpu.vector_load_idx %arg11[%get3A_511] : memref<10000xi32, #tpu.memory_space<vmem>>[vector<16xi32>], vector<16xi32>,
      %add3A_514 = arith.addi %gather3A_512, %gather3A_513 : vector<16xi32>
      %gather3A_515 = tpu.vector_load_idx %arg13[%add3A_514] : memref<256xf32, #tpu.memory_space<vmem>>[vector<16xi32>], vector<16xf32>,
      %swap3A_516 = arith.index_cast %while3A_485 : i32 to index
      %swap3A_517 = arith.constant 16 : index
      %swap3A_518 = tpu.vector_load %arg10[%swap3A_516, %swap3A_517] {strides = array<i32>} : memref<160x128xf32, #tpu.memory_space<vmem>>, vector<16xf32>,
      tpu.vector_store %arg10[%swap3A_516, %swap3A_517], %gather3A_515 {strides = array<i32>} : memref<160x128xf32, #tpu.memory_space<vmem>>, vector<16xf32>,
      %get3A_519 = arith.index_cast %while3A_485 : i32 to index
      %get3A_520 = arith.constant 32 : index
      %get3A_521 = tpu.vector_load %arg8[%get3A_519, %get3A_520] {strides = array<i32>} : memref<160x128xi32, #tpu.memory_space<vmem>>, vector<16xi32>,
      %get3A_522 = arith.index_cast %while3A_485 : i32 to index
      %get3A_523 = arith.constant 32 : index
      %get3A_524 = tpu.vector_load %arg9[%get3A_522, %get3A_523] {strides = array<i32>} : memref<160x128xi32, #tpu.memory_space<vmem>>, vector<16xi32>,
      %gather3A_525 = tpu.vector_load_idx %arg12[%get3A_521] : memref<10000xi32, #tpu.memory_space<vmem>>[vector<16xi32>], vector<16xi32>,
      %gather3A_526 = tpu.vector_load_idx %arg11[%get3A_524] : memref<10000xi32, #tpu.memory_space<vmem>>[vector<16xi32>], vector<16xi32>,
      %add3A_527 = arith.addi %gather3A_525, %gather3A_526 : vector<16xi32>
      %gather3A_528 = tpu.vector_load_idx %arg13[%add3A_527] : memref<256xf32, #tpu.memory_space<vmem>>[vector<16xi32>], vector<16xf32>,
      %swap3A_529 = arith.index_cast %while3A_485 : i32 to index
      %swap3A_530 = arith.constant 32 : index
      %swap3A_531 = tpu.vector_load %arg10[%swap3A_529, %swap3A_530] {strides = array<i32>} : memref<160x128xf32, #tpu.memory_space<vmem>>, vector<16xf32>,
      tpu.vector_store %arg10[%swap3A_529, %swap3A_530], %gather3A_528 {strides = array<i32>} : memref<160x128xf32, #tpu.memory_space<vmem>>, vector<16xf32>,
      %get3A_532 = arith.index_cast %while3A_485 : i32 to index
      %get3A_533 = arith.constant 48 : index
      %get3A_534 = tpu.vector_load %arg8[%get3A_532, %get3A_533] {strides = array<i32>} : memref<160x128xi32, #tpu.memory_space<vmem>>, vector<16xi32>,
      %get3A_535 = arith.index_cast %while3A_485 : i32 to index
      %get3A_536 = arith.constant 48 : index
      %get3A_537 = tpu.vector_load %arg9[%get3A_535, %get3A_536] {strides = array<i32>} : memref<160x128xi32, #tpu.memory_space<vmem>>, vector<16xi32>,
      %gather3A_538 = tpu.vector_load_idx %arg12[%get3A_534] : memref<10000xi32, #tpu.memory_space<vmem>>[vector<16xi32>], vector<16xi32>,
      %gather3A_539 = tpu.vector_load_idx %arg11[%get3A_537] : memref<10000xi32, #tpu.memory_space<vmem>>[vector<16xi32>], vector<16xi32>,
      %add3A_540 = arith.addi %gather3A_538, %gather3A_539 : vector<16xi32>
      %gather3A_541 = tpu.vector_load_idx %arg13[%add3A_540] : memref<256xf32, #tpu.memory_space<vmem>>[vector<16xi32>], vector<16xf32>,
      %swap3A_542 = arith.index_cast %while3A_485 : i32 to index
      %swap3A_543 = arith.constant 48 : index
      %swap3A_544 = tpu.vector_load %arg10[%swap3A_542, %swap3A_543] {strides = array<i32>} : memref<160x128xf32, #tpu.memory_space<vmem>>, vector<16xf32>,
      tpu.vector_store %arg10[%swap3A_542, %swap3A_543], %gather3A_541 {strides = array<i32>} : memref<160x128xf32, #tpu.memory_space<vmem>>, vector<16xf32>,
      %get3A_545 = arith.index_cast %while3A_485 : i32 to index
      %get3A_546 = arith.constant 64 : index
      %get3A_547 = tpu.vector_load %arg8[%get3A_545, %get3A_546] {strides = array<i32>} : memref<160x128xi32, #tpu.memory_space<vmem>>, vector<16xi32>,
      %get3A_548 = arith.index_cast %while3A_485 : i32 to index
      %get3A_549 = arith.constant 64 : index
      %get3A_550 = tpu.vector_load %arg9[%get3A_548, %get3A_549] {strides = array<i32>} : memref<160x128xi32, #tpu.memory_space<vmem>>, vector<16xi32>,
      %gather3A_551 = tpu.vector_load_idx %arg12[%get3A_547] : memref<10000xi32, #tpu.memory_space<vmem>>[vector<16xi32>], vector<16xi32>,
      %gather3A_552 = tpu.vector_load_idx %arg11[%get3A_550] : memref<10000xi32, #tpu.memory_space<vmem>>[vector<16xi32>], vector<16xi32>,
      %add3A_553 = arith.addi %gather3A_551, %gather3A_552 : vector<16xi32>
      %gather3A_554 = tpu.vector_load_idx %arg13[%add3A_553] : memref<256xf32, #tpu.memory_space<vmem>>[vector<16xi32>], vector<16xf32>,
      %swap3A_555 = arith.index_cast %while3A_485 : i32 to index
      %swap3A_556 = arith.constant 64 : index
      %swap3A_557 = tpu.vector_load %arg10[%swap3A_555, %swap3A_556] {strides = array<i32>} : memref<160x128xf32, #tpu.memory_space<vmem>>, vector<16xf32>,
      tpu.vector_store %arg10[%swap3A_555, %swap3A_556], %gather3A_554 {strides = array<i32>} : memref<160x128xf32, #tpu.memory_space<vmem>>, vector<16xf32>,
      %get3A_558 = arith.index_cast %while3A_485 : i32 to index
      %get3A_559 = arith.constant 80 : index
      %get3A_560 = tpu.vector_load %arg8[%get3A_558, %get3A_559] {strides = array<i32>} : memref<160x128xi32, #tpu.memory_space<vmem>>, vector<16xi32>,
      %get3A_561 = arith.index_cast %while3A_485 : i32 to index
      %get3A_562 = arith.constant 80 : index
      %get3A_563 = tpu.vector_load %arg9[%get3A_561, %get3A_562] {strides = array<i32>} : memref<160x128xi32, #tpu.memory_space<vmem>>, vector<16xi32>,
      %gather3A_564 = tpu.vector_load_idx %arg12[%get3A_560] : memref<10000xi32, #tpu.memory_space<vmem>>[vector<16xi32>], vector<16xi32>,
      %gather3A_565 = tpu.vector_load_idx %arg11[%get3A_563] : memref<10000xi32, #tpu.memory_space<vmem>>[vector<16xi32>], vector<16xi32>,
      %add3A_566 = arith.addi %gather3A_564, %gather3A_565 : vector<16xi32>
      %gather3A_567 = tpu.vector_load_idx %arg13[%add3A_566] : memref<256xf32, #tpu.memory_space<vmem>>[vector<16xi32>], vector<16xf32>,
      %swap3A_568 = arith.index_cast %while3A_485 : i32 to index
      %swap3A_569 = arith.constant 80 : index
      %swap3A_570 = tpu.vector_load %arg10[%swap3A_568, %swap3A_569] {strides = array<i32>} : memref<160x128xf32, #tpu.memory_space<vmem>>, vector<16xf32>,
      tpu.vector_store %arg10[%swap3A_568, %swap3A_569], %gather3A_567 {strides = array<i32>} : memref<160x128xf32, #tpu.memory_space<vmem>>, vector<16xf32>,
      %get3A_571 = arith.index_cast %while3A_485 : i32 to index
      %get3A_572 = arith.constant 96 : index
      %get3A_573 = tpu.vector_load %arg8[%get3A_571, %get3A_572] {strides = array<i32>} : memref<160x128xi32, #tpu.memory_space<vmem>>, vector<16xi32>,
      %get3A_574 = arith.index_cast %while3A_485 : i32 to index
      %get3A_575 = arith.constant 96 : index
      %get3A_576 = tpu.vector_load %arg9[%get3A_574, %get3A_575] {strides = array<i32>} : memref<160x128xi32, #tpu.memory_space<vmem>>, vector<16xi32>,
      %gather3A_577 = tpu.vector_load_idx %arg12[%get3A_573] : memref<10000xi32, #tpu.memory_space<vmem>>[vector<16xi32>], vector<16xi32>,
      %gather3A_578 = tpu.vector_load_idx %arg11[%get3A_576] : memref<10000xi32, #tpu.memory_space<vmem>>[vector<16xi32>], vector<16xi32>,
      %add3A_579 = arith.addi %gather3A_577, %gather3A_578 : vector<16xi32>
      %gather3A_580 = tpu.vector_load_idx %arg13[%add3A_579] : memref<256xf32, #tpu.memory_space<vmem>>[vector<16xi32>], vector<16xf32>,
      %swap3A_581 = arith.index_cast %while3A_485 : i32 to index
      %swap3A_582 = arith.constant 96 : index
      %swap3A_583 = tpu.vector_load %arg10[%swap3A_581, %swap3A_582] {strides = array<i32>} : memref<160x128xf32, #tpu.memory_space<vmem>>, vector<16xf32>,
      tpu.vector_store %arg10[%swap3A_581, %swap3A_582], %gather3A_580 {strides = array<i32>} : memref<160x128xf32, #tpu.memory_space<vmem>>, vector<16xf32>,
      %get3A_584 = arith.index_cast %while3A_485 : i32 to index
      %get3A_585 = arith.constant 112 : index
      %get3A_586 = tpu.vector_load %arg8[%get3A_584, %get3A_585] {strides = array<i32>} : memref<160x128xi32, #tpu.memory_space<vmem>>, vector<16xi32>,
      %get3A_587 = arith.index_cast %while3A_485 : i32 to index
      %get3A_588 = arith.constant 112 : index
      %get3A_589 = tpu.vector_load %arg9[%get3A_587, %get3A_588] {strides = array<i32>} : memref<160x128xi32, #tpu.memory_space<vmem>>, vector<16xi32>,
      %gather3A_590 = tpu.vector_load_idx %arg12[%get3A_586] : memref<10000xi32, #tpu.memory_space<vmem>>[vector<16xi32>], vector<16xi32>,
      %gather3A_591 = tpu.vector_load_idx %arg11[%get3A_589] : memref<10000xi32, #tpu.memory_space<vmem>>[vector<16xi32>], vector<16xi32>,
      %add3A_592 = arith.addi %gather3A_590, %gather3A_591 : vector<16xi32>
      %gather3A_593 = tpu.vector_load_idx %arg13[%add3A_592] : memref<256xf32, #tpu.memory_space<vmem>>[vector<16xi32>], vector<16xf32>,
      %swap3A_594 = arith.index_cast %while3A_485 : i32 to index
      %swap3A_595 = arith.constant 112 : index
      %swap3A_596 = tpu.vector_load %arg10[%swap3A_594, %swap3A_595] {strides = array<i32>} : memref<160x128xf32, #tpu.memory_space<vmem>>, vector<16xf32>,
      tpu.vector_store %arg10[%swap3A_594, %swap3A_595], %gather3A_593 {strides = array<i32>} : memref<160x128xf32, #tpu.memory_space<vmem>>, vector<16xf32>,
      %dma_start3A = arith.constant 0 : i32
      %dma_start3A_597 = tpu.memref_slice %arg10[%while3A_485, %dma_start3A] : memref<160x128xf32, #tpu.memory_space<vmem>> -> memref<1x128xf32, #tpu.memory_space<vmem>>
      %dma_start3A_598 = tpu.memref_squeeze %dma_start3A_597 : memref<1x128xf32, #tpu.memory_space<vmem>> -> memref<128xf32, #tpu.memory_space<vmem>>
      %dma_start3A_599 = arith.constant 0 : i32
      %dma_start3A_600 = tpu.memref_slice %arg8[%while3A_485, %dma_start3A_599] : memref<160x128xi32, #tpu.memory_space<vmem>> -> memref<1x128xi32, #tpu.memory_space<vmem>>
      %dma_start3A_601 = tpu.memref_squeeze %dma_start3A_600 : memref<1x128xi32, #tpu.memory_space<vmem>> -> memref<128xi32, #tpu.memory_space<vmem>>
      %dma_start3A_602 = arith.constant 0 : i32
      %dma_start3A_603 = tpu.memref_slice %arg16[%dma_start3A_602] : memref<10240xf32, #tpu.memory_space<vmem_shared>> -> memref<10240xf32, #tpu.memory_space<vmem_shared>>
      tpu.enqueue_indirect_dma source(%dma_start3A_598 : memref<128xf32, #tpu.memory_space<vmem>>) target(%dma_start3A_603 : memref<10240xf32, #tpu.memory_space<vmem_shared>>) offsets(%dma_start3A_601 : memref<128xi32, #tpu.memory_space<vmem>>) semaphore(%arg17 : memref<!tpu.dma_semaphore, #tpu.memory_space<semaphore_mem>>) {add = true}
    }
    %while3A_181 = arith.constant 1 : i32
    scf.for %while3A_485 = %while3A_179 to %while3A_175 step %while3A_181  : i32 {
      %sub3A_486 = arith.constant 16 : i32
      %sub3A_487 = arith.subi %while3A_485, %sub3A_486 : i32
      %dma_wait3A = arith.constant 0 : i32
      %dma_wait3A_488 = tpu.memref_slice %arg10[%sub3A_487, %dma_wait3A] : memref<160x128xf32, #tpu.memory_space<vmem>> -> memref<1x128xf32, #tpu.memory_space<vmem>>
      %dma_wait3A_489 = tpu.memref_squeeze %dma_wait3A_488 : memref<1x128xf32, #tpu.memory_space<vmem>> -> memref<128xf32, #tpu.memory_space<vmem>>
      %dma_wait3A_490 = arith.constant 0 : i32
      %dma_wait3A_491 = tpu.memref_slice %arg8[%sub3A_487, %dma_wait3A_490] : memref<160x128xi32, #tpu.memory_space<vmem>> -> memref<1x128xi32, #tpu.memory_space<vmem>>
      %dma_wait3A_492 = tpu.memref_squeeze %dma_wait3A_491 : memref<1x128xi32, #tpu.memory_space<vmem>> -> memref<128xi32, #tpu.memory_space<vmem>>
      %dma_wait3A_493 = arith.constant 0 : i32
      %dma_wait3A_494 = tpu.memref_slice %arg16[%dma_wait3A_493] : memref<10240xf32, #tpu.memory_space<vmem_shared>> -> memref<10240xf32, #tpu.memory_space<vmem_shared>>
      tpu.wait_indirect_dma semaphore(%arg17 : memref<!tpu.dma_semaphore, #tpu.memory_space<semaphore_mem>>) src(%dma_wait3A_489 : memref<128xf32, #tpu.memory_space<vmem>>) dst(%dma_wait3A_494 : memref<10240xf32, #tpu.memory_space<vmem_shared>>)
      %get3A_495 = arith.index_cast %while3A_485 : i32 to index
      %get3A_496 = arith.constant 0 : index
      %get3A_497 = tpu.vector_load %arg8[%get3A_495, %get3A_496] {strides = array<i32>} : memref<160x128xi32, #tpu.memory_space<vmem>>, vector<16xi32>,
      %get3A_498 = arith.index_cast %while3A_485 : i32 to index
      %get3A_499 = arith.constant 0 : index
      %get3A_500 = tpu.vector_load %arg9[%get3A_498, %get3A_499] {strides = array<i32>} : memref<160x128xi32, #tpu.memory_space<vmem>>, vector<16xi32>,
      %gather3A = tpu.vector_load_idx %arg12[%get3A_497] : memref<10000xi32, #tpu.memory_space<vmem>>[vector<16xi32>], vector<16xi32>,
      %gather3A_501 = tpu.vector_load_idx %arg11[%get3A_500] : memref<10000xi32, #tpu.memory_space<vmem>>[vector<16xi32>], vector<16xi32>,
      %add3A = arith.addi %gather3A, %gather3A_501 : vector<16xi32>
      %gather3A_502 = tpu.vector_load_idx %arg13[%add3A] : memref<256xf32, #tpu.memory_space<vmem>>[vector<16xi32>], vector<16xf32>,
      %swap3A_503 = arith.index_cast %while3A_485 : i32 to index
      %swap3A_504 = arith.constant 0 : index
      %swap3A_505 = tpu.vector_load %arg10[%swap3A_503, %swap3A_504] {strides = array<i32>} : memref<160x128xf32, #tpu.memory_space<vmem>>, vector<16xf32>,
      tpu.vector_store %arg10[%swap3A_503, %swap3A_504], %gather3A_502 {strides = array<i32>} : memref<160x128xf32, #tpu.memory_space<vmem>>, vector<16xf32>,
      %get3A_506 = arith.index_cast %while3A_485 : i32 to index
      %get3A_507 = arith.constant 16 : index
      %get3A_508 = tpu.vector_load %arg8[%get3A_506, %get3A_507] {strides = array<i32>} : memref<160x128xi32, #tpu.memory_space<vmem>>, vector<16xi32>,
      %get3A_509 = arith.index_cast %while3A_485 : i32 to index
      %get3A_510 = arith.constant 16 : index
      %get3A_511 = tpu.vector_load %arg9[%get3A_509, %get3A_510] {strides = array<i32>} : memref<160x128xi32, #tpu.memory_space<vmem>>, vector<16xi32>,
      %gather3A_512 = tpu.vector_load_idx %arg12[%get3A_508] : memref<10000xi32, #tpu.memory_space<vmem>>[vector<16xi32>], vector<16xi32>,
      %gather3A_513 = tpu.vector_load_idx %arg11[%get3A_511] : memref<10000xi32, #tpu.memory_space<vmem>>[vector<16xi32>], vector<16xi32>,
      %add3A_514 = arith.addi %gather3A_512, %gather3A_513 : vector<16xi32>
      %gather3A_515 = tpu.vector_load_idx %arg13[%add3A_514] : memref<256xf32, #tpu.memory_space<vmem>>[vector<16xi32>], vector<16xf32>,
      %swap3A_516 = arith.index_cast %while3A_485 : i32 to index
      %swap3A_517 = arith.constant 16 : index
      %swap3A_518 = tpu.vector_load %arg10[%swap3A_516, %swap3A_517] {strides = array<i32>} : memref<160x128xf32, #tpu.memory_space<vmem>>, vector<16xf32>,
      tpu.vector_store %arg10[%swap3A_516, %swap3A_517], %gather3A_515 {strides = array<i32>} : memref<160x128xf32, #tpu.memory_space<vmem>>, vector<16xf32>,
      %get3A_519 = arith.index_cast %while3A_485 : i32 to index
      %get3A_520 = arith.constant 32 : index
      %get3A_521 = tpu.vector_load %arg8[%get3A_519, %get3A_520] {strides = array<i32>} : memref<160x128xi32, #tpu.memory_space<vmem>>, vector<16xi32>,
      %get3A_522 = arith.index_cast %while3A_485 : i32 to index
      %get3A_523 = arith.constant 32 : index
      %get3A_524 = tpu.vector_load %arg9[%get3A_522, %get3A_523] {strides = array<i32>} : memref<160x128xi32, #tpu.memory_space<vmem>>, vector<16xi32>,
      %gather3A_525 = tpu.vector_load_idx %arg12[%get3A_521] : memref<10000xi32, #tpu.memory_space<vmem>>[vector<16xi32>], vector<16xi32>,
      %gather3A_526 = tpu.vector_load_idx %arg11[%get3A_524] : memref<10000xi32, #tpu.memory_space<vmem>>[vector<16xi32>], vector<16xi32>,
      %add3A_527 = arith.addi %gather3A_525, %gather3A_526 : vector<16xi32>
      %gather3A_528 = tpu.vector_load_idx %arg13[%add3A_527] : memref<256xf32, #tpu.memory_space<vmem>>[vector<16xi32>], vector<16xf32>,
      %swap3A_529 = arith.index_cast %while3A_485 : i32 to index
      %swap3A_530 = arith.constant 32 : index
      %swap3A_531 = tpu.vector_load %arg10[%swap3A_529, %swap3A_530] {strides = array<i32>} : memref<160x128xf32, #tpu.memory_space<vmem>>, vector<16xf32>,
      tpu.vector_store %arg10[%swap3A_529, %swap3A_530], %gather3A_528 {strides = array<i32>} : memref<160x128xf32, #tpu.memory_space<vmem>>, vector<16xf32>,
      %get3A_532 = arith.index_cast %while3A_485 : i32 to index
      %get3A_533 = arith.constant 48 : index
      %get3A_534 = tpu.vector_load %arg8[%get3A_532, %get3A_533] {strides = array<i32>} : memref<160x128xi32, #tpu.memory_space<vmem>>, vector<16xi32>,
      %get3A_535 = arith.index_cast %while3A_485 : i32 to index
      %get3A_536 = arith.constant 48 : index
      %get3A_537 = tpu.vector_load %arg9[%get3A_535, %get3A_536] {strides = array<i32>} : memref<160x128xi32, #tpu.memory_space<vmem>>, vector<16xi32>,
      %gather3A_538 = tpu.vector_load_idx %arg12[%get3A_534] : memref<10000xi32, #tpu.memory_space<vmem>>[vector<16xi32>], vector<16xi32>,
      %gather3A_539 = tpu.vector_load_idx %arg11[%get3A_537] : memref<10000xi32, #tpu.memory_space<vmem>>[vector<16xi32>], vector<16xi32>,
      %add3A_540 = arith.addi %gather3A_538, %gather3A_539 : vector<16xi32>
      %gather3A_541 = tpu.vector_load_idx %arg13[%add3A_540] : memref<256xf32, #tpu.memory_space<vmem>>[vector<16xi32>], vector<16xf32>,
      %swap3A_542 = arith.index_cast %while3A_485 : i32 to index
      %swap3A_543 = arith.constant 48 : index
      %swap3A_544 = tpu.vector_load %arg10[%swap3A_542, %swap3A_543] {strides = array<i32>} : memref<160x128xf32, #tpu.memory_space<vmem>>, vector<16xf32>,
      tpu.vector_store %arg10[%swap3A_542, %swap3A_543], %gather3A_541 {strides = array<i32>} : memref<160x128xf32, #tpu.memory_space<vmem>>, vector<16xf32>,
      %get3A_545 = arith.index_cast %while3A_485 : i32 to index
      %get3A_546 = arith.constant 64 : index
      %get3A_547 = tpu.vector_load %arg8[%get3A_545, %get3A_546] {strides = array<i32>} : memref<160x128xi32, #tpu.memory_space<vmem>>, vector<16xi32>,
      %get3A_548 = arith.index_cast %while3A_485 : i32 to index
      %get3A_549 = arith.constant 64 : index
      %get3A_550 = tpu.vector_load %arg9[%get3A_548, %get3A_549] {strides = array<i32>} : memref<160x128xi32, #tpu.memory_space<vmem>>, vector<16xi32>,
      %gather3A_551 = tpu.vector_load_idx %arg12[%get3A_547] : memref<10000xi32, #tpu.memory_space<vmem>>[vector<16xi32>], vector<16xi32>,
      %gather3A_552 = tpu.vector_load_idx %arg11[%get3A_550] : memref<10000xi32, #tpu.memory_space<vmem>>[vector<16xi32>], vector<16xi32>,
      %add3A_553 = arith.addi %gather3A_551, %gather3A_552 : vector<16xi32>
      %gather3A_554 = tpu.vector_load_idx %arg13[%add3A_553] : memref<256xf32, #tpu.memory_space<vmem>>[vector<16xi32>], vector<16xf32>,
      %swap3A_555 = arith.index_cast %while3A_485 : i32 to index
      %swap3A_556 = arith.constant 64 : index
      %swap3A_557 = tpu.vector_load %arg10[%swap3A_555, %swap3A_556] {strides = array<i32>} : memref<160x128xf32, #tpu.memory_space<vmem>>, vector<16xf32>,
      tpu.vector_store %arg10[%swap3A_555, %swap3A_556], %gather3A_554 {strides = array<i32>} : memref<160x128xf32, #tpu.memory_space<vmem>>, vector<16xf32>,
      %get3A_558 = arith.index_cast %while3A_485 : i32 to index
      %get3A_559 = arith.constant 80 : index
      %get3A_560 = tpu.vector_load %arg8[%get3A_558, %get3A_559] {strides = array<i32>} : memref<160x128xi32, #tpu.memory_space<vmem>>, vector<16xi32>,
      %get3A_561 = arith.index_cast %while3A_485 : i32 to index
      %get3A_562 = arith.constant 80 : index
      %get3A_563 = tpu.vector_load %arg9[%get3A_561, %get3A_562] {strides = array<i32>} : memref<160x128xi32, #tpu.memory_space<vmem>>, vector<16xi32>,
      %gather3A_564 = tpu.vector_load_idx %arg12[%get3A_560] : memref<10000xi32, #tpu.memory_space<vmem>>[vector<16xi32>], vector<16xi32>,
      %gather3A_565 = tpu.vector_load_idx %arg11[%get3A_563] : memref<10000xi32, #tpu.memory_space<vmem>>[vector<16xi32>], vector<16xi32>,
      %add3A_566 = arith.addi %gather3A_564, %gather3A_565 : vector<16xi32>
      %gather3A_567 = tpu.vector_load_idx %arg13[%add3A_566] : memref<256xf32, #tpu.memory_space<vmem>>[vector<16xi32>], vector<16xf32>,
      %swap3A_568 = arith.index_cast %while3A_485 : i32 to index
      %swap3A_569 = arith.constant 80 : index
      %swap3A_570 = tpu.vector_load %arg10[%swap3A_568, %swap3A_569] {strides = array<i32>} : memref<160x128xf32, #tpu.memory_space<vmem>>, vector<16xf32>,
      tpu.vector_store %arg10[%swap3A_568, %swap3A_569], %gather3A_567 {strides = array<i32>} : memref<160x128xf32, #tpu.memory_space<vmem>>, vector<16xf32>,
      %get3A_571 = arith.index_cast %while3A_485 : i32 to index
      %get3A_572 = arith.constant 96 : index
      %get3A_573 = tpu.vector_load %arg8[%get3A_571, %get3A_572] {strides = array<i32>} : memref<160x128xi32, #tpu.memory_space<vmem>>, vector<16xi32>,
      %get3A_574 = arith.index_cast %while3A_485 : i32 to index
      %get3A_575 = arith.constant 96 : index
      %get3A_576 = tpu.vector_load %arg9[%get3A_574, %get3A_575] {strides = array<i32>} : memref<160x128xi32, #tpu.memory_space<vmem>>, vector<16xi32>,
      %gather3A_577 = tpu.vector_load_idx %arg12[%get3A_573] : memref<10000xi32, #tpu.memory_space<vmem>>[vector<16xi32>], vector<16xi32>,
      %gather3A_578 = tpu.vector_load_idx %arg11[%get3A_576] : memref<10000xi32, #tpu.memory_space<vmem>>[vector<16xi32>], vector<16xi32>,
      %add3A_579 = arith.addi %gather3A_577, %gather3A_578 : vector<16xi32>
      %gather3A_580 = tpu.vector_load_idx %arg13[%add3A_579] : memref<256xf32, #tpu.memory_space<vmem>>[vector<16xi32>], vector<16xf32>,
      %swap3A_581 = arith.index_cast %while3A_485 : i32 to index
      %swap3A_582 = arith.constant 96 : index
      %swap3A_583 = tpu.vector_load %arg10[%swap3A_581, %swap3A_582] {strides = array<i32>} : memref<160x128xf32, #tpu.memory_space<vmem>>, vector<16xf32>,
      tpu.vector_store %arg10[%swap3A_581, %swap3A_582], %gather3A_580 {strides = array<i32>} : memref<160x128xf32, #tpu.memory_space<vmem>>, vector<16xf32>,
      %get3A_584 = arith.index_cast %while3A_485 : i32 to index
      %get3A_585 = arith.constant 112 : index
      %get3A_586 = tpu.vector_load %arg8[%get3A_584, %get3A_585] {strides = array<i32>} : memref<160x128xi32, #tpu.memory_space<vmem>>, vector<16xi32>,
      %get3A_587 = arith.index_cast %while3A_485 : i32 to index
      %get3A_588 = arith.constant 112 : index
      %get3A_589 = tpu.vector_load %arg9[%get3A_587, %get3A_588] {strides = array<i32>} : memref<160x128xi32, #tpu.memory_space<vmem>>, vector<16xi32>,
      %gather3A_590 = tpu.vector_load_idx %arg12[%get3A_586] : memref<10000xi32, #tpu.memory_space<vmem>>[vector<16xi32>], vector<16xi32>,
      %gather3A_591 = tpu.vector_load_idx %arg11[%get3A_589] : memref<10000xi32, #tpu.memory_space<vmem>>[vector<16xi32>], vector<16xi32>,
      %add3A_592 = arith.addi %gather3A_590, %gather3A_591 : vector<16xi32>
      %gather3A_593 = tpu.vector_load_idx %arg13[%add3A_592] : memref<256xf32, #tpu.memory_space<vmem>>[vector<16xi32>], vector<16xf32>,
      %swap3A_594 = arith.index_cast %while3A_485 : i32 to index
      %swap3A_595 = arith.constant 112 : index
      %swap3A_596 = tpu.vector_load %arg10[%swap3A_594, %swap3A_595] {strides = array<i32>} : memref<160x128xf32, #tpu.memory_space<vmem>>, vector<16xf32>,
      tpu.vector_store %arg10[%swap3A_594, %swap3A_595], %gather3A_593 {strides = array<i32>} : memref<160x128xf32, #tpu.memory_space<vmem>>, vector<16xf32>,
      %dma_start3A = arith.constant 0 : i32
      %dma_start3A_597 = tpu.memref_slice %arg10[%while3A_485, %dma_start3A] : memref<160x128xf32, #tpu.memory_space<vmem>> -> memref<1x128xf32, #tpu.memory_space<vmem>>
      %dma_start3A_598 = tpu.memref_squeeze %dma_start3A_597 : memref<1x128xf32, #tpu.memory_space<vmem>> -> memref<128xf32, #tpu.memory_space<vmem>>
      %dma_start3A_599 = arith.constant 0 : i32
      %dma_start3A_600 = tpu.memref_slice %arg8[%while3A_485, %dma_start3A_599] : memref<160x128xi32, #tpu.memory_space<vmem>> -> memref<1x128xi32, #tpu.memory_space<vmem>>
      %dma_start3A_601 = tpu.memref_squeeze %dma_start3A_600 : memref<1x128xi32, #tpu.memory_space<vmem>> -> memref<128xi32, #tpu.memory_space<vmem>>
      %dma_start3A_602 = arith.constant 0 : i32
      %dma_start3A_603 = tpu.memref_slice %arg16[%dma_start3A_602] : memref<10240xf32, #tpu.memory_space<vmem_shared>> -> memref<10240xf32, #tpu.memory_space<vmem_shared>>
      tpu.enqueue_indirect_dma source(%dma_start3A_598 : memref<128xf32, #tpu.memory_space<vmem>>) target(%dma_start3A_603 : memref<10240xf32, #tpu.memory_space<vmem_shared>>) offsets(%dma_start3A_601 : memref<128xi32, #tpu.memory_space<vmem>>) semaphore(%arg17 : memref<!tpu.dma_semaphore, #tpu.memory_space<semaphore_mem>>) {add = true}
    }
    %sub3A = arith.constant 16 : i32
    %sub3A_182 = arith.subi %select_n3A, %sub3A : i32
    %while3A_183 = arith.constant 0 : i32
    %while3A_184 = arith.subi %select_n3A, %sub3A_182 : i32
    %while3A_185 = arith.addi %sub3A_182, %while3A_184 : i32
    %while3A_186 = arith.constant 1 : i32
    %while3A_187 = arith.divsi %while3A_184, %while3A_186 : i32
    %while3A_188 = arith.muli %while3A_187, %while3A_186 : i32
    %while3A_189 = arith.addi %sub3A_182, %while3A_188 : i32
    %while3A_190 = arith.constant 1 : i32
    scf.for %while3A_485 = %sub3A_182 to %while3A_189 step %while3A_190  : i32 {
      %dma_wait3A = arith.constant 0 : i32
      %dma_wait3A_486 = tpu.memref_slice %arg10[%while3A_485, %dma_wait3A] : memref<160x128xf32, #tpu.memory_space<vmem>> -> memref<1x128xf32, #tpu.memory_space<vmem>>
      %dma_wait3A_487 = tpu.memref_squeeze %dma_wait3A_486 : memref<1x128xf32, #tpu.memory_space<vmem>> -> memref<128xf32, #tpu.memory_space<vmem>>
      %dma_wait3A_488 = arith.constant 0 : i32
      %dma_wait3A_489 = tpu.memref_slice %arg8[%while3A_485, %dma_wait3A_488] : memref<160x128xi32, #tpu.memory_space<vmem>> -> memref<1x128xi32, #tpu.memory_space<vmem>>
      %dma_wait3A_490 = tpu.memref_squeeze %dma_wait3A_489 : memref<1x128xi32, #tpu.memory_space<vmem>> -> memref<128xi32, #tpu.memory_space<vmem>>
      %dma_wait3A_491 = arith.constant 0 : i32
      %dma_wait3A_492 = tpu.memref_slice %arg16[%dma_wait3A_491] : memref<10240xf32, #tpu.memory_space<vmem_shared>> -> memref<10240xf32, #tpu.memory_space<vmem_shared>>
      tpu.wait_indirect_dma semaphore(%arg17 : memref<!tpu.dma_semaphore, #tpu.memory_space<semaphore_mem>>) src(%dma_wait3A_487 : memref<128xf32, #tpu.memory_space<vmem>>) dst(%dma_wait3A_492 : memref<10240xf32, #tpu.memory_space<vmem_shared>>)
    }
    %while3A_191 = arith.constant 1 : i32
    scf.for %while3A_485 = %while3A_189 to %while3A_185 step %while3A_191  : i32 {
      %dma_wait3A = arith.constant 0 : i32
      %dma_wait3A_486 = tpu.memref_slice %arg10[%while3A_485, %dma_wait3A] : memref<160x128xf32, #tpu.memory_space<vmem>> -> memref<1x128xf32, #tpu.memory_space<vmem>>
      %dma_wait3A_487 = tpu.memref_squeeze %dma_wait3A_486 : memref<1x128xf32, #tpu.memory_space<vmem>> -> memref<128xf32, #tpu.memory_space<vmem>>
      %dma_wait3A_488 = arith.constant 0 : i32
      %dma_wait3A_489 = tpu.memref_slice %arg8[%while3A_485, %dma_wait3A_488] : memref<160x128xi32, #tpu.memory_space<vmem>> -> memref<1x128xi32, #tpu.memory_space<vmem>>
      %dma_wait3A_490 = tpu.memref_squeeze %dma_wait3A_489 : memref<1x128xi32, #tpu.memory_space<vmem>> -> memref<128xi32, #tpu.memory_space<vmem>>
      %dma_wait3A_491 = arith.constant 0 : i32
      %dma_wait3A_492 = tpu.memref_slice %arg16[%dma_wait3A_491] : memref<10240xf32, #tpu.memory_space<vmem_shared>> -> memref<10240xf32, #tpu.memory_space<vmem_shared>>
      tpu.wait_indirect_dma semaphore(%arg17 : memref<!tpu.dma_semaphore, #tpu.memory_space<semaphore_mem>>) src(%dma_wait3A_487 : memref<128xf32, #tpu.memory_space<vmem>>) dst(%dma_wait3A_492 : memref<10240xf32, #tpu.memory_space<vmem_shared>>)
    }
    %barrier3A_192 = arith.constant 0 : index
    tpu.barrier barrier_id(%barrier3A_192)
    %mul3A_193 = arith.constant 640 : i32
    %mul3A_194 = arith.muli %arg1, %mul3A_193 : i32
    "tpu.region"() ({
      %run_scoped3A = tpu.sem_alloc : memref<!tpu.dma_semaphore, #tpu.memory_space<semaphore_mem>>
      %dma_start3A = tpu.memref_slice %arg16[%mul3A_194] : memref<10240xf32, #tpu.memory_space<vmem_shared>> -> memref<640xf32, #tpu.memory_space<vmem_shared>>
      %dma_start3A_485 = tpu.memref_slice %arg16[%mul3A_194] : memref<10240xf32, #tpu.memory_space<vmem_shared>> -> memref<640xf32, #tpu.memory_space<vmem_shared>>
      tpu.enqueue_dma source(%dma_start3A_485 : memref<640xf32, #tpu.memory_space<vmem_shared>>) target(%arg15 : memref<640xf32, #tpu.memory_space<vmem>>) target_semaphore(%run_scoped3A : memref<!tpu.dma_semaphore, #tpu.memory_space<semaphore_mem>>)
      %dma_wait3A = tpu.memref_slice %arg16[%mul3A_194] : memref<10240xf32, #tpu.memory_space<vmem_shared>> -> memref<640xf32, #tpu.memory_space<vmem_shared>>
      %dma_wait3A_486 = tpu.memref_slice %arg16[%mul3A_194] : memref<10240xf32, #tpu.memory_space<vmem_shared>> -> memref<640xf32, #tpu.memory_space<vmem_shared>>
      tpu.wait_dma2 semaphore(%run_scoped3A : memref<!tpu.dma_semaphore, #tpu.memory_space<semaphore_mem>>) src(%dma_wait3A_486 : memref<640xf32, #tpu.memory_space<vmem_shared>>) dst(%arg15 : memref<640xf32, #tpu.memory_space<vmem>>)
      tpu.yield
    }) : () -> ()
    %get3A = arith.constant 0 : index
    %get3A_195 = tpu.vector_load %arg15[%get3A] {strides = array<i32>} : memref<640xf32, #tpu.memory_space<vmem>>, vector<16xf32>,
    %div3A = arith.constant 1.000000e+00 : f32
    %div3A_196 = vector.broadcast %div3A : f32 to vector<16xf32>
    %div3A_197 = arith.divf %div3A_196, %get3A_195 : vector<16xf32>
    %swap3A_198 = arith.constant 0 : index
    %swap3A_199 = tpu.vector_load %arg15[%swap3A_198] {strides = array<i32>} : memref<640xf32, #tpu.memory_space<vmem>>, vector<16xf32>,
    tpu.vector_store %arg15[%swap3A_198], %div3A_197 {strides = array<i32>} : memref<640xf32, #tpu.memory_space<vmem>>, vector<16xf32>,
    %get3A_200 = arith.constant 16 : index
    %get3A_201 = tpu.vector_load %arg15[%get3A_200] {strides = array<i32>} : memref<640xf32, #tpu.memory_space<vmem>>, vector<16xf32>,
    %div3A_202 = arith.constant 1.000000e+00 : f32
    %div3A_203 = vector.broadcast %div3A_202 : f32 to vector<16xf32>
    %div3A_204 = arith.divf %div3A_203, %get3A_201 : vector<16xf32>
    %swap3A_205 = arith.constant 16 : index
    %swap3A_206 = tpu.vector_load %arg15[%swap3A_205] {strides = array<i32>} : memref<640xf32, #tpu.memory_space<vmem>>, vector<16xf32>,
    tpu.vector_store %arg15[%swap3A_205], %div3A_204 {strides = array<i32>} : memref<640xf32, #tpu.memory_space<vmem>>, vector<16xf32>,
    %get3A_207 = arith.constant 32 : index
    %get3A_208 = tpu.vector_load %arg15[%get3A_207] {strides = array<i32>} : memref<640xf32, #tpu.memory_space<vmem>>, vector<16xf32>,
    %div3A_209 = arith.constant 1.000000e+00 : f32
    %div3A_210 = vector.broadcast %div3A_209 : f32 to vector<16xf32>
    %div3A_211 = arith.divf %div3A_210, %get3A_208 : vector<16xf32>
    %swap3A_212 = arith.constant 32 : index
    %swap3A_213 = tpu.vector_load %arg15[%swap3A_212] {strides = array<i32>} : memref<640xf32, #tpu.memory_space<vmem>>, vector<16xf32>,
    tpu.vector_store %arg15[%swap3A_212], %div3A_211 {strides = array<i32>} : memref<640xf32, #tpu.memory_space<vmem>>, vector<16xf32>,
    %get3A_214 = arith.constant 48 : index
    %get3A_215 = tpu.vector_load %arg15[%get3A_214] {strides = array<i32>} : memref<640xf32, #tpu.memory_space<vmem>>, vector<16xf32>,
    %div3A_216 = arith.constant 1.000000e+00 : f32
    %div3A_217 = vector.broadcast %div3A_216 : f32 to vector<16xf32>
    %div3A_218 = arith.divf %div3A_217, %get3A_215 : vector<16xf32>
    %swap3A_219 = arith.constant 48 : index
    %swap3A_220 = tpu.vector_load %arg15[%swap3A_219] {strides = array<i32>} : memref<640xf32, #tpu.memory_space<vmem>>, vector<16xf32>,
    tpu.vector_store %arg15[%swap3A_219], %div3A_218 {strides = array<i32>} : memref<640xf32, #tpu.memory_space<vmem>>, vector<16xf32>,
    %get3A_221 = arith.constant 64 : index
    %get3A_222 = tpu.vector_load %arg15[%get3A_221] {strides = array<i32>} : memref<640xf32, #tpu.memory_space<vmem>>, vector<16xf32>,
    %div3A_223 = arith.constant 1.000000e+00 : f32
    %div3A_224 = vector.broadcast %div3A_223 : f32 to vector<16xf32>
    %div3A_225 = arith.divf %div3A_224, %get3A_222 : vector<16xf32>
    %swap3A_226 = arith.constant 64 : index
    %swap3A_227 = tpu.vector_load %arg15[%swap3A_226] {strides = array<i32>} : memref<640xf32, #tpu.memory_space<vmem>>, vector<16xf32>,
    tpu.vector_store %arg15[%swap3A_226], %div3A_225 {strides = array<i32>} : memref<640xf32, #tpu.memory_space<vmem>>, vector<16xf32>,
    %get3A_228 = arith.constant 80 : index
    %get3A_229 = tpu.vector_load %arg15[%get3A_228] {strides = array<i32>} : memref<640xf32, #tpu.memory_space<vmem>>, vector<16xf32>,
    %div3A_230 = arith.constant 1.000000e+00 : f32
    %div3A_231 = vector.broadcast %div3A_230 : f32 to vector<16xf32>
    %div3A_232 = arith.divf %div3A_231, %get3A_229 : vector<16xf32>
    %swap3A_233 = arith.constant 80 : index
    %swap3A_234 = tpu.vector_load %arg15[%swap3A_233] {strides = array<i32>} : memref<640xf32, #tpu.memory_space<vmem>>, vector<16xf32>,
    tpu.vector_store %arg15[%swap3A_233], %div3A_232 {strides = array<i32>} : memref<640xf32, #tpu.memory_space<vmem>>, vector<16xf32>,
    %get3A_235 = arith.constant 96 : index
    %get3A_236 = tpu.vector_load %arg15[%get3A_235] {strides = array<i32>} : memref<640xf32, #tpu.memory_space<vmem>>, vector<16xf32>,
    %div3A_237 = arith.constant 1.000000e+00 : f32
    %div3A_238 = vector.broadcast %div3A_237 : f32 to vector<16xf32>
    %div3A_239 = arith.divf %div3A_238, %get3A_236 : vector<16xf32>
    %swap3A_240 = arith.constant 96 : index
    %swap3A_241 = tpu.vector_load %arg15[%swap3A_240] {strides = array<i32>} : memref<640xf32, #tpu.memory_space<vmem>>, vector<16xf32>,
    tpu.vector_store %arg15[%swap3A_240], %div3A_239 {strides = array<i32>} : memref<640xf32, #tpu.memory_space<vmem>>, vector<16xf32>,
    %get3A_242 = arith.constant 112 : index
    %get3A_243 = tpu.vector_load %arg15[%get3A_242] {strides = array<i32>} : memref<640xf32, #tpu.memory_space<vmem>>, vector<16xf32>,
    %div3A_244 = arith.constant 1.000000e+00 : f32
    %div3A_245 = vector.broadcast %div3A_244 : f32 to vector<16xf32>
    %div3A_246 = arith.divf %div3A_245, %get3A_243 : vector<16xf32>
    %swap3A_247 = arith.constant 112 : index
    %swap3A_248 = tpu.vector_load %arg15[%swap3A_247] {strides = array<i32>} : memref<640xf32, #tpu.memory_space<vmem>>, vector<16xf32>,
    tpu.vector_store %arg15[%swap3A_247], %div3A_246 {strides = array<i32>} : memref<640xf32, #tpu.memory_space<vmem>>, vector<16xf32>,
    %get3A_249 = arith.constant 128 : index
    %get3A_250 = tpu.vector_load %arg15[%get3A_249] {strides = array<i32>} : memref<640xf32, #tpu.memory_space<vmem>>, vector<16xf32>,
    %div3A_251 = arith.constant 1.000000e+00 : f32
    %div3A_252 = vector.broadcast %div3A_251 : f32 to vector<16xf32>
    %div3A_253 = arith.divf %div3A_252, %get3A_250 : vector<16xf32>
    %swap3A_254 = arith.constant 128 : index
    %swap3A_255 = tpu.vector_load %arg15[%swap3A_254] {strides = array<i32>} : memref<640xf32, #tpu.memory_space<vmem>>, vector<16xf32>,
    tpu.vector_store %arg15[%swap3A_254], %div3A_253 {strides = array<i32>} : memref<640xf32, #tpu.memory_space<vmem>>, vector<16xf32>,
    %get3A_256 = arith.constant 144 : index
    %get3A_257 = tpu.vector_load %arg15[%get3A_256] {strides = array<i32>} : memref<640xf32, #tpu.memory_space<vmem>>, vector<16xf32>,
    %div3A_258 = arith.constant 1.000000e+00 : f32
    %div3A_259 = vector.broadcast %div3A_258 : f32 to vector<16xf32>
    %div3A_260 = arith.divf %div3A_259, %get3A_257 : vector<16xf32>
    %swap3A_261 = arith.constant 144 : index
    %swap3A_262 = tpu.vector_load %arg15[%swap3A_261] {strides = array<i32>} : memref<640xf32, #tpu.memory_space<vmem>>, vector<16xf32>,
    tpu.vector_store %arg15[%swap3A_261], %div3A_260 {strides = array<i32>} : memref<640xf32, #tpu.memory_space<vmem>>, vector<16xf32>,
    %get3A_263 = arith.constant 160 : index
    %get3A_264 = tpu.vector_load %arg15[%get3A_263] {strides = array<i32>} : memref<640xf32, #tpu.memory_space<vmem>>, vector<16xf32>,
    %div3A_265 = arith.constant 1.000000e+00 : f32
    %div3A_266 = vector.broadcast %div3A_265 : f32 to vector<16xf32>
    %div3A_267 = arith.divf %div3A_266, %get3A_264 : vector<16xf32>
    %swap3A_268 = arith.constant 160 : index
    %swap3A_269 = tpu.vector_load %arg15[%swap3A_268] {strides = array<i32>} : memref<640xf32, #tpu.memory_space<vmem>>, vector<16xf32>,
    tpu.vector_store %arg15[%swap3A_268], %div3A_267 {strides = array<i32>} : memref<640xf32, #tpu.memory_space<vmem>>, vector<16xf32>,
    %get3A_270 = arith.constant 176 : index
    %get3A_271 = tpu.vector_load %arg15[%get3A_270] {strides = array<i32>} : memref<640xf32, #tpu.memory_space<vmem>>, vector<16xf32>,
    %div3A_272 = arith.constant 1.000000e+00 : f32
    %div3A_273 = vector.broadcast %div3A_272 : f32 to vector<16xf32>
    %div3A_274 = arith.divf %div3A_273, %get3A_271 : vector<16xf32>
    %swap3A_275 = arith.constant 176 : index
    %swap3A_276 = tpu.vector_load %arg15[%swap3A_275] {strides = array<i32>} : memref<640xf32, #tpu.memory_space<vmem>>, vector<16xf32>,
    tpu.vector_store %arg15[%swap3A_275], %div3A_274 {strides = array<i32>} : memref<640xf32, #tpu.memory_space<vmem>>, vector<16xf32>,
    %get3A_277 = arith.constant 192 : index
    %get3A_278 = tpu.vector_load %arg15[%get3A_277] {strides = array<i32>} : memref<640xf32, #tpu.memory_space<vmem>>, vector<16xf32>,
    %div3A_279 = arith.constant 1.000000e+00 : f32
    %div3A_280 = vector.broadcast %div3A_279 : f32 to vector<16xf32>
    %div3A_281 = arith.divf %div3A_280, %get3A_278 : vector<16xf32>
    %swap3A_282 = arith.constant 192 : index
    %swap3A_283 = tpu.vector_load %arg15[%swap3A_282] {strides = array<i32>} : memref<640xf32, #tpu.memory_space<vmem>>, vector<16xf32>,
    tpu.vector_store %arg15[%swap3A_282], %div3A_281 {strides = array<i32>} : memref<640xf32, #tpu.memory_space<vmem>>, vector<16xf32>,
    %get3A_284 = arith.constant 208 : index
    %get3A_285 = tpu.vector_load %arg15[%get3A_284] {strides = array<i32>} : memref<640xf32, #tpu.memory_space<vmem>>, vector<16xf32>,
    %div3A_286 = arith.constant 1.000000e+00 : f32
    %div3A_287 = vector.broadcast %div3A_286 : f32 to vector<16xf32>
    %div3A_288 = arith.divf %div3A_287, %get3A_285 : vector<16xf32>
    %swap3A_289 = arith.constant 208 : index
    %swap3A_290 = tpu.vector_load %arg15[%swap3A_289] {strides = array<i32>} : memref<640xf32, #tpu.memory_space<vmem>>, vector<16xf32>,
    tpu.vector_store %arg15[%swap3A_289], %div3A_288 {strides = array<i32>} : memref<640xf32, #tpu.memory_space<vmem>>, vector<16xf32>,
    %get3A_291 = arith.constant 224 : index
    %get3A_292 = tpu.vector_load %arg15[%get3A_291] {strides = array<i32>} : memref<640xf32, #tpu.memory_space<vmem>>, vector<16xf32>,
    %div3A_293 = arith.constant 1.000000e+00 : f32
    %div3A_294 = vector.broadcast %div3A_293 : f32 to vector<16xf32>
    %div3A_295 = arith.divf %div3A_294, %get3A_292 : vector<16xf32>
    %swap3A_296 = arith.constant 224 : index
    %swap3A_297 = tpu.vector_load %arg15[%swap3A_296] {strides = array<i32>} : memref<640xf32, #tpu.memory_space<vmem>>, vector<16xf32>,
    tpu.vector_store %arg15[%swap3A_296], %div3A_295 {strides = array<i32>} : memref<640xf32, #tpu.memory_space<vmem>>, vector<16xf32>,
    %get3A_298 = arith.constant 240 : index
    %get3A_299 = tpu.vector_load %arg15[%get3A_298] {strides = array<i32>} : memref<640xf32, #tpu.memory_space<vmem>>, vector<16xf32>,
    %div3A_300 = arith.constant 1.000000e+00 : f32
    %div3A_301 = vector.broadcast %div3A_300 : f32 to vector<16xf32>
    %div3A_302 = arith.divf %div3A_301, %get3A_299 : vector<16xf32>
    %swap3A_303 = arith.constant 240 : index
    %swap3A_304 = tpu.vector_load %arg15[%swap3A_303] {strides = array<i32>} : memref<640xf32, #tpu.memory_space<vmem>>, vector<16xf32>,
    tpu.vector_store %arg15[%swap3A_303], %div3A_302 {strides = array<i32>} : memref<640xf32, #tpu.memory_space<vmem>>, vector<16xf32>,
    %get3A_305 = arith.constant 256 : index
    %get3A_306 = tpu.vector_load %arg15[%get3A_305] {strides = array<i32>} : memref<640xf32, #tpu.memory_space<vmem>>, vector<16xf32>,
    %div3A_307 = arith.constant 1.000000e+00 : f32
    %div3A_308 = vector.broadcast %div3A_307 : f32 to vector<16xf32>
    %div3A_309 = arith.divf %div3A_308, %get3A_306 : vector<16xf32>
    %swap3A_310 = arith.constant 256 : index
    %swap3A_311 = tpu.vector_load %arg15[%swap3A_310] {strides = array<i32>} : memref<640xf32, #tpu.memory_space<vmem>>, vector<16xf32>,
    tpu.vector_store %arg15[%swap3A_310], %div3A_309 {strides = array<i32>} : memref<640xf32, #tpu.memory_space<vmem>>, vector<16xf32>,
    %get3A_312 = arith.constant 272 : index
    %get3A_313 = tpu.vector_load %arg15[%get3A_312] {strides = array<i32>} : memref<640xf32, #tpu.memory_space<vmem>>, vector<16xf32>,
    %div3A_314 = arith.constant 1.000000e+00 : f32
    %div3A_315 = vector.broadcast %div3A_314 : f32 to vector<16xf32>
    %div3A_316 = arith.divf %div3A_315, %get3A_313 : vector<16xf32>
    %swap3A_317 = arith.constant 272 : index
    %swap3A_318 = tpu.vector_load %arg15[%swap3A_317] {strides = array<i32>} : memref<640xf32, #tpu.memory_space<vmem>>, vector<16xf32>,
    tpu.vector_store %arg15[%swap3A_317], %div3A_316 {strides = array<i32>} : memref<640xf32, #tpu.memory_space<vmem>>, vector<16xf32>,
    %get3A_319 = arith.constant 288 : index
    %get3A_320 = tpu.vector_load %arg15[%get3A_319] {strides = array<i32>} : memref<640xf32, #tpu.memory_space<vmem>>, vector<16xf32>,
    %div3A_321 = arith.constant 1.000000e+00 : f32
    %div3A_322 = vector.broadcast %div3A_321 : f32 to vector<16xf32>
    %div3A_323 = arith.divf %div3A_322, %get3A_320 : vector<16xf32>
    %swap3A_324 = arith.constant 288 : index
    %swap3A_325 = tpu.vector_load %arg15[%swap3A_324] {strides = array<i32>} : memref<640xf32, #tpu.memory_space<vmem>>, vector<16xf32>,
    tpu.vector_store %arg15[%swap3A_324], %div3A_323 {strides = array<i32>} : memref<640xf32, #tpu.memory_space<vmem>>, vector<16xf32>,
    %get3A_326 = arith.constant 304 : index
    %get3A_327 = tpu.vector_load %arg15[%get3A_326] {strides = array<i32>} : memref<640xf32, #tpu.memory_space<vmem>>, vector<16xf32>,
    %div3A_328 = arith.constant 1.000000e+00 : f32
    %div3A_329 = vector.broadcast %div3A_328 : f32 to vector<16xf32>
    %div3A_330 = arith.divf %div3A_329, %get3A_327 : vector<16xf32>
    %swap3A_331 = arith.constant 304 : index
    %swap3A_332 = tpu.vector_load %arg15[%swap3A_331] {strides = array<i32>} : memref<640xf32, #tpu.memory_space<vmem>>, vector<16xf32>,
    tpu.vector_store %arg15[%swap3A_331], %div3A_330 {strides = array<i32>} : memref<640xf32, #tpu.memory_space<vmem>>, vector<16xf32>,
    %get3A_333 = arith.constant 320 : index
    %get3A_334 = tpu.vector_load %arg15[%get3A_333] {strides = array<i32>} : memref<640xf32, #tpu.memory_space<vmem>>, vector<16xf32>,
    %div3A_335 = arith.constant 1.000000e+00 : f32
    %div3A_336 = vector.broadcast %div3A_335 : f32 to vector<16xf32>
    %div3A_337 = arith.divf %div3A_336, %get3A_334 : vector<16xf32>
    %swap3A_338 = arith.constant 320 : index
    %swap3A_339 = tpu.vector_load %arg15[%swap3A_338] {strides = array<i32>} : memref<640xf32, #tpu.memory_space<vmem>>, vector<16xf32>,
    tpu.vector_store %arg15[%swap3A_338], %div3A_337 {strides = array<i32>} : memref<640xf32, #tpu.memory_space<vmem>>, vector<16xf32>,
    %get3A_340 = arith.constant 336 : index
    %get3A_341 = tpu.vector_load %arg15[%get3A_340] {strides = array<i32>} : memref<640xf32, #tpu.memory_space<vmem>>, vector<16xf32>,
    %div3A_342 = arith.constant 1.000000e+00 : f32
    %div3A_343 = vector.broadcast %div3A_342 : f32 to vector<16xf32>
    %div3A_344 = arith.divf %div3A_343, %get3A_341 : vector<16xf32>
    %swap3A_345 = arith.constant 336 : index
    %swap3A_346 = tpu.vector_load %arg15[%swap3A_345] {strides = array<i32>} : memref<640xf32, #tpu.memory_space<vmem>>, vector<16xf32>,
    tpu.vector_store %arg15[%swap3A_345], %div3A_344 {strides = array<i32>} : memref<640xf32, #tpu.memory_space<vmem>>, vector<16xf32>,
    %get3A_347 = arith.constant 352 : index
    %get3A_348 = tpu.vector_load %arg15[%get3A_347] {strides = array<i32>} : memref<640xf32, #tpu.memory_space<vmem>>, vector<16xf32>,
    %div3A_349 = arith.constant 1.000000e+00 : f32
    %div3A_350 = vector.broadcast %div3A_349 : f32 to vector<16xf32>
    %div3A_351 = arith.divf %div3A_350, %get3A_348 : vector<16xf32>
    %swap3A_352 = arith.constant 352 : index
    %swap3A_353 = tpu.vector_load %arg15[%swap3A_352] {strides = array<i32>} : memref<640xf32, #tpu.memory_space<vmem>>, vector<16xf32>,
    tpu.vector_store %arg15[%swap3A_352], %div3A_351 {strides = array<i32>} : memref<640xf32, #tpu.memory_space<vmem>>, vector<16xf32>,
    %get3A_354 = arith.constant 368 : index
    %get3A_355 = tpu.vector_load %arg15[%get3A_354] {strides = array<i32>} : memref<640xf32, #tpu.memory_space<vmem>>, vector<16xf32>,
    %div3A_356 = arith.constant 1.000000e+00 : f32
    %div3A_357 = vector.broadcast %div3A_356 : f32 to vector<16xf32>
    %div3A_358 = arith.divf %div3A_357, %get3A_355 : vector<16xf32>
    %swap3A_359 = arith.constant 368 : index
    %swap3A_360 = tpu.vector_load %arg15[%swap3A_359] {strides = array<i32>} : memref<640xf32, #tpu.memory_space<vmem>>, vector<16xf32>,
    tpu.vector_store %arg15[%swap3A_359], %div3A_358 {strides = array<i32>} : memref<640xf32, #tpu.memory_space<vmem>>, vector<16xf32>,
    %get3A_361 = arith.constant 384 : index
    %get3A_362 = tpu.vector_load %arg15[%get3A_361] {strides = array<i32>} : memref<640xf32, #tpu.memory_space<vmem>>, vector<16xf32>,
    %div3A_363 = arith.constant 1.000000e+00 : f32
    %div3A_364 = vector.broadcast %div3A_363 : f32 to vector<16xf32>
    %div3A_365 = arith.divf %div3A_364, %get3A_362 : vector<16xf32>
    %swap3A_366 = arith.constant 384 : index
    %swap3A_367 = tpu.vector_load %arg15[%swap3A_366] {strides = array<i32>} : memref<640xf32, #tpu.memory_space<vmem>>, vector<16xf32>,
    tpu.vector_store %arg15[%swap3A_366], %div3A_365 {strides = array<i32>} : memref<640xf32, #tpu.memory_space<vmem>>, vector<16xf32>,
    %get3A_368 = arith.constant 400 : index
    %get3A_369 = tpu.vector_load %arg15[%get3A_368] {strides = array<i32>} : memref<640xf32, #tpu.memory_space<vmem>>, vector<16xf32>,
    %div3A_370 = arith.constant 1.000000e+00 : f32
    %div3A_371 = vector.broadcast %div3A_370 : f32 to vector<16xf32>
    %div3A_372 = arith.divf %div3A_371, %get3A_369 : vector<16xf32>
    %swap3A_373 = arith.constant 400 : index
    %swap3A_374 = tpu.vector_load %arg15[%swap3A_373] {strides = array<i32>} : memref<640xf32, #tpu.memory_space<vmem>>, vector<16xf32>,
    tpu.vector_store %arg15[%swap3A_373], %div3A_372 {strides = array<i32>} : memref<640xf32, #tpu.memory_space<vmem>>, vector<16xf32>,
    %get3A_375 = arith.constant 416 : index
    %get3A_376 = tpu.vector_load %arg15[%get3A_375] {strides = array<i32>} : memref<640xf32, #tpu.memory_space<vmem>>, vector<16xf32>,
    %div3A_377 = arith.constant 1.000000e+00 : f32
    %div3A_378 = vector.broadcast %div3A_377 : f32 to vector<16xf32>
    %div3A_379 = arith.divf %div3A_378, %get3A_376 : vector<16xf32>
    %swap3A_380 = arith.constant 416 : index
    %swap3A_381 = tpu.vector_load %arg15[%swap3A_380] {strides = array<i32>} : memref<640xf32, #tpu.memory_space<vmem>>, vector<16xf32>,
    tpu.vector_store %arg15[%swap3A_380], %div3A_379 {strides = array<i32>} : memref<640xf32, #tpu.memory_space<vmem>>, vector<16xf32>,
    %get3A_382 = arith.constant 432 : index
    %get3A_383 = tpu.vector_load %arg15[%get3A_382] {strides = array<i32>} : memref<640xf32, #tpu.memory_space<vmem>>, vector<16xf32>,
    %div3A_384 = arith.constant 1.000000e+00 : f32
    %div3A_385 = vector.broadcast %div3A_384 : f32 to vector<16xf32>
    %div3A_386 = arith.divf %div3A_385, %get3A_383 : vector<16xf32>
    %swap3A_387 = arith.constant 432 : index
    %swap3A_388 = tpu.vector_load %arg15[%swap3A_387] {strides = array<i32>} : memref<640xf32, #tpu.memory_space<vmem>>, vector<16xf32>,
    tpu.vector_store %arg15[%swap3A_387], %div3A_386 {strides = array<i32>} : memref<640xf32, #tpu.memory_space<vmem>>, vector<16xf32>,
    %get3A_389 = arith.constant 448 : index
    %get3A_390 = tpu.vector_load %arg15[%get3A_389] {strides = array<i32>} : memref<640xf32, #tpu.memory_space<vmem>>, vector<16xf32>,
    %div3A_391 = arith.constant 1.000000e+00 : f32
    %div3A_392 = vector.broadcast %div3A_391 : f32 to vector<16xf32>
    %div3A_393 = arith.divf %div3A_392, %get3A_390 : vector<16xf32>
    %swap3A_394 = arith.constant 448 : index
    %swap3A_395 = tpu.vector_load %arg15[%swap3A_394] {strides = array<i32>} : memref<640xf32, #tpu.memory_space<vmem>>, vector<16xf32>,
    tpu.vector_store %arg15[%swap3A_394], %div3A_393 {strides = array<i32>} : memref<640xf32, #tpu.memory_space<vmem>>, vector<16xf32>,
    %get3A_396 = arith.constant 464 : index
    %get3A_397 = tpu.vector_load %arg15[%get3A_396] {strides = array<i32>} : memref<640xf32, #tpu.memory_space<vmem>>, vector<16xf32>,
    %div3A_398 = arith.constant 1.000000e+00 : f32
    %div3A_399 = vector.broadcast %div3A_398 : f32 to vector<16xf32>
    %div3A_400 = arith.divf %div3A_399, %get3A_397 : vector<16xf32>
    %swap3A_401 = arith.constant 464 : index
    %swap3A_402 = tpu.vector_load %arg15[%swap3A_401] {strides = array<i32>} : memref<640xf32, #tpu.memory_space<vmem>>, vector<16xf32>,
    tpu.vector_store %arg15[%swap3A_401], %div3A_400 {strides = array<i32>} : memref<640xf32, #tpu.memory_space<vmem>>, vector<16xf32>,
    %get3A_403 = arith.constant 480 : index
    %get3A_404 = tpu.vector_load %arg15[%get3A_403] {strides = array<i32>} : memref<640xf32, #tpu.memory_space<vmem>>, vector<16xf32>,
    %div3A_405 = arith.constant 1.000000e+00 : f32
    %div3A_406 = vector.broadcast %div3A_405 : f32 to vector<16xf32>
    %div3A_407 = arith.divf %div3A_406, %get3A_404 : vector<16xf32>
    %swap3A_408 = arith.constant 480 : index
    %swap3A_409 = tpu.vector_load %arg15[%swap3A_408] {strides = array<i32>} : memref<640xf32, #tpu.memory_space<vmem>>, vector<16xf32>,
    tpu.vector_store %arg15[%swap3A_408], %div3A_407 {strides = array<i32>} : memref<640xf32, #tpu.memory_space<vmem>>, vector<16xf32>,
    %get3A_410 = arith.constant 496 : index
    %get3A_411 = tpu.vector_load %arg15[%get3A_410] {strides = array<i32>} : memref<640xf32, #tpu.memory_space<vmem>>, vector<16xf32>,
    %div3A_412 = arith.constant 1.000000e+00 : f32
    %div3A_413 = vector.broadcast %div3A_412 : f32 to vector<16xf32>
    %div3A_414 = arith.divf %div3A_413, %get3A_411 : vector<16xf32>
    %swap3A_415 = arith.constant 496 : index
    %swap3A_416 = tpu.vector_load %arg15[%swap3A_415] {strides = array<i32>} : memref<640xf32, #tpu.memory_space<vmem>>, vector<16xf32>,
    tpu.vector_store %arg15[%swap3A_415], %div3A_414 {strides = array<i32>} : memref<640xf32, #tpu.memory_space<vmem>>, vector<16xf32>,
    %get3A_417 = arith.constant 512 : index
    %get3A_418 = tpu.vector_load %arg15[%get3A_417] {strides = array<i32>} : memref<640xf32, #tpu.memory_space<vmem>>, vector<16xf32>,
    %div3A_419 = arith.constant 1.000000e+00 : f32
    %div3A_420 = vector.broadcast %div3A_419 : f32 to vector<16xf32>
    %div3A_421 = arith.divf %div3A_420, %get3A_418 : vector<16xf32>
    %swap3A_422 = arith.constant 512 : index
    %swap3A_423 = tpu.vector_load %arg15[%swap3A_422] {strides = array<i32>} : memref<640xf32, #tpu.memory_space<vmem>>, vector<16xf32>,
    tpu.vector_store %arg15[%swap3A_422], %div3A_421 {strides = array<i32>} : memref<640xf32, #tpu.memory_space<vmem>>, vector<16xf32>,
    %get3A_424 = arith.constant 528 : index
    %get3A_425 = tpu.vector_load %arg15[%get3A_424] {strides = array<i32>} : memref<640xf32, #tpu.memory_space<vmem>>, vector<16xf32>,
    %div3A_426 = arith.constant 1.000000e+00 : f32
    %div3A_427 = vector.broadcast %div3A_426 : f32 to vector<16xf32>
    %div3A_428 = arith.divf %div3A_427, %get3A_425 : vector<16xf32>
    %swap3A_429 = arith.constant 528 : index
    %swap3A_430 = tpu.vector_load %arg15[%swap3A_429] {strides = array<i32>} : memref<640xf32, #tpu.memory_space<vmem>>, vector<16xf32>,
    tpu.vector_store %arg15[%swap3A_429], %div3A_428 {strides = array<i32>} : memref<640xf32, #tpu.memory_space<vmem>>, vector<16xf32>,
    %get3A_431 = arith.constant 544 : index
    %get3A_432 = tpu.vector_load %arg15[%get3A_431] {strides = array<i32>} : memref<640xf32, #tpu.memory_space<vmem>>, vector<16xf32>,
    %div3A_433 = arith.constant 1.000000e+00 : f32
    %div3A_434 = vector.broadcast %div3A_433 : f32 to vector<16xf32>
    %div3A_435 = arith.divf %div3A_434, %get3A_432 : vector<16xf32>
    %swap3A_436 = arith.constant 544 : index
    %swap3A_437 = tpu.vector_load %arg15[%swap3A_436] {strides = array<i32>} : memref<640xf32, #tpu.memory_space<vmem>>, vector<16xf32>,
    tpu.vector_store %arg15[%swap3A_436], %div3A_435 {strides = array<i32>} : memref<640xf32, #tpu.memory_space<vmem>>, vector<16xf32>,
    %get3A_438 = arith.constant 560 : index
    %get3A_439 = tpu.vector_load %arg15[%get3A_438] {strides = array<i32>} : memref<640xf32, #tpu.memory_space<vmem>>, vector<16xf32>,
    %div3A_440 = arith.constant 1.000000e+00 : f32
    %div3A_441 = vector.broadcast %div3A_440 : f32 to vector<16xf32>
    %div3A_442 = arith.divf %div3A_441, %get3A_439 : vector<16xf32>
    %swap3A_443 = arith.constant 560 : index
    %swap3A_444 = tpu.vector_load %arg15[%swap3A_443] {strides = array<i32>} : memref<640xf32, #tpu.memory_space<vmem>>, vector<16xf32>,
    tpu.vector_store %arg15[%swap3A_443], %div3A_442 {strides = array<i32>} : memref<640xf32, #tpu.memory_space<vmem>>, vector<16xf32>,
    %get3A_445 = arith.constant 576 : index
    %get3A_446 = tpu.vector_load %arg15[%get3A_445] {strides = array<i32>} : memref<640xf32, #tpu.memory_space<vmem>>, vector<16xf32>,
    %div3A_447 = arith.constant 1.000000e+00 : f32
    %div3A_448 = vector.broadcast %div3A_447 : f32 to vector<16xf32>
    %div3A_449 = arith.divf %div3A_448, %get3A_446 : vector<16xf32>
    %swap3A_450 = arith.constant 576 : index
    %swap3A_451 = tpu.vector_load %arg15[%swap3A_450] {strides = array<i32>} : memref<640xf32, #tpu.memory_space<vmem>>, vector<16xf32>,
    tpu.vector_store %arg15[%swap3A_450], %div3A_449 {strides = array<i32>} : memref<640xf32, #tpu.memory_space<vmem>>, vector<16xf32>,
    %get3A_452 = arith.constant 592 : index
    %get3A_453 = tpu.vector_load %arg15[%get3A_452] {strides = array<i32>} : memref<640xf32, #tpu.memory_space<vmem>>, vector<16xf32>,
    %div3A_454 = arith.constant 1.000000e+00 : f32
    %div3A_455 = vector.broadcast %div3A_454 : f32 to vector<16xf32>
    %div3A_456 = arith.divf %div3A_455, %get3A_453 : vector<16xf32>
    %swap3A_457 = arith.constant 592 : index
    %swap3A_458 = tpu.vector_load %arg15[%swap3A_457] {strides = array<i32>} : memref<640xf32, #tpu.memory_space<vmem>>, vector<16xf32>,
    tpu.vector_store %arg15[%swap3A_457], %div3A_456 {strides = array<i32>} : memref<640xf32, #tpu.memory_space<vmem>>, vector<16xf32>,
    %get3A_459 = arith.constant 608 : index
    %get3A_460 = tpu.vector_load %arg15[%get3A_459] {strides = array<i32>} : memref<640xf32, #tpu.memory_space<vmem>>, vector<16xf32>,
    %div3A_461 = arith.constant 1.000000e+00 : f32
    %div3A_462 = vector.broadcast %div3A_461 : f32 to vector<16xf32>
    %div3A_463 = arith.divf %div3A_462, %get3A_460 : vector<16xf32>
    %swap3A_464 = arith.constant 608 : index
    %swap3A_465 = tpu.vector_load %arg15[%swap3A_464] {strides = array<i32>} : memref<640xf32, #tpu.memory_space<vmem>>, vector<16xf32>,
    tpu.vector_store %arg15[%swap3A_464], %div3A_463 {strides = array<i32>} : memref<640xf32, #tpu.memory_space<vmem>>, vector<16xf32>,
    %get3A_466 = arith.constant 624 : index
    %get3A_467 = tpu.vector_load %arg15[%get3A_466] {strides = array<i32>} : memref<640xf32, #tpu.memory_space<vmem>>, vector<16xf32>,
    %div3A_468 = arith.constant 1.000000e+00 : f32
    %div3A_469 = vector.broadcast %div3A_468 : f32 to vector<16xf32>
    %div3A_470 = arith.divf %div3A_469, %get3A_467 : vector<16xf32>
    %swap3A_471 = arith.constant 624 : index
    %swap3A_472 = tpu.vector_load %arg15[%swap3A_471] {strides = array<i32>} : memref<640xf32, #tpu.memory_space<vmem>>, vector<16xf32>,
    tpu.vector_store %arg15[%swap3A_471], %div3A_470 {strides = array<i32>} : memref<640xf32, #tpu.memory_space<vmem>>, vector<16xf32>,
    %mul3A_473 = arith.constant 640 : i32
    %mul3A_474 = arith.muli %arg1, %mul3A_473 : i32
    "tpu.region"() ({
      %run_scoped3A = tpu.sem_alloc : memref<!tpu.dma_semaphore, #tpu.memory_space<semaphore_mem>>
      %dma_start3A = tpu.memref_slice %arg16[%mul3A_474] : memref<10240xf32, #tpu.memory_space<vmem_shared>> -> memref<640xf32, #tpu.memory_space<vmem_shared>>
      %dma_start3A_485 = tpu.memref_slice %arg16[%mul3A_474] : memref<10240xf32, #tpu.memory_space<vmem_shared>> -> memref<640xf32, #tpu.memory_space<vmem_shared>>
      tpu.enqueue_dma source(%arg15 : memref<640xf32, #tpu.memory_space<vmem>>) target(%dma_start3A_485 : memref<640xf32, #tpu.memory_space<vmem_shared>>) target_semaphore(%run_scoped3A : memref<!tpu.dma_semaphore, #tpu.memory_space<semaphore_mem>>)
      %dma_wait3A = tpu.memref_slice %arg16[%mul3A_474] : memref<10240xf32, #tpu.memory_space<vmem_shared>> -> memref<640xf32, #tpu.memory_space<vmem_shared>>
      %dma_wait3A_486 = tpu.memref_slice %arg16[%mul3A_474] : memref<10240xf32, #tpu.memory_space<vmem_shared>> -> memref<640xf32, #tpu.memory_space<vmem_shared>>
      tpu.wait_dma2 semaphore(%run_scoped3A : memref<!tpu.dma_semaphore, #tpu.memory_space<semaphore_mem>>) src(%arg15 : memref<640xf32, #tpu.memory_space<vmem>>) dst(%dma_wait3A_486 : memref<640xf32, #tpu.memory_space<vmem_shared>>)
      tpu.yield
    }) : () -> ()
    %barrier3A_475 = arith.constant 0 : index
    tpu.barrier barrier_id(%barrier3A_475)
    "tpu.region"() ({
      %run_scoped3A = tpu.sem_alloc : memref<!tpu.dma_semaphore, #tpu.memory_space<semaphore_mem>>
      tpu.enqueue_dma source(%arg16 : memref<10240xf32, #tpu.memory_space<vmem_shared>>) target(%arg14 : memref<10240xf32, #tpu.memory_space<vmem>>) target_semaphore(%run_scoped3A : memref<!tpu.dma_semaphore, #tpu.memory_space<semaphore_mem>>)
      tpu.wait_dma2 semaphore(%run_scoped3A : memref<!tpu.dma_semaphore, #tpu.memory_space<semaphore_mem>>) src(%arg16 : memref<10240xf32, #tpu.memory_space<vmem_shared>>) dst(%arg14 : memref<10240xf32, #tpu.memory_space<vmem>>)
      tpu.yield
    }) : () -> ()
    %parallel_loop3A = arith.constant 0 : i32
    %parallel_loop3A_476 = arith.constant 1 : i32
    scf.for %parallel_loop3A_485 = %parallel_loop3A to %select_n3A step %parallel_loop3A_476  : i32 {
      %parallel_loop3A_486 = arith.index_cast %parallel_loop3A_485 : i32 to index
      %parallel_loop3A_487 = arith.constant 0 : index
      %parallel_loop3A_488 = tpu.vector_load %arg8[%parallel_loop3A_486, %parallel_loop3A_487] {strides = array<i32>} : memref<160x128xi32, #tpu.memory_space<vmem>>, vector<16xi32>,
      %parallel_loop3A_489 = tpu.vector_load_idx %arg14[%parallel_loop3A_488] : memref<10240xf32, #tpu.memory_space<vmem>>[vector<16xi32>], vector<16xf32>,
      %parallel_loop3A_490 = arith.index_cast %parallel_loop3A_485 : i32 to index
      %parallel_loop3A_491 = arith.constant 0 : index
      %parallel_loop3A_492 = tpu.vector_load %arg10[%parallel_loop3A_490, %parallel_loop3A_491] {strides = array<i32>} : memref<160x128xf32, #tpu.memory_space<vmem>>, vector<16xf32>,
      %parallel_loop3A_493 = arith.mulf %parallel_loop3A_492, %parallel_loop3A_489 : vector<16xf32>
      %parallel_loop3A_494 = arith.index_cast %parallel_loop3A_485 : i32 to index
      %parallel_loop3A_495 = arith.constant 0 : index
      %parallel_loop3A_496 = tpu.vector_load %arg10[%parallel_loop3A_494, %parallel_loop3A_495] {strides = array<i32>} : memref<160x128xf32, #tpu.memory_space<vmem>>, vector<16xf32>,
      tpu.vector_store %arg10[%parallel_loop3A_494, %parallel_loop3A_495], %parallel_loop3A_493 {strides = array<i32>} : memref<160x128xf32, #tpu.memory_space<vmem>>, vector<16xf32>,
      %parallel_loop3A_497 = arith.index_cast %parallel_loop3A_485 : i32 to index
      %parallel_loop3A_498 = arith.constant 16 : index
      %parallel_loop3A_499 = tpu.vector_load %arg8[%parallel_loop3A_497, %parallel_loop3A_498] {strides = array<i32>} : memref<160x128xi32, #tpu.memory_space<vmem>>, vector<16xi32>,
      %parallel_loop3A_500 = tpu.vector_load_idx %arg14[%parallel_loop3A_499] : memref<10240xf32, #tpu.memory_space<vmem>>[vector<16xi32>], vector<16xf32>,
      %parallel_loop3A_501 = arith.index_cast %parallel_loop3A_485 : i32 to index
      %parallel_loop3A_502 = arith.constant 16 : index
      %parallel_loop3A_503 = tpu.vector_load %arg10[%parallel_loop3A_501, %parallel_loop3A_502] {strides = array<i32>} : memref<160x128xf32, #tpu.memory_space<vmem>>, vector<16xf32>,
      %parallel_loop3A_504 = arith.mulf %parallel_loop3A_503, %parallel_loop3A_500 : vector<16xf32>
      %parallel_loop3A_505 = arith.index_cast %parallel_loop3A_485 : i32 to index
      %parallel_loop3A_506 = arith.constant 16 : index
      %parallel_loop3A_507 = tpu.vector_load %arg10[%parallel_loop3A_505, %parallel_loop3A_506] {strides = array<i32>} : memref<160x128xf32, #tpu.memory_space<vmem>>, vector<16xf32>,
      tpu.vector_store %arg10[%parallel_loop3A_505, %parallel_loop3A_506], %parallel_loop3A_504 {strides = array<i32>} : memref<160x128xf32, #tpu.memory_space<vmem>>, vector<16xf32>,
      %parallel_loop3A_508 = arith.index_cast %parallel_loop3A_485 : i32 to index
      %parallel_loop3A_509 = arith.constant 32 : index
      %parallel_loop3A_510 = tpu.vector_load %arg8[%parallel_loop3A_508, %parallel_loop3A_509] {strides = array<i32>} : memref<160x128xi32, #tpu.memory_space<vmem>>, vector<16xi32>,
      %parallel_loop3A_511 = tpu.vector_load_idx %arg14[%parallel_loop3A_510] : memref<10240xf32, #tpu.memory_space<vmem>>[vector<16xi32>], vector<16xf32>,
      %parallel_loop3A_512 = arith.index_cast %parallel_loop3A_485 : i32 to index
      %parallel_loop3A_513 = arith.constant 32 : index
      %parallel_loop3A_514 = tpu.vector_load %arg10[%parallel_loop3A_512, %parallel_loop3A_513] {strides = array<i32>} : memref<160x128xf32, #tpu.memory_space<vmem>>, vector<16xf32>,
      %parallel_loop3A_515 = arith.mulf %parallel_loop3A_514, %parallel_loop3A_511 : vector<16xf32>
      %parallel_loop3A_516 = arith.index_cast %parallel_loop3A_485 : i32 to index
      %parallel_loop3A_517 = arith.constant 32 : index
      %parallel_loop3A_518 = tpu.vector_load %arg10[%parallel_loop3A_516, %parallel_loop3A_517] {strides = array<i32>} : memref<160x128xf32, #tpu.memory_space<vmem>>, vector<16xf32>,
      tpu.vector_store %arg10[%parallel_loop3A_516, %parallel_loop3A_517], %parallel_loop3A_515 {strides = array<i32>} : memref<160x128xf32, #tpu.memory_space<vmem>>, vector<16xf32>,
      %parallel_loop3A_519 = arith.index_cast %parallel_loop3A_485 : i32 to index
      %parallel_loop3A_520 = arith.constant 48 : index
      %parallel_loop3A_521 = tpu.vector_load %arg8[%parallel_loop3A_519, %parallel_loop3A_520] {strides = array<i32>} : memref<160x128xi32, #tpu.memory_space<vmem>>, vector<16xi32>,
      %parallel_loop3A_522 = tpu.vector_load_idx %arg14[%parallel_loop3A_521] : memref<10240xf32, #tpu.memory_space<vmem>>[vector<16xi32>], vector<16xf32>,
      %parallel_loop3A_523 = arith.index_cast %parallel_loop3A_485 : i32 to index
      %parallel_loop3A_524 = arith.constant 48 : index
      %parallel_loop3A_525 = tpu.vector_load %arg10[%parallel_loop3A_523, %parallel_loop3A_524] {strides = array<i32>} : memref<160x128xf32, #tpu.memory_space<vmem>>, vector<16xf32>,
      %parallel_loop3A_526 = arith.mulf %parallel_loop3A_525, %parallel_loop3A_522 : vector<16xf32>
      %parallel_loop3A_527 = arith.index_cast %parallel_loop3A_485 : i32 to index
      %parallel_loop3A_528 = arith.constant 48 : index
      %parallel_loop3A_529 = tpu.vector_load %arg10[%parallel_loop3A_527, %parallel_loop3A_528] {strides = array<i32>} : memref<160x128xf32, #tpu.memory_space<vmem>>, vector<16xf32>,
      tpu.vector_store %arg10[%parallel_loop3A_527, %parallel_loop3A_528], %parallel_loop3A_526 {strides = array<i32>} : memref<160x128xf32, #tpu.memory_space<vmem>>, vector<16xf32>,
      %parallel_loop3A_530 = arith.index_cast %parallel_loop3A_485 : i32 to index
      %parallel_loop3A_531 = arith.constant 64 : index
      %parallel_loop3A_532 = tpu.vector_load %arg8[%parallel_loop3A_530, %parallel_loop3A_531] {strides = array<i32>} : memref<160x128xi32, #tpu.memory_space<vmem>>, vector<16xi32>,
      %parallel_loop3A_533 = tpu.vector_load_idx %arg14[%parallel_loop3A_532] : memref<10240xf32, #tpu.memory_space<vmem>>[vector<16xi32>], vector<16xf32>,
      %parallel_loop3A_534 = arith.index_cast %parallel_loop3A_485 : i32 to index
      %parallel_loop3A_535 = arith.constant 64 : index
      %parallel_loop3A_536 = tpu.vector_load %arg10[%parallel_loop3A_534, %parallel_loop3A_535] {strides = array<i32>} : memref<160x128xf32, #tpu.memory_space<vmem>>, vector<16xf32>,
      %parallel_loop3A_537 = arith.mulf %parallel_loop3A_536, %parallel_loop3A_533 : vector<16xf32>
      %parallel_loop3A_538 = arith.index_cast %parallel_loop3A_485 : i32 to index
      %parallel_loop3A_539 = arith.constant 64 : index
      %parallel_loop3A_540 = tpu.vector_load %arg10[%parallel_loop3A_538, %parallel_loop3A_539] {strides = array<i32>} : memref<160x128xf32, #tpu.memory_space<vmem>>, vector<16xf32>,
      tpu.vector_store %arg10[%parallel_loop3A_538, %parallel_loop3A_539], %parallel_loop3A_537 {strides = array<i32>} : memref<160x128xf32, #tpu.memory_space<vmem>>, vector<16xf32>,
      %parallel_loop3A_541 = arith.index_cast %parallel_loop3A_485 : i32 to index
      %parallel_loop3A_542 = arith.constant 80 : index
      %parallel_loop3A_543 = tpu.vector_load %arg8[%parallel_loop3A_541, %parallel_loop3A_542] {strides = array<i32>} : memref<160x128xi32, #tpu.memory_space<vmem>>, vector<16xi32>,
      %parallel_loop3A_544 = tpu.vector_load_idx %arg14[%parallel_loop3A_543] : memref<10240xf32, #tpu.memory_space<vmem>>[vector<16xi32>], vector<16xf32>,
      %parallel_loop3A_545 = arith.index_cast %parallel_loop3A_485 : i32 to index
      %parallel_loop3A_546 = arith.constant 80 : index
      %parallel_loop3A_547 = tpu.vector_load %arg10[%parallel_loop3A_545, %parallel_loop3A_546] {strides = array<i32>} : memref<160x128xf32, #tpu.memory_space<vmem>>, vector<16xf32>,
      %parallel_loop3A_548 = arith.mulf %parallel_loop3A_547, %parallel_loop3A_544 : vector<16xf32>
      %parallel_loop3A_549 = arith.index_cast %parallel_loop3A_485 : i32 to index
      %parallel_loop3A_550 = arith.constant 80 : index
      %parallel_loop3A_551 = tpu.vector_load %arg10[%parallel_loop3A_549, %parallel_loop3A_550] {strides = array<i32>} : memref<160x128xf32, #tpu.memory_space<vmem>>, vector<16xf32>,
      tpu.vector_store %arg10[%parallel_loop3A_549, %parallel_loop3A_550], %parallel_loop3A_548 {strides = array<i32>} : memref<160x128xf32, #tpu.memory_space<vmem>>, vector<16xf32>,
      %parallel_loop3A_552 = arith.index_cast %parallel_loop3A_485 : i32 to index
      %parallel_loop3A_553 = arith.constant 96 : index
      %parallel_loop3A_554 = tpu.vector_load %arg8[%parallel_loop3A_552, %parallel_loop3A_553] {strides = array<i32>} : memref<160x128xi32, #tpu.memory_space<vmem>>, vector<16xi32>,
      %parallel_loop3A_555 = tpu.vector_load_idx %arg14[%parallel_loop3A_554] : memref<10240xf32, #tpu.memory_space<vmem>>[vector<16xi32>], vector<16xf32>,
      %parallel_loop3A_556 = arith.index_cast %parallel_loop3A_485 : i32 to index
      %parallel_loop3A_557 = arith.constant 96 : index
      %parallel_loop3A_558 = tpu.vector_load %arg10[%parallel_loop3A_556, %parallel_loop3A_557] {strides = array<i32>} : memref<160x128xf32, #tpu.memory_space<vmem>>, vector<16xf32>,
      %parallel_loop3A_559 = arith.mulf %parallel_loop3A_558, %parallel_loop3A_555 : vector<16xf32>
      %parallel_loop3A_560 = arith.index_cast %parallel_loop3A_485 : i32 to index
      %parallel_loop3A_561 = arith.constant 96 : index
      %parallel_loop3A_562 = tpu.vector_load %arg10[%parallel_loop3A_560, %parallel_loop3A_561] {strides = array<i32>} : memref<160x128xf32, #tpu.memory_space<vmem>>, vector<16xf32>,
      tpu.vector_store %arg10[%parallel_loop3A_560, %parallel_loop3A_561], %parallel_loop3A_559 {strides = array<i32>} : memref<160x128xf32, #tpu.memory_space<vmem>>, vector<16xf32>,
      %parallel_loop3A_563 = arith.index_cast %parallel_loop3A_485 : i32 to index
      %parallel_loop3A_564 = arith.constant 112 : index
      %parallel_loop3A_565 = tpu.vector_load %arg8[%parallel_loop3A_563, %parallel_loop3A_564] {strides = array<i32>} : memref<160x128xi32, #tpu.memory_space<vmem>>, vector<16xi32>,
      %parallel_loop3A_566 = tpu.vector_load_idx %arg14[%parallel_loop3A_565] : memref<10240xf32, #tpu.memory_space<vmem>>[vector<16xi32>], vector<16xf32>,
      %parallel_loop3A_567 = arith.index_cast %parallel_loop3A_485 : i32 to index
      %parallel_loop3A_568 = arith.constant 112 : index
      %parallel_loop3A_569 = tpu.vector_load %arg10[%parallel_loop3A_567, %parallel_loop3A_568] {strides = array<i32>} : memref<160x128xf32, #tpu.memory_space<vmem>>, vector<16xf32>,
      %parallel_loop3A_570 = arith.mulf %parallel_loop3A_569, %parallel_loop3A_566 : vector<16xf32>
      %parallel_loop3A_571 = arith.index_cast %parallel_loop3A_485 : i32 to index
      %parallel_loop3A_572 = arith.constant 112 : index
      %parallel_loop3A_573 = tpu.vector_load %arg10[%parallel_loop3A_571, %parallel_loop3A_572] {strides = array<i32>} : memref<160x128xf32, #tpu.memory_space<vmem>>, vector<16xf32>,
      tpu.vector_store %arg10[%parallel_loop3A_571, %parallel_loop3A_572], %parallel_loop3A_570 {strides = array<i32>} : memref<160x128xf32, #tpu.memory_space<vmem>>, vector<16xf32>,
    } {sc.loop_unroll_factor = 2 : i64, sc.parallel_access}
    %not3A_477 = arith.constant true
    %not3A_478 = arith.xori %eq3A_1, %not3A_477 : i1
    %convert_element_type3A_479 = arith.extui %not3A_478 : i1 to i32
    %cond3A_480 = arith.constant 0 : i32
    %cond3A_481 = arith.cmpi ne, %convert_element_type3A_479, %cond3A_480 : i32
    scf.if %cond3A_481 {
      "tpu.region"() ({
        %run_scoped3A = tpu.sem_alloc : memref<!tpu.dma_semaphore, #tpu.memory_space<semaphore_mem>>
        %dma_start3A = arith.constant 0 : i32
        %dma_start3A_485 = arith.constant 0 : i32
        %dma_start3A_486 = tpu.memref_slice %arg10[%dma_start3A, %dma_start3A_485] : memref<160x128xf32, #tpu.memory_space<vmem>> -> memref<160x128xf32, #tpu.memory_space<vmem>>
        %dma_start3A_487 = arith.constant 0 : i32
        %dma_start3A_488 = tpu.memref_slice %arg7[%multiple_of3A, %dma_start3A_487] : memref<2500x128xf32, #tpu.memory_space<hbm>> -> memref<160x128xf32, #tpu.memory_space<hbm>>
        %dma_start3A_489 = arith.constant 0 : i32
        %dma_start3A_490 = tpu.memref_slice %arg7[%multiple_of3A, %dma_start3A_489] : memref<2500x128xf32, #tpu.memory_space<hbm>> -> memref<160x128xf32, #tpu.memory_space<hbm>>
        %dma_start3A_491 = arith.constant 0 : i32
        %dma_start3A_492 = arith.constant 0 : i32
        %dma_start3A_493 = tpu.memref_slice %arg10[%dma_start3A_491, %dma_start3A_492] : memref<160x128xf32, #tpu.memory_space<vmem>> -> memref<160x128xf32, #tpu.memory_space<vmem>>
        tpu.enqueue_dma source(%dma_start3A_493 : memref<160x128xf32, #tpu.memory_space<vmem>>) target(%dma_start3A_490 : memref<160x128xf32, #tpu.memory_space<hbm>>) target_semaphore(%run_scoped3A : memref<!tpu.dma_semaphore, #tpu.memory_space<semaphore_mem>>)
        %dma_wait3A = arith.constant 0 : i32
        %dma_wait3A_494 = arith.constant 0 : i32
        %dma_wait3A_495 = tpu.memref_slice %arg10[%dma_wait3A, %dma_wait3A_494] : memref<160x128xf32, #tpu.memory_space<vmem>> -> memref<160x128xf32, #tpu.memory_space<vmem>>
        %dma_wait3A_496 = arith.constant 0 : i32
        %dma_wait3A_497 = tpu.memref_slice %arg7[%multiple_of3A, %dma_wait3A_496] : memref<2500x128xf32, #tpu.memory_space<hbm>> -> memref<160x128xf32, #tpu.memory_space<hbm>>
        %dma_wait3A_498 = arith.constant 0 : i32
        %dma_wait3A_499 = tpu.memref_slice %arg7[%multiple_of3A, %dma_wait3A_498] : memref<2500x128xf32, #tpu.memory_space<hbm>> -> memref<160x128xf32, #tpu.memory_space<hbm>>
        %dma_wait3A_500 = arith.constant 0 : i32
        %dma_wait3A_501 = arith.constant 0 : i32
        %dma_wait3A_502 = tpu.memref_slice %arg10[%dma_wait3A_500, %dma_wait3A_501] : memref<160x128xf32, #tpu.memory_space<vmem>> -> memref<160x128xf32, #tpu.memory_space<vmem>>
        tpu.wait_dma2 semaphore(%run_scoped3A : memref<!tpu.dma_semaphore, #tpu.memory_space<semaphore_mem>>) src(%dma_wait3A_502 : memref<160x128xf32, #tpu.memory_space<vmem>>) dst(%dma_wait3A_499 : memref<160x128xf32, #tpu.memory_space<hbm>>)
        tpu.yield
      }) : () -> ()
    } else {
    }
    %convert_element_type3A_482 = arith.extui %eq3A_1 : i1 to i32
    %cond3A_483 = arith.constant 0 : i32
    %cond3A_484 = arith.cmpi ne, %convert_element_type3A_482, %cond3A_483 : i32
    scf.if %cond3A_484 {
      "tpu.region"() ({
        %run_scoped3A = tpu.sem_alloc : memref<!tpu.dma_semaphore, #tpu.memory_space<semaphore_mem>>
        %dma_start3A = arith.constant 0 : i32
        %dma_start3A_485 = arith.constant 0 : i32
        %dma_start3A_486 = tpu.memref_slice %arg10[%dma_start3A, %dma_start3A_485] : memref<160x128xf32, #tpu.memory_space<vmem>> -> memref<100x128xf32, #tpu.memory_space<vmem>>
        %dma_start3A_487 = arith.constant 2400 : i32
        %dma_start3A_488 = arith.constant 0 : i32
        %dma_start3A_489 = tpu.memref_slice %arg7[%dma_start3A_487, %dma_start3A_488] : memref<2500x128xf32, #tpu.memory_space<hbm>> -> memref<100x128xf32, #tpu.memory_space<hbm>>
        %dma_start3A_490 = arith.constant 2400 : i32
        %dma_start3A_491 = arith.constant 0 : i32
        %dma_start3A_492 = tpu.memref_slice %arg7[%dma_start3A_490, %dma_start3A_491] : memref<2500x128xf32, #tpu.memory_space<hbm>> -> memref<100x128xf32, #tpu.memory_space<hbm>>
        %dma_start3A_493 = arith.constant 0 : i32
        %dma_start3A_494 = arith.constant 0 : i32
        %dma_start3A_495 = tpu.memref_slice %arg10[%dma_start3A_493, %dma_start3A_494] : memref<160x128xf32, #tpu.memory_space<vmem>> -> memref<100x128xf32, #tpu.memory_space<vmem>>
        tpu.enqueue_dma source(%dma_start3A_495 : memref<100x128xf32, #tpu.memory_space<vmem>>) target(%dma_start3A_492 : memref<100x128xf32, #tpu.memory_space<hbm>>) target_semaphore(%run_scoped3A : memref<!tpu.dma_semaphore, #tpu.memory_space<semaphore_mem>>)
        %dma_wait3A = arith.constant 0 : i32
        %dma_wait3A_496 = arith.constant 0 : i32
        %dma_wait3A_497 = tpu.memref_slice %arg10[%dma_wait3A, %dma_wait3A_496] : memref<160x128xf32, #tpu.memory_space<vmem>> -> memref<100x128xf32, #tpu.memory_space<vmem>>
        %dma_wait3A_498 = arith.constant 2400 : i32
        %dma_wait3A_499 = arith.constant 0 : i32
        %dma_wait3A_500 = tpu.memref_slice %arg7[%dma_wait3A_498, %dma_wait3A_499] : memref<2500x128xf32, #tpu.memory_space<hbm>> -> memref<100x128xf32, #tpu.memory_space<hbm>>
        %dma_wait3A_501 = arith.constant 2400 : i32
        %dma_wait3A_502 = arith.constant 0 : i32
        %dma_wait3A_503 = tpu.memref_slice %arg7[%dma_wait3A_501, %dma_wait3A_502] : memref<2500x128xf32, #tpu.memory_space<hbm>> -> memref<100x128xf32, #tpu.memory_space<hbm>>
        %dma_wait3A_504 = arith.constant 0 : i32
        %dma_wait3A_505 = arith.constant 0 : i32
        %dma_wait3A_506 = tpu.memref_slice %arg10[%dma_wait3A_504, %dma_wait3A_505] : memref<160x128xf32, #tpu.memory_space<vmem>> -> memref<100x128xf32, #tpu.memory_space<vmem>>
        tpu.wait_dma2 semaphore(%run_scoped3A : memref<!tpu.dma_semaphore, #tpu.memory_space<semaphore_mem>>) src(%dma_wait3A_506 : memref<100x128xf32, #tpu.memory_space<vmem>>) dst(%dma_wait3A_503 : memref<100x128xf32, #tpu.memory_space<hbm>>)
        tpu.yield
      }) : () -> ()
    } else {
    }
    return
  }
}

module attributes {stable_mosaic.version = 14 : i64} {
  func.func @_tc_body(%arg0: memref<10000x128xf32, #tpu.memory_space<vmem>>, %arg1: memref<16x128xf32, #tpu.memory_space<vmem>>, %arg2: memref<128x128xf32, #tpu.memory_space<vmem>>, %arg3: memref<128x128xf32, #tpu.memory_space<vmem>>, %arg4: memref<1x10000xi32, #tpu.memory_space<vmem>>, %arg5: memref<1x10000xi32, #tpu.memory_space<vmem>>, %arg6: memref<16x16xf32, #tpu.memory_space<vmem>>) attributes {dimension_semantics = [], scalar_prefetch = 0 : i64, scratch_operands = 0 : i64, tpu.core_type = #tpu.core_type<tc>} {
    %get3A = arith.constant 0 : index
    %get3A_0 = arith.constant 0 : index
    %get3A_1 = vector.load %arg0[%get3A, %get3A_0] : memref<10000x128xf32, #tpu.memory_space<vmem>>, vector<10000x128xf32>
    %iota3A = tpu.iota {dimensions = array<i32: 0>} : vector<16x1xi32>
    %lt3A = arith.constant 10 : i32
    %lt3A_2 = vector.broadcast %lt3A : i32 to vector<16x1xi32>
    %lt3A_3 = arith.cmpi slt, %iota3A, %lt3A_2 : vector<16x1xi32>
    %broadcast_in_dim3A = arith.constant 1.000000e+00 : f32
    %broadcast_in_dim3A_4 = vector.broadcast %broadcast_in_dim3A : f32 to vector<10000x1xf32>
    %concatenate3A = tpu.concatenate %get3A_1, %broadcast_in_dim3A_4 in 1 : vector<10000x128xf32>, vector<10000x1xf32> -> vector<10000x129xf32>
    %get3A_5 = arith.constant 0 : index
    %get3A_6 = arith.constant 0 : index
    %get3A_7 = vector.load %arg1[%get3A_5, %get3A_6] : memref<16x128xf32, #tpu.memory_space<vmem>>, vector<16x128xf32>
    %scan3A = arith.constant 0 : i32
    %scan3A_8 = arith.constant 9 : i32
    %scan3A_9 = arith.addi %scan3A, %scan3A_8 : i32
    %scan3A_10 = arith.constant 1 : i32
    %scan3A_11 = scf.for %scan3A_93 = %scan3A to %scan3A_9 step %scan3A_10 iter_args(%scan3A_94 = %get3A_7) -> (vector<16x128xf32>)  : i32 {
      %mul3A_95 = arith.mulf %scan3A_94, %scan3A_94 : vector<16x128xf32>
      %reduce_sum3A_96 = arith.constant dense<0.000000e+00> : vector<16xf32>
      %reduce_sum3A_97 = vector.multi_reduction <add>, %mul3A_95, %reduce_sum3A_96 [1] : vector<16x128xf32> to vector<16xf32>
      %broadcast_in_dim3A_98 = vector.shape_cast %reduce_sum3A_97 : vector<16xf32> to vector<16x1xf32>
      %mul3A_99 = arith.constant -5.000000e-01 : f32
      %mul3A_100 = vector.broadcast %mul3A_99 : f32 to vector<16x1xf32>
      %mul3A_101 = arith.mulf %mul3A_100, %broadcast_in_dim3A_98 : vector<16x1xf32>
      %concatenate3A_102 = tpu.concatenate %scan3A_94, %mul3A_101 in 1 : vector<16x128xf32>, vector<16x1xf32> -> vector<16x129xf32>
      %dot_general3A_103 = arith.constant dense<0.000000e+00> : vector<16x10000xf32>
      %dot_general3A_104 = tpu.matmul %concatenate3A_102, %concatenate3A, %dot_general3A_103 {dimension_numbers = #tpu.dot_dimension_numbers<[1], [1], [0], [0], [0, 0, 1, 0], [], []>, transpose_lhs_hint = false} : vector<16x129xf32>, vector<10000x129xf32>, vector<16x10000xf32> -> vector<16x10000xf32>
      %mul3A_105 = arith.constant -2.000000e+00 : f32
      %mul3A_106 = vector.broadcast %mul3A_105 : f32 to vector<16x10000xf32>
      %mul3A_107 = arith.mulf %mul3A_106, %dot_general3A_104 : vector<16x10000xf32>
      %jit3A_108 = arith.constant 1.000000e+30 : f32
      %broadcast_in_dim3A_109 = vector.shape_cast %lt3A_3 : vector<16x1xi1> to vector<16x1xi1>
      %broadcast_in_dim3A_110 = vector.broadcast %broadcast_in_dim3A_109 : vector<16x1xi1> to vector<16x10000xi1>
      %broadcast_in_dim3A_111 = vector.broadcast %jit3A_108 : f32 to vector<16x10000xf32>
      %select_n3A_112 = arith.select %broadcast_in_dim3A_110, %mul3A_107, %broadcast_in_dim3A_111 : vector<16x10000xi1>, vector<16x10000xf32>
      %reduce_min3A_113 = arith.constant dense<0x7F800000> : vector<10000xf32>
      %reduce_min3A_114 = vector.multi_reduction <minimumf>, %select_n3A_112, %reduce_min3A_113 [0] : vector<16x10000xf32> to vector<10000xf32>
      %broadcast_in_dim3A_115 = vector.shape_cast %reduce_min3A_114 : vector<10000xf32> to vector<1x10000xf32>
      %eq3A_116 = vector.broadcast %broadcast_in_dim3A_115 : vector<1x10000xf32> to vector<16x10000xf32>
      %eq3A_117 = arith.cmpf oeq, %select_n3A_112, %eq3A_116 : vector<16x10000xf32>
      %jit3A_118 = arith.constant 16 : i32
      %broadcast_in_dim3A_119 = vector.shape_cast %iota3A : vector<16x1xi32> to vector<16x1xi32>
      %broadcast_in_dim3A_120 = vector.broadcast %broadcast_in_dim3A_119 : vector<16x1xi32> to vector<16x10000xi32>
      %broadcast_in_dim3A_121 = vector.broadcast %jit3A_118 : i32 to vector<16x10000xi32>
      %select_n3A_122 = arith.select %eq3A_117, %broadcast_in_dim3A_120, %broadcast_in_dim3A_121 : vector<16x10000xi1>, vector<16x10000xi32>
      %reduce_min3A_123 = arith.constant dense<2147483647> : vector<10000xi32>
      %reduce_min3A_124 = vector.multi_reduction <minsi>, %select_n3A_122, %reduce_min3A_123 [0] : vector<16x10000xi32> to vector<10000xi32>
      %broadcast_in_dim3A_125 = vector.shape_cast %reduce_min3A_124 : vector<10000xi32> to vector<1x10000xi32>
      %eq3A_126 = vector.broadcast %broadcast_in_dim3A_125 : vector<1x10000xi32> to vector<16x10000xi32>
      %eq3A_127 = vector.broadcast %iota3A : vector<16x1xi32> to vector<16x10000xi32>
      %eq3A_128 = arith.cmpi eq, %eq3A_126, %eq3A_127 : vector<16x10000xi32>
      %convert_element_type3A_129 = arith.extui %eq3A_128 : vector<16x10000xi1> to vector<16x10000xi32>
      %convert_element_type3A_130 = arith.sitofp %convert_element_type3A_129 : vector<16x10000xi32> to vector<16x10000xf32>
      %dot_general3A_131 = arith.constant dense<0.000000e+00> : vector<16x129xf32>
      %dot_general3A_132 = tpu.matmul %convert_element_type3A_130, %concatenate3A, %dot_general3A_131 {dimension_numbers = #tpu.dot_dimension_numbers<[1], [0], [0], [1], [0, 0, 1, 1], [], []>, transpose_lhs_hint = false} : vector<16x10000xf32>, vector<10000x129xf32>, vector<16x129xf32> -> vector<16x129xf32>
      %slice3A_133 = vector.extract_strided_slice %dot_general3A_132 {offsets = [0, 0], sizes = [16, 128], strides = [1, 1]} : vector<16x129xf32> to vector<16x128xf32>
      %slice3A_134 = vector.extract_strided_slice %dot_general3A_132 {offsets = [0, 128], sizes = [16, 1], strides = [1, 1]} : vector<16x129xf32> to vector<16x1xf32>
      %div3A_135 = vector.broadcast %slice3A_134 : vector<16x1xf32> to vector<16x128xf32>
      %div3A_136 = arith.divf %slice3A_133, %div3A_135 : vector<16x128xf32>
      %jit3A_137 = arith.constant 0.000000e+00 : f32
      %broadcast_in_dim3A_138 = vector.shape_cast %lt3A_3 : vector<16x1xi1> to vector<16x1xi1>
      %broadcast_in_dim3A_139 = vector.broadcast %broadcast_in_dim3A_138 : vector<16x1xi1> to vector<16x128xi1>
      %broadcast_in_dim3A_140 = vector.broadcast %jit3A_137 : f32 to vector<16x128xf32>
      %select_n3A_141 = arith.select %broadcast_in_dim3A_139, %div3A_136, %broadcast_in_dim3A_140 : vector<16x128xi1>, vector<16x128xf32>
      scf.yield %select_n3A_141 : vector<16x128xf32>
    }
    %mul3A = arith.mulf %scan3A_11, %scan3A_11 : vector<16x128xf32>
    %reduce_sum3A = arith.constant dense<0.000000e+00> : vector<16xf32>
    %reduce_sum3A_12 = vector.multi_reduction <add>, %mul3A, %reduce_sum3A [1] : vector<16x128xf32> to vector<16xf32>
    %broadcast_in_dim3A_13 = vector.shape_cast %reduce_sum3A_12 : vector<16xf32> to vector<16x1xf32>
    %mul3A_14 = arith.constant -5.000000e-01 : f32
    %mul3A_15 = vector.broadcast %mul3A_14 : f32 to vector<16x1xf32>
    %mul3A_16 = arith.mulf %mul3A_15, %broadcast_in_dim3A_13 : vector<16x1xf32>
    %concatenate3A_17 = tpu.concatenate %scan3A_11, %mul3A_16 in 1 : vector<16x128xf32>, vector<16x1xf32> -> vector<16x129xf32>
    %dot_general3A = arith.constant dense<0.000000e+00> : vector<16x10000xf32>
    %dot_general3A_18 = tpu.matmul %concatenate3A_17, %concatenate3A, %dot_general3A {dimension_numbers = #tpu.dot_dimension_numbers<[1], [1], [0], [0], [0, 0, 1, 0], [], []>, transpose_lhs_hint = false} : vector<16x129xf32>, vector<10000x129xf32>, vector<16x10000xf32> -> vector<16x10000xf32>
    %mul3A_19 = arith.constant -2.000000e+00 : f32
    %mul3A_20 = vector.broadcast %mul3A_19 : f32 to vector<16x10000xf32>
    %mul3A_21 = arith.mulf %mul3A_20, %dot_general3A_18 : vector<16x10000xf32>
    %jit3A = arith.constant 1.000000e+30 : f32
    %broadcast_in_dim3A_22 = vector.shape_cast %lt3A_3 : vector<16x1xi1> to vector<16x1xi1>
    %broadcast_in_dim3A_23 = vector.broadcast %broadcast_in_dim3A_22 : vector<16x1xi1> to vector<16x10000xi1>
    %broadcast_in_dim3A_24 = vector.broadcast %jit3A : f32 to vector<16x10000xf32>
    %select_n3A = arith.select %broadcast_in_dim3A_23, %mul3A_21, %broadcast_in_dim3A_24 : vector<16x10000xi1>, vector<16x10000xf32>
    %reduce_min3A = arith.constant dense<0x7F800000> : vector<10000xf32>
    %reduce_min3A_25 = vector.multi_reduction <minimumf>, %select_n3A, %reduce_min3A [0] : vector<16x10000xf32> to vector<10000xf32>
    %broadcast_in_dim3A_26 = vector.shape_cast %reduce_min3A_25 : vector<10000xf32> to vector<1x10000xf32>
    %eq3A = vector.broadcast %broadcast_in_dim3A_26 : vector<1x10000xf32> to vector<16x10000xf32>
    %eq3A_27 = arith.cmpf oeq, %select_n3A, %eq3A : vector<16x10000xf32>
    %jit3A_28 = arith.constant 16 : i32
    %broadcast_in_dim3A_29 = vector.shape_cast %iota3A : vector<16x1xi32> to vector<16x1xi32>
    %broadcast_in_dim3A_30 = vector.broadcast %broadcast_in_dim3A_29 : vector<16x1xi32> to vector<16x10000xi32>
    %broadcast_in_dim3A_31 = vector.broadcast %jit3A_28 : i32 to vector<16x10000xi32>
    %select_n3A_32 = arith.select %eq3A_27, %broadcast_in_dim3A_30, %broadcast_in_dim3A_31 : vector<16x10000xi1>, vector<16x10000xi32>
    %reduce_min3A_33 = arith.constant dense<2147483647> : vector<10000xi32>
    %reduce_min3A_34 = vector.multi_reduction <minsi>, %select_n3A_32, %reduce_min3A_33 [0] : vector<16x10000xi32> to vector<10000xi32>
    %broadcast_in_dim3A_35 = vector.shape_cast %reduce_min3A_34 : vector<10000xi32> to vector<1x10000xi32>
    %eq3A_36 = vector.broadcast %broadcast_in_dim3A_35 : vector<1x10000xi32> to vector<16x10000xi32>
    %eq3A_37 = vector.broadcast %iota3A : vector<16x1xi32> to vector<16x10000xi32>
    %eq3A_38 = arith.cmpi eq, %eq3A_36, %eq3A_37 : vector<16x10000xi32>
    %convert_element_type3A = arith.extui %eq3A_38 : vector<16x10000xi1> to vector<16x10000xi32>
    %convert_element_type3A_39 = arith.sitofp %convert_element_type3A : vector<16x10000xi32> to vector<16x10000xf32>
    %dot_general3A_40 = arith.constant dense<0.000000e+00> : vector<16x129xf32>
    %dot_general3A_41 = tpu.matmul %convert_element_type3A_39, %concatenate3A, %dot_general3A_40 {dimension_numbers = #tpu.dot_dimension_numbers<[1], [0], [0], [1], [0, 0, 1, 1], [], []>, transpose_lhs_hint = false} : vector<16x10000xf32>, vector<10000x129xf32>, vector<16x129xf32> -> vector<16x129xf32>
    %slice3A = vector.extract_strided_slice %dot_general3A_41 {offsets = [0, 0], sizes = [16, 128], strides = [1, 1]} : vector<16x129xf32> to vector<16x128xf32>
    %slice3A_42 = vector.extract_strided_slice %dot_general3A_41 {offsets = [0, 128], sizes = [16, 1], strides = [1, 1]} : vector<16x129xf32> to vector<16x1xf32>
    %div3A = vector.broadcast %slice3A_42 : vector<16x1xf32> to vector<16x128xf32>
    %div3A_43 = arith.divf %slice3A, %div3A : vector<16x128xf32>
    %jit3A_44 = arith.constant 0.000000e+00 : f32
    %broadcast_in_dim3A_45 = vector.shape_cast %lt3A_3 : vector<16x1xi1> to vector<16x1xi1>
    %broadcast_in_dim3A_46 = vector.broadcast %broadcast_in_dim3A_45 : vector<16x1xi1> to vector<16x128xi1>
    %broadcast_in_dim3A_47 = vector.broadcast %jit3A_44 : f32 to vector<16x128xf32>
    %select_n3A_48 = arith.select %broadcast_in_dim3A_46, %div3A_43, %broadcast_in_dim3A_47 : vector<16x128xi1>, vector<16x128xf32>
    %get3A_49 = arith.constant 0 : index
    %get3A_50 = arith.constant 0 : index
    %get3A_51 = vector.load %arg2[%get3A_49, %get3A_50] : memref<128x128xf32, #tpu.memory_space<vmem>>, vector<128x128xf32>
    %dot_general3A_52 = arith.constant dense<0.000000e+00> : vector<16x128xf32>
    %dot_general3A_53 = tpu.matmul %select_n3A_48, %get3A_51, %dot_general3A_52 {dimension_numbers = #tpu.dot_dimension_numbers<[1], [0], [0], [1], [0, 0, 1, 1], [], []>, transpose_lhs_hint = false} : vector<16x128xf32>, vector<128x128xf32>, vector<16x128xf32> -> vector<16x128xf32>
    %get3A_54 = arith.constant 0 : index
    %get3A_55 = arith.constant 0 : index
    %get3A_56 = vector.load %arg3[%get3A_54, %get3A_55] : memref<128x128xf32, #tpu.memory_space<vmem>>, vector<128x128xf32>
    %dot_general3A_57 = arith.constant dense<0.000000e+00> : vector<16x128xf32>
    %dot_general3A_58 = tpu.matmul %select_n3A_48, %get3A_56, %dot_general3A_57 {dimension_numbers = #tpu.dot_dimension_numbers<[1], [0], [0], [1], [0, 0, 1, 1], [], []>, transpose_lhs_hint = false} : vector<16x128xf32>, vector<128x128xf32>, vector<16x128xf32> -> vector<16x128xf32>
    %dot_general3A_59 = arith.constant dense<0.000000e+00> : vector<16x16xf32>
    %dot_general3A_60 = tpu.matmul %dot_general3A_53, %dot_general3A_58, %dot_general3A_59 {dimension_numbers = #tpu.dot_dimension_numbers<[1], [1], [0], [0], [0, 0, 1, 0], [], []>, transpose_lhs_hint = false} : vector<16x128xf32>, vector<16x128xf32>, vector<16x16xf32> -> vector<16x16xf32>
    %mul3A_61 = arith.constant 0.0883883461 : f32
    %mul3A_62 = vector.broadcast %mul3A_61 : f32 to vector<16x16xf32>
    %mul3A_63 = arith.mulf %dot_general3A_60, %mul3A_62 : vector<16x16xf32>
    %iota3A_64 = tpu.iota {dimensions = array<i32: 1>} : vector<1x16xi32>
    %lt3A_65 = arith.constant 10 : i32
    %lt3A_66 = vector.broadcast %lt3A_65 : i32 to vector<1x16xi32>
    %lt3A_67 = arith.cmpi slt, %iota3A_64, %lt3A_66 : vector<1x16xi32>
    %jit3A_68 = arith.constant -1.000000e+30 : f32
    %broadcast_in_dim3A_69 = vector.shape_cast %lt3A_67 : vector<1x16xi1> to vector<1x16xi1>
    %broadcast_in_dim3A_70 = vector.broadcast %broadcast_in_dim3A_69 : vector<1x16xi1> to vector<16x16xi1>
    %broadcast_in_dim3A_71 = vector.broadcast %jit3A_68 : f32 to vector<16x16xf32>
    %select_n3A_72 = arith.select %broadcast_in_dim3A_70, %mul3A_63, %broadcast_in_dim3A_71 : vector<16x16xi1>, vector<16x16xf32>
    %reduce_max3A = arith.constant dense<0xFF800000> : vector<16xf32>
    %reduce_max3A_73 = vector.multi_reduction <maximumf>, %select_n3A_72, %reduce_max3A [1] : vector<16x16xf32> to vector<16xf32>
    %broadcast_in_dim3A_74 = vector.shape_cast %reduce_max3A_73 : vector<16xf32> to vector<16x1xf32>
    %sub3A = vector.broadcast %broadcast_in_dim3A_74 : vector<16x1xf32> to vector<16x16xf32>
    %sub3A_75 = arith.subf %select_n3A_72, %sub3A : vector<16x16xf32>
    %exp3A = math.exp %sub3A_75 : vector<16x16xf32>
    %reduce_sum3A_76 = arith.constant dense<0.000000e+00> : vector<16xf32>
    %reduce_sum3A_77 = vector.multi_reduction <add>, %exp3A, %reduce_sum3A_76 [1] : vector<16x16xf32> to vector<16xf32>
    %broadcast_in_dim3A_78 = vector.shape_cast %reduce_sum3A_77 : vector<16xf32> to vector<16x1xf32>
    %div3A_79 = vector.broadcast %broadcast_in_dim3A_78 : vector<16x1xf32> to vector<16x16xf32>
    %div3A_80 = arith.divf %exp3A, %div3A_79 : vector<16x16xf32>
    %swap3A = arith.constant 0 : index
    %swap3A_81 = arith.constant 0 : index
    %swap3A_82 = vector.load %arg4[%swap3A, %swap3A_81] : memref<1x10000xi32, #tpu.memory_space<vmem>>, vector<1x10000xi32>
    tpu.vector_store %arg4[%swap3A, %swap3A_81], %broadcast_in_dim3A_35 {strides = array<i32>} : memref<1x10000xi32, #tpu.memory_space<vmem>>, vector<1x10000xi32>,
    %mul3A_83 = arith.constant 16 : i32
    %mul3A_84 = vector.broadcast %mul3A_83 : i32 to vector<1x10000xi32>
    %mul3A_85 = arith.muli %broadcast_in_dim3A_35, %mul3A_84 : vector<1x10000xi32>
    %swap3A_86 = arith.constant 0 : index
    %swap3A_87 = arith.constant 0 : index
    %swap3A_88 = vector.load %arg5[%swap3A_86, %swap3A_87] : memref<1x10000xi32, #tpu.memory_space<vmem>>, vector<1x10000xi32>
    tpu.vector_store %arg5[%swap3A_86, %swap3A_87], %mul3A_85 {strides = array<i32>} : memref<1x10000xi32, #tpu.memory_space<vmem>>, vector<1x10000xi32>,
    %exp3A_89 = math.exp %div3A_80 : vector<16x16xf32>
    %swap3A_90 = arith.constant 0 : index
    %swap3A_91 = arith.constant 0 : index
    %swap3A_92 = vector.load %arg6[%swap3A_90, %swap3A_91] : memref<16x16xf32, #tpu.memory_space<vmem>>, vector<16x16xf32>
    tpu.vector_store %arg6[%swap3A_90, %swap3A_91], %exp3A_89 {strides = array<i32>} : memref<16x16xf32, #tpu.memory_space<vmem>>, vector<16x16xf32>,
    return
  }
}

</mosaic_0001>

<sc_bundles>
// kernel: kernel.4.cloned.1.call-start
scs
__scs_entry_jumppad:
0x0: {  	(pc) =	sbr.rel $0x88, $3  }
0x1: {  	(tag) =	ssettag $0x0;
	lr =	simm.s32 $0x1  }
0x2: {  	[smem:$0x3F9D] =	sst lr;
	_ =	strace $0xD0000000  }
0x3: {  	_ = 	snop  }
0x4: {  	_ = 	snop  }
0x5: {  	_ = 	snop  }
0x6: {  	_ = 	snop  }
0x7: {  	_ = 	snop  }
__scs_overlays_trampoline_lowered:
0x8: {  	[smem:$0x3FAC] =	sst s0  }
0x9: {  	[smem:$0x3FAD] =	sst s1  }
0xa: {  	[smem:$0x3FAE] =	sst s2  }
0xb: {  	[smem:$0x3FAF] =	sst s3  }
0xc: {  	[smem:$0x3FB0] =	sst s4  }
0xd: {  	[smem:$0x3FB1] =	sst s5  }
0xe: {  	[smem:$0x3FB2] =	sst s6  }
0xf: {  	[smem:$0x3FB3] =	sst s7  }
0x10: {  	[smem:$0x3FB4] =	sst s8  }
0x11: {  	[smem:$0x3FB5] =	sst s9;
	s0 =	simm.s32 @!p0 $0x0  }
0x12: {  	s1 =	sld [smem:$0x3F9B];
	s0 =	simm.s32 @p0 $0x1  }
0x13: {  	[smem:$0x3FB6] =	sst s0;
	s0 =	simm.s32 @!p1 $0x0  }
0x14: {  	s2 =	sld [smem:$0x3F9A];
	s0 =	simm.s32 @p1 $0x1  }
0x15: {  	[smem:$0x3FB7] =	sst s0;
	s0 =	simm.s32 @!p2 $0x0  }
0x16: {  	s3 =	sld [smem:$0x3FDB];
	s0 =	simm.s32 @p2 $0x1  }
0x17: {  	s4 =	simm.s32 $0x1BF5;
	[smem:$0x3FB9] =	sst s0  }
0x18: {  	s0 =	sld [smem:$0x3F9C];
	_ =	swait.ge [sflag:s4], $0x0  }
0x19: {  	s7 =	sld [smem:$0x3F9D]  }
0x1a: {  	s8 =	sadd.s32 $0xFFFFE003, lr  }
0x1b: {  	s9 =	sadd.s32 $0xFFFFFEF7, lr;
	s5 =	simm.s32 $0xFFFFFFFF;
	p2 =	slt.u32 s8, $0xFFFFF086  }
0x1c: {  	p1 =	slt.u32 s9, $0xF7A;
	s5 =	simm.s32 @!p2 $0x0  }
0x1d: {  	s5 =	simm.s32 @p1 $0x1;
	p0 =	seq.s32 s7, s2  }
0x1e: {  	s7 =	smul.u32 @!p0 $0xF7A, s2;
	p2 =	seq.s32 @!p0 s5, $0x0  }
0x1f: {  	s9 =	smul.u32 $0xF7A, s1;
	s8 =	simm.s32 @!p0 $0x1BF5;
	p2 =	por !p2, p0  }
0x20: {  	[sflag:s8] =	ssyncset.s32 @!p0 $0xFFFFF086;
	s6 =	sadd.s32 @!p0 s3, s7;
	s7 =	simm.s32 @!p0 $0x108  }
0x21: {  	s3 =	sadd.s32 s3, s9;
	s6 =	sadd.s32 @!p0 $0x88, s6;
	s7 =	simm.s32 @p2 $0x1082  }
0x22: {  	[simem:s7], [sflag:s8] =	dma.local @!p0 [hbm:s6], $0xF7A  }
0x23: {  	s9 =	sor.u32 $0xD0000000, s2;
	s6 =	simm.s32 $0x108;
	_ =	swait.ge @!p0 [sflag:s8], $0x0  }
0x24: {  	s3 =	sadd.s32 $0x88, s3;
	s6 =	simm.s32 @!p1 $0x1082;
	[sflag:s4] =	ssyncset.s32 $0xFFFFF086  }
0x25: {  	[simem:s6], [sflag:s4] =	dma.local [hbm:s3], $0xF7A  }
0x26: {  	[smem:$0x3F9D] =	sst s1;
	(tag) =	ssettag s2;
	_ =	strace s9  }
0x27: {  	s1 =	sld [smem:$0x3FAD]  }
0x28: {  	s2 =	sld [smem:$0x3FAE]  }
0x29: {  	s4 =	sld [smem:$0x3FB0]  }
0x2a: {  	p0 =	seq.s32 s5, $0x0;
	s5 =	sld [smem:$0x3FB1]  }
0x2b: {  	s6 =	sld [smem:$0x3FB2]  }
0x2c: {  	s7 =	sld [smem:$0x3FB3]  }
0x2d: {  	s3 =	simm.s32 $0x108;
	s8 =	sld [smem:$0x3FB4]  }
0x2e: {  	s3 =	simm.s32 @!p0 $0x1082;
	s9 =	sld [smem:$0x3FB5]  }
0x2f: {  	lr =	sadd.s32 s0, s3;
	s0 =	sld [smem:$0x3FAC]  }
0x30: {  	s3 =	sld [smem:$0x3FAF]  }
0x31: {  	[smem:$0x3FB8] =	sst s10  }
0x32: {  	s10 =	sld [smem:$0x3FB6];
	_ =	sdelay $0x3  }
0x33: {  	p0 =	seq.s32 s10, $0x1;
	s10 =	sld [smem:$0x3FB8];
	_ =	sdelay $0x3  }
0x34: {  	[smem:$0x3FB8] =	sst s10  }
0x35: {  	s10 =	sld [smem:$0x3FB7];
	_ =	sdelay $0x3  }
0x36: {  	p1 =	seq.s32 s10, $0x1;
	s10 =	sld [smem:$0x3FB8];
	_ =	sdelay $0x3  }
0x37: {  	[smem:$0x3FB8] =	sst s10  }
0x38: {  	s10 =	sld [smem:$0x3FB9]  }
0x39: {  	_ = 	snop;
	(pc) =	sbr.ind lr, $3  }
0x3a: {  	_ = 	snop  }
0x3b: {  	_ = 	snop  }
0x3c: {  	p2 =	seq.s32 s10, $0x1;
	s10 =	sld [smem:$0x3FB8]  }
0x3d: {  	_ =	shalt  }
0x3e: {  	_ =	shalt  }
0x3f: {  	_ =	shalt  }
0x40: {  	_ =	shalt  }
0x41: {  	_ =	shalt  }
0x42: {  	_ =	shalt  }
0x43: {  	_ =	shalt  }
0x44: {  	_ =	shalt  }
0x45: {  	_ =	shalt  }
0x46: {  	_ =	shalt  }
0x47: {  	_ =	shalt  }
0x48: {  	_ =	shalt  }
0x49: {  	_ =	shalt  }
0x4a: {  	_ =	shalt  }
0x4b: {  	_ =	shalt  }
0x4c: {  	_ =	shalt  }
0x4d: {  	_ =	shalt  }
0x4e: {  	_ =	shalt  }
0x4f: {  	_ =	shalt  }
0x50: {  	_ =	shalt  }
0x51: {  	_ =	shalt  }
0x52: {  	_ =	shalt  }
0x53: {  	_ =	shalt  }
0x54: {  	_ =	shalt  }
0x55: {  	_ =	shalt  }
0x56: {  	_ =	shalt  }
0x57: {  	_ =	shalt  }
0x58: {  	_ =	shalt  }
0x59: {  	_ =	shalt  }
0x5a: {  	_ =	shalt  }
0x5b: {  	_ =	shalt  }
0x5c: {  	_ =	shalt  }
0x5d: {  	_ =	shalt  }
0x5e: {  	_ =	shalt  }
0x5f: {  	_ =	shalt  }
0x60: {  	_ =	shalt  }
0x61: {  	_ =	shalt  }
0x62: {  	_ =	shalt  }
0x63: {  	_ =	shalt  }
0x64: {  	_ =	shalt  }
0x65: {  	_ =	shalt  }
0x66: {  	_ =	shalt  }
0x67: {  	_ =	shalt  }
0x68: {  	_ =	shalt  }
0x69: {  	_ =	shalt  }
0x6a: {  	_ =	shalt  }
0x6b: {  	_ =	shalt  }
0x6c: {  	_ =	shalt  }
0x6d: {  	_ =	shalt  }
0x6e: {  	_ =	shalt  }
0x6f: {  	_ =	shalt  }
0x70: {  	_ =	shalt  }
0x71: {  	_ =	shalt  }
0x72: {  	_ =	shalt  }
0x73: {  	_ =	shalt  }
0x74: {  	_ =	shalt  }
0x75: {  	_ =	shalt  }
0x76: {  	_ =	shalt  }
0x77: {  	_ =	shalt  }
0x78: {  	_ =	shalt  }
0x79: {  	_ =	shalt  }
0x7a: {  	_ =	shalt  }
0x7b: {  	_ =	shalt  }
0x7c: {  	_ =	shalt  }
0x7d: {  	_ =	shalt  }
0x7e: {  	_ =	shalt  }
0x7f: {  	_ =	shalt  }
0x80: {  	_ =	shalt  }
0x81: {  	_ =	shalt  }
0x82: {  	_ =	shalt  }
0x83: {  	_ =	shalt  }
0x84: {  	_ =	shalt  }
0x85: {  	_ =	shalt  }
0x86: {  	_ =	shalt  }
0x87: {  	_ =	shalt  }
.Lfunc_end0:
.L_simem_size_0:
called_computation_lowered:
.L_overlay_start_0:
0x88: {  	s0 =	sld [smem:$0x3FD9]  }
0x89: {  	s1 =	sld [smem:$0x3FFE];
	_ =	sdelay $0x3  }
0x8a: {  	s0 =	sadd.s32 s1, s0  }
0x8b: {  	[smem:$0x3FC4] =	sst s0  }
0x8c: {  	_ = 	snop  }
0x8d: {  	s0 =	sld [smem:$0x3FD0];
	(tm) =	ssettm $0x1  }
0x8e: {  	s16 =	sld [smem:$0x3FFB];
	_ =	sdelay $0x3  }
0x8f: {  	_ =	strace s16  }
0x90: {  	s1 =	sld [smem:$0x3FFC];
	_ =	sdelay $0x3  }
0x91: {  	_ =	strace s1  }
0x92: {  	s1 =	sld [smem:$0x3FFD];
	_ =	sdelay $0x3  }
0x93: {  	_ =	strace s1  }
0x94: {  	_ =	strace $0x8FFFFFFF  }
0x95: {  	s17 =	sld [smem:$0x3FDB];
	_ =	sdelay $0x1  }
0x96: {  	s2 =	simm.s32 $_scs_section_size  }
0x97: {  	s3 =	simm.s32 $_size__tile_overlayer_lowered;
	s4 =	simm.s32 $_tile_overlayer_lowered  }
0x98: {  	s20 =	simm.s32 $0x1BFF;
	s19 =	sshll.u32 s4, $0x1;
	s1 =	sadd.s32 s2, s17  }
0x99: {  	s5 =	simm.s32 $0x0;
	s18 =	sshll.u32 s3, $0x1;
	s3 =	sadd.s32 s19, s1  }
0x9a: {  	[timem:s5], [sflag:s20] =	dma.local [hbm:s3], s18  }
0x9b: {  	_ =	swait.ge [sflag:s20], s18  }
0x9c: {  	s2 =	ssub.s32 $0x0, s18;
	[sflag:s20] =	ssyncset.done $0x0  }
0x9d: {  	[sflag:s20] =	ssyncadd.s32 s2;
	_ =	sdelay $0x1  }
0x9e: {  	s21 =	simm.s32 $0x1B8B  }
0x9f: {  	_ =	swait.ge [sflag:s21], $0x1  }
0xa0: {  	[sflag:s21] =	ssyncset.done $0x0  }
0xa1: {  	s23 =	simm.s32 $0x1B8E;
	s22 =	sld [smem:$0x3FFE];
	[sflag:s21] =	ssyncadd.s32 $0xFFFFFFFF  }
0xa2: {  	s24 =	simm.s32 $execute0_lowered;
	[smem:$0x3FD2] =	sst s23  }
0xa3: {  	s3 =	sshll.u32 s24, $0x1;
	_ =	strace $0x80000046;
	[dreg:$0x1] =	wrdreg $0xFFFFFFFF  }
0xa4: {  	s25 =	simm.s32 $_size_execute0_lowered;
	s1 =	sadd.s32 s1, s3;
	[dreg:$0x0] =	wrdreg $0x0  }
0xa5: {  	s3 =	sshll.u32 s25, $0x1;
	[dreg:$0x2] =	wrdreg s1  }
0xa6: {  	[dreg:$0x3] =	wrdreg s3  }
0xa7: {  	[dreg:$0x4] =	wrdreg $0xC0  }
0xa8: {  	_ =	task [dreg:s5], $0x5FFFF  }
0xa9: {  	[dreg:$0x1] =	wrdreg $0xFFFFFFFF  }
0xaa: {  	[dreg:$0x0] =	wrdreg $0x60  }
0xab: {  	[dreg:$0x2] =	wrdreg s22  }
0xac: {  	[dreg:$0x3] =	wrdreg s0  }
0xad: {  	[dreg:$0x4] =	wrdreg $0x16A800  }
0xae: {  	[dreg:$0x5] =	wrdreg $0x9  }
0xaf: {  	_ =	task.clear_ibuf [dreg:s5], $0x6FFFF;
	_ =	strace $0x90000046  }
0xb0: {  	s26 =	simm.s32 $0x9;
	_ =	strace $0x80000048  }
0xb1: {  	_ =	swait.ge [sflag:s26], $0x1  }
0xb2: {  	[sflag:s26] =	ssyncadd.s32 $0xFFFFFFFF  }
0xb3: {  	_ =	strace $0x90000048  }
0xb4: {  	_ =	sfence  }
0xb5: {  	s28 =	sld [smem:$0x0];
	_ =	sdelay $0x1  }
0xb6: {  	s29 =	srdreg.scid  }
0xb7: {  	s30 =	sshll.u32 s29, $0xD;
	s31 =	sshrl.u32 s29, $0x2  }
0xb8: {  	s2 =	sand.u32 $0x4000, s30;
	s1 =	sand.u32 $0x1, s29;
	s0 =	sadd.s32 s31, s28  }
0xb9: {  	s1 =	sor.u32 s2, s1;
	s0 =	sshll.u32 s0, $0x11  }
0xba: {  	s0 =	sor.u32 s0, s1  }
0xbb: {  	s0 =	sadd.s32 $0x8F2B, s0  }
0xbc: {  	[sflag:s0] =	ssyncadd.remote.s32 $0x1  }
0xbd: {  	_ =	sfence.sel $0xFFFF  }
0xbe: {  	[dreg:$0x0] =	wrdreg $0xFFFFFFFF;
	(pc) =	sbr.abs _section_cstart, $3  }
0xbf: {  	[dreg:$0x1] =	wrdreg $0xFFFFFFFF  }
0xc0: {  	_ =	task.clear_ibuf [dreg:s5], $0x2FFFF;
	_ =	strace $0x9FFFFFFF  }
0xc1: {  	(tm) =	ssettm $0x7FFFFFFF  }
tec
execute0_lowered:
.L_overlay_start_1:
0x0: {  	(tag) =	ssettag $0x1  }
0x1: {  	s2 =	rddreg [dreg:$0x0]  }
0x2: {  	s3 =	rddreg [dreg:$0x1]  }
0x3: {  	s6 =	rddreg [dreg:$0x2]  }
0x4: {  	s0 =	rddreg [dreg:$0x3];
	s7 =	simm.s32 $0x0  }
0x5: {  	[smem:$0x7FF] =	sst s7  }
0x6: {  	s8 =	simm.s32 $0xF000;
	s1 =	stileid.u32;
	_ =	strace $0x80000047  }
0x7: {  	[tilespmem:s8], [sflag:$0x2] =	stream.linear.gather [hbm4b:s2+s7], $0x2780, $0x38;
	[tilespmem:$0x16D00] =	vst v63  }
0x8: {  	s9 =	simm.s32 $0x11780;
	s10 =	simm.s32 $0x13F00;
	s5 =	sadd.s32 $0x600, s2  }
0x9: {  	[tilespmem:s9], [sflag:$0x2] =	stream.linear.gather [hbm4b:s5+s7], $0x2780, $0x38;
	[tilespmem:$0x16D00] =	vst v63  }
0xa: {  	s4 =	sadd.s32 $0xAC00, s2;
	s26 =	sadd.s32 $0xC00, s2;
	p0 =	seq.s32 s1, $0xF  }
0xb: {  	[tilespmem:s10], [sflag:$0x2] =	stream.linear.gather [hbm4b:s26+s7], $0x100, $0x38;
	[tilespmem:$0x16D00] =	vst v63  }
0xc: {  	s11 =	simm.s32 @p0 $0x0;
	s5 =	sadd.s32 $0xE00, s2;
	s2 =	sadd.s32 @p0 $0x9600, s4  }
0xd: {  	[tilespmem:s11], [sflag:$0x2] =	stream.linear.gather @p0 [hbm4b:s2+s11], $0x3200, $0x38;
	[tilespmem:$0x16D00] =	vst v63  }
0xe: {  	s12 =	simm.s32 @p0 $0x5000;
	s2 =	sadd.s32 @p0 $0x9600, s5  }
0xf: {  	[tilespmem:s12], [sflag:$0x2] =	stream.linear.gather @p0 [hbm4b:s2+s11], $0x3200, $0x38;
	[tilespmem:$0x16D00] =	vst v63  }
0x10: {  	s11 =	simm.s32 @p0 $0x2  }
0x11: {  	_ =	swait.ge @p0 [sflag:s11], $0x3200  }
0x12: {  	[sflag:s11] =	ssyncset.done @p0 $0x0  }
0x13: {  	[sflag:s11] =	ssyncadd.s32 @p0 $0xFFFFCE00  }
0x14: {  	s2 =	smul.u32 $0xA00, s1;
	_ =	swait.ge @p0 [sflag:s11], $0x3200  }
0x15: {  	[sflag:s11] =	ssyncset.done @p0 $0x0  }
0x16: {  	s4 =	sadd.s32 @!p0 s4, s2;
	[sflag:s11] =	ssyncadd.s32 @p0 $0xFFFFCE00;
	s11 =	simm.s32 @!p0 $0x0  }
0x17: {  	[tilespmem:s11], [sflag:$0x2] =	stream.linear.gather @!p0 [hbm4b:s4+s11], $0x5000, $0x38;
	[tilespmem:$0x16D00] =	vst v63  }
0x18: {  	s4 =	sadd.s32 @!p0 s5, s2;
	s5 =	simm.s32 @!p0 $0x5000  }
0x19: {  	[tilespmem:s5], [sflag:$0x2] =	stream.linear.gather @!p0 [hbm4b:s4+s11], $0x5000, $0x38;
	[tilespmem:$0x16D00] =	vst v63  }
0x1a: {  	s4 =	simm.s32 @!p0 $0x2  }
0x1b: {  	_ =	swait.ge @!p0 [sflag:s4], $0x5000  }
0x1c: {  	[sflag:s4] =	ssyncset.done @!p0 $0x0  }
0x1d: {  	[sflag:s4] =	ssyncadd.s32 @!p0 $0xFFFFB000  }
0x1e: {  	_ =	swait.ge @!p0 [sflag:s4], $0x5000  }
0x1f: {  	[sflag:s4] =	ssyncset.done @!p0 $0x0  }
0x20: {  	v0 =	vimm.f32 $0.0e+00;
	[sflag:s4] =	ssyncadd.s32 @!p0 $0xFFFFB000  }
0x21: {  	[tilespmem:$0x16800] =	vst v0  }
0x22: {  	[tilespmem:$0x16810] =	vst v0  }
0x23: {  	[tilespmem:$0x16820] =	vst v0  }
0x24: {  	[tilespmem:$0x16830] =	vst v0  }
0x25: {  	[tilespmem:$0x16840] =	vst v0  }
0x26: {  	[tilespmem:$0x16850] =	vst v0  }
0x27: {  	[tilespmem:$0x16860] =	vst v0  }
0x28: {  	[tilespmem:$0x16870] =	vst v0  }
0x29: {  	[tilespmem:$0x16880] =	vst v0  }
0x2a: {  	[tilespmem:$0x16890] =	vst v0  }
0x2b: {  	[tilespmem:$0x168A0] =	vst v0  }
0x2c: {  	[tilespmem:$0x168B0] =	vst v0  }
0x2d: {  	[tilespmem:$0x168C0] =	vst v0  }
0x2e: {  	[tilespmem:$0x168D0] =	vst v0  }
0x2f: {  	[tilespmem:$0x168E0] =	vst v0  }
0x30: {  	[tilespmem:$0x168F0] =	vst v0  }
0x31: {  	[tilespmem:$0x16900] =	vst v0  }
0x32: {  	[tilespmem:$0x16910] =	vst v0  }
0x33: {  	[tilespmem:$0x16920] =	vst v0  }
0x34: {  	[tilespmem:$0x16930] =	vst v0  }
0x35: {  	[tilespmem:$0x16940] =	vst v0  }
0x36: {  	[tilespmem:$0x16950] =	vst v0  }
0x37: {  	[tilespmem:$0x16960] =	vst v0  }
0x38: {  	[tilespmem:$0x16970] =	vst v0  }
0x39: {  	[tilespmem:$0x16980] =	vst v0  }
0x3a: {  	[tilespmem:$0x16990] =	vst v0  }
0x3b: {  	[tilespmem:$0x169A0] =	vst v0  }
0x3c: {  	[tilespmem:$0x169B0] =	vst v0  }
0x3d: {  	[tilespmem:$0x169C0] =	vst v0  }
0x3e: {  	[tilespmem:$0x169D0] =	vst v0  }
0x3f: {  	[tilespmem:$0x169E0] =	vst v0  }
0x40: {  	[tilespmem:$0x169F0] =	vst v0  }
0x41: {  	[tilespmem:$0x16A00] =	vst v0  }
0x42: {  	[tilespmem:$0x16A10] =	vst v0  }
0x43: {  	[tilespmem:$0x16A20] =	vst v0  }
0x44: {  	[tilespmem:$0x16A30] =	vst v0  }
0x45: {  	[tilespmem:$0x16A40] =	vst v0  }
0x46: {  	[tilespmem:$0x16A50] =	vst v0  }
0x47: {  	[tilespmem:$0x16A60] =	vst v0  }
0x48: {  	s28 =	simm.s32 $0x2;
	[tilespmem:$0x16A70] =	vst v0  }
0x49: {  	_ =	swait.ge [sflag:s28], $0x2780  }
0x4a: {  	[sflag:s28] =	ssyncset.done $0x0  }
0x4b: {  	[sflag:s28] =	ssyncadd.s32 $0xFFFFD880  }
0x4c: {  	_ =	swait.ge [sflag:s28], $0x2780  }
0x4d: {  	[sflag:s28] =	ssyncset.done $0x0  }
0x4e: {  	[sflag:s28] =	ssyncadd.s32 $0xFFFFD880  }
0x4f: {  	_ =	swait.ge [sflag:s28], $0x100  }
0x50: {  	s30 =	simm.s32 $0x16800;
	s29 =	sshrl.u32 s2, $0x2;
	[sflag:s28] =	ssyncset.done $0x0  }
0x51: {  	s31 =	simm.s32 $0x3;
	s5 =	sadd.s32 s29, s6;
	[sflag:s28] =	ssyncadd.s32 $0xFFFFFF00  }
0x52: {  	[spmem:s5] =	stream.linear.scatter [tilespmem:s30], [sflag:$0x3], $0x280, $0x38;
	[tilespmem:$0x16D00] =	vst v63  }
0x53: {  	_ =	swait.ge [sflag:s31], $0x280  }
0x54: {  	s12 =	simm.s32 $0x80;
	s4 =	simm.s32 $0x64;
	[sflag:s31] =	ssyncset.done $0x0  }
0x55: {  	s2 =	sadd.s32 s3, s2;
	s4 =	simm.s32 @!p0 $0xA0;
	[sflag:s31] =	ssyncadd.s32 $0xFFFFFD80  }
0x56: {  	s3 =	sadd.s32 $0x9600, s3;
	s11 =	sadd.s32 $0xFFFFFFF0, s4;
	[bflag:$0x0] =	sbarrier.arrive $0xFFFF  }
.LBB2_1:
0x57: {  	s13 =	sshra.s32 s7, $0x2  }
0x58: {  	v0 =	vld [tilespmem:s13+$0x0]  }
0x59: {  	v1 =	vld [tilespmem:s13+$0x5000];
	_ =	sdelay $0x6  }
0x5a: {  	v0 =	vld.idx.msk [tilespmem:v0+s9+$0x0], $0xffff  }
0x5b: {  	v1 =	vld.idx.msk [tilespmem:v1+s8+$0x0], $0xffff;
	_ =	sdelay $0x4  }
0x5c: {  	v0 =	vadd.s32 v0, v1;
	_ =	sdelay $0x2  }
0x5d: {  	v44 =	vld [tilespmem:s13+$0x10]  }
0x5e: {  	v2 =	vld [tilespmem:s13+$0x5010]  }
0x5f: {  	v0 =	vld.idx.msk [tilespmem:v0+s10+$0x0], $0xffff;
	_ =	sdelay $0x4  }
0x60: {  	[tilespmem:s13+$0xA000] =	vst v0  }
0x61: {  	v0 =	vld.idx.msk [tilespmem:v44+s9+$0x0], $0xffff  }
0x62: {  	v45 =	vld.idx.msk [tilespmem:v2+s8+$0x0], $0xffff;
	_ =	sdelay $0x4  }
0x63: {  	v0 =	vadd.s32 v0, v45;
	_ =	sdelay $0x2  }
0x64: {  	v46 =	vld [tilespmem:s13+$0x20]  }
0x65: {  	v47 =	vld [tilespmem:s13+$0x5020]  }
0x66: {  	v0 =	vld.idx.msk [tilespmem:v0+s10+$0x0], $0xffff;
	_ =	sdelay $0x4  }
0x67: {  	[tilespmem:s13+$0xA010] =	vst v0  }
0x68: {  	v0 =	vld.idx.msk [tilespmem:v46+s9+$0x0], $0xffff  }
0x69: {  	v48 =	vld.idx.msk [tilespmem:v47+s8+$0x0], $0xffff;
	_ =	sdelay $0x4  }
0x6a: {  	v0 =	vadd.s32 v0, v48;
	_ =	sdelay $0x2  }
0x6b: {  	v49 =	vld [tilespmem:s13+$0x30]  }
0x6c: {  	v50 =	vld [tilespmem:s13+$0x5030]  }
0x6d: {  	v0 =	vld.idx.msk [tilespmem:v0+s10+$0x0], $0xffff;
	_ =	sdelay $0x4  }
0x6e: {  	[tilespmem:s13+$0xA020] =	vst v0  }
0x6f: {  	v0 =	vld.idx.msk [tilespmem:v49+s9+$0x0], $0xffff  }
0x70: {  	v51 =	vld.idx.msk [tilespmem:v50+s8+$0x0], $0xffff;
	_ =	sdelay $0x4  }
0x71: {  	v0 =	vadd.s32 v0, v51;
	_ =	sdelay $0x2  }
0x72: {  	v52 =	vld [tilespmem:s13+$0x40]  }
0x73: {  	v53 =	vld [tilespmem:s13+$0x5040]  }
0x74: {  	v0 =	vld.idx.msk [tilespmem:v0+s10+$0x0], $0xffff;
	_ =	sdelay $0x4  }
0x75: {  	[tilespmem:s13+$0xA030] =	vst v0  }
0x76: {  	v0 =	vld.idx.msk [tilespmem:v52+s9+$0x0], $0xffff  }
0x77: {  	v54 =	vld.idx.msk [tilespmem:v53+s8+$0x0], $0xffff;
	_ =	sdelay $0x4  }
0x78: {  	v0 =	vadd.s32 v0, v54;
	_ =	sdelay $0x2  }
0x79: {  	v55 =	vld [tilespmem:s13+$0x50]  }
0x7a: {  	v56 =	vld [tilespmem:s13+$0x5050]  }
0x7b: {  	v0 =	vld.idx.msk [tilespmem:v0+s10+$0x0], $0xffff;
	_ =	sdelay $0x4  }
0x7c: {  	[tilespmem:s13+$0xA040] =	vst v0  }
0x7d: {  	v0 =	vld.idx.msk [tilespmem:v55+s9+$0x0], $0xffff  }
0x7e: {  	v57 =	vld.idx.msk [tilespmem:v56+s8+$0x0], $0xffff;
	_ =	sdelay $0x4  }
0x7f: {  	v0 =	vadd.s32 v0, v57;
	_ =	sdelay $0x2  }
0x80: {  	v58 =	vld [tilespmem:s13+$0x60]  }
0x81: {  	v59 =	vld [tilespmem:s13+$0x5060]  }
0x82: {  	v0 =	vld.idx.msk [tilespmem:v0+s10+$0x0], $0xffff;
	_ =	sdelay $0x4  }
0x83: {  	[tilespmem:s13+$0xA050] =	vst v0  }
0x84: {  	v0 =	vld.idx.msk [tilespmem:v58+s9+$0x0], $0xffff  }
0x85: {  	v60 =	vld.idx.msk [tilespmem:v59+s8+$0x0], $0xffff;
	_ =	sdelay $0x4  }
0x86: {  	v0 =	vadd.s32 v0, v60;
	_ =	sdelay $0x2  }
0x87: {  	v61 =	vld [tilespmem:s13+$0x70]  }
0x88: {  	v62 =	vld [tilespmem:s13+$0x5070]  }
0x89: {  	v0 =	vld.idx.msk [tilespmem:v0+s10+$0x0], $0xffff;
	_ =	sdelay $0x4  }
0x8a: {  	[tilespmem:s13+$0xA060] =	vst v0  }
0x8b: {  	v0 =	vld.idx.msk [tilespmem:v61+s9+$0x0], $0xffff  }
0x8c: {  	v63 =	vld.idx.msk [tilespmem:v62+s8+$0x0], $0xffff;
	_ =	sdelay $0x4  }
0x8d: {  	v0 =	vadd.s32 v0, v63;
	_ =	sdelay $0x4  }
0x8e: {  	v0 =	vld.idx.msk [tilespmem:v0+s10+$0x0], $0xffff  }
0x8f: {  	p1 =	sne.s32 s7, $0x1E00  }
.Ltmp0:
0x90: {  	_ = 	snop;
	(pc) =	sbr.rel @p1 .LBB2_1-.Ltmp0, $3  }
0x91: {  	_ =	sdelay $0x1  }
0x92: {  	s7 =	sadd.s32 $0x200, s7;
	s14 =	sadd.s32 $0xA000, s13;
	[tilespmem:s13+$0xA070] =	vst v0  }
0x93: {  	[spmem:s6] =	stream.indirect.scatter.add.f32 [tilespmem:s14], [sflag:$0x1], $0x1, s13, s12, $0xb8;
	[tilespmem:$0x16D00] =	vst v63  }
0x94: {  	s7 =	simm.s32 $0xA800;
	s8 =	simm.s32 $0x5870;
	s9 =	simm.s32 $0x800  }
0x95: {  	s10 =	simm.s32 $0x1;
	s12 =	simm.s32 $0x11780;
	s13 =	simm.s32 $0xF000  }
0x96: {  	s14 =	simm.s32 $0x13F00;
	s15 =	simm.s32 $0x80;
	s16 =	smov.u32 s11  }
.LBB2_3:
0x97: {  	_ =	swait.ge [sflag:s10], $0x80  }
0x98: {  	[sflag:s10] =	ssyncset.done $0x0  }
0x99: {  	[sflag:s10] =	ssyncadd.s32 $0xFFFFFF80  }
0x9a: {  	v0 =	vld [tilespmem:s9+$0x0]  }
0x9b: {  	v1 =	vld [tilespmem:s8+$0xFFFFFF90];
	_ =	sdelay $0x6  }
0x9c: {  	v0 =	vld.idx.msk [tilespmem:v0+s12+$0x0], $0xffff  }
0x9d: {  	v1 =	vld.idx.msk [tilespmem:v1+s13+$0x0], $0xffff;
	_ =	sdelay $0x4  }
0x9e: {  	v0 =	vadd.s32 v0, v1;
	_ =	sdelay $0x4  }
0x9f: {  	v0 =	vld.idx.msk [tilespmem:v0+s14+$0x0], $0xffff;
	_ =	sdelay $0x4  }
0xa0: {  	[tilespmem:s7+$0x0] =	vst v0  }
0xa1: {  	v0 =	vld [tilespmem:s9+$0x10]  }
0xa2: {  	v57 =	vld [tilespmem:s8+$0xFFFFFFA0];
	_ =	sdelay $0x6  }
0xa3: {  	v0 =	vld.idx.msk [tilespmem:v0+s12+$0x0], $0xffff  }
0xa4: {  	v1 =	vld.idx.msk [tilespmem:v57+s13+$0x0], $0xffff;
	_ =	sdelay $0x4  }
0xa5: {  	v0 =	vadd.s32 v0, v1;
	_ =	sdelay $0x4  }
0xa6: {  	v0 =	vld.idx.msk [tilespmem:v0+s14+$0x0], $0xffff;
	_ =	sdelay $0x4  }
0xa7: {  	[tilespmem:s7+$0x10] =	vst v0  }
0xa8: {  	v0 =	vld [tilespmem:s9+$0x20]  }
0xa9: {  	v58 =	vld [tilespmem:s8+$0xFFFFFFB0];
	_ =	sdelay $0x6  }
0xaa: {  	v0 =	vld.idx.msk [tilespmem:v0+s12+$0x0], $0xffff  }
0xab: {  	v1 =	vld.idx.msk [tilespmem:v58+s13+$0x0], $0xffff;
	_ =	sdelay $0x4  }
0xac: {  	v0 =	vadd.s32 v0, v1;
	_ =	sdelay $0x4  }
0xad: {  	v0 =	vld.idx.msk [tilespmem:v0+s14+$0x0], $0xffff;
	_ =	sdelay $0x4  }
0xae: {  	[tilespmem:s7+$0x20] =	vst v0  }
0xaf: {  	v0 =	vld [tilespmem:s9+$0x30]  }
0xb0: {  	v59 =	vld [tilespmem:s8+$0xFFFFFFC0];
	_ =	sdelay $0x6  }
0xb1: {  	v0 =	vld.idx.msk [tilespmem:v0+s12+$0x0], $0xffff  }
0xb2: {  	v1 =	vld.idx.msk [tilespmem:v59+s13+$0x0], $0xffff;
	_ =	sdelay $0x4  }
0xb3: {  	v0 =	vadd.s32 v0, v1;
	_ =	sdelay $0x4  }
0xb4: {  	v0 =	vld.idx.msk [tilespmem:v0+s14+$0x0], $0xffff;
	_ =	sdelay $0x4  }
0xb5: {  	[tilespmem:s7+$0x30] =	vst v0  }
0xb6: {  	v0 =	vld [tilespmem:s9+$0x40]  }
0xb7: {  	v60 =	vld [tilespmem:s8+$0xFFFFFFD0];
	_ =	sdelay $0x6  }
0xb8: {  	v0 =	vld.idx.msk [tilespmem:v0+s12+$0x0], $0xffff  }
0xb9: {  	v1 =	vld.idx.msk [tilespmem:v60+s13+$0x0], $0xffff;
	_ =	sdelay $0x4  }
0xba: {  	v0 =	vadd.s32 v0, v1;
	_ =	sdelay $0x4  }
0xbb: {  	v0 =	vld.idx.msk [tilespmem:v0+s14+$0x0], $0xffff;
	_ =	sdelay $0x4  }
0xbc: {  	[tilespmem:s7+$0x40] =	vst v0  }
0xbd: {  	v0 =	vld [tilespmem:s9+$0x50]  }
0xbe: {  	v61 =	vld [tilespmem:s8+$0xFFFFFFE0];
	_ =	sdelay $0x6  }
0xbf: {  	v0 =	vld.idx.msk [tilespmem:v0+s12+$0x0], $0xffff  }
0xc0: {  	v1 =	vld.idx.msk [tilespmem:v61+s13+$0x0], $0xffff;
	_ =	sdelay $0x4  }
0xc1: {  	v0 =	vadd.s32 v0, v1;
	_ =	sdelay $0x4  }
0xc2: {  	v0 =	vld.idx.msk [tilespmem:v0+s14+$0x0], $0xffff;
	_ =	sdelay $0x4  }
0xc3: {  	[tilespmem:s7+$0x50] =	vst v0  }
0xc4: {  	v0 =	vld [tilespmem:s9+$0x60]  }
0xc5: {  	v62 =	vld [tilespmem:s8+$0xFFFFFFF0];
	_ =	sdelay $0x6  }
0xc6: {  	v0 =	vld.idx.msk [tilespmem:v0+s12+$0x0], $0xffff  }
0xc7: {  	v1 =	vld.idx.msk [tilespmem:v62+s13+$0x0], $0xffff;
	_ =	sdelay $0x4  }
0xc8: {  	v0 =	vadd.s32 v0, v1;
	_ =	sdelay $0x4  }
0xc9: {  	v0 =	vld.idx.msk [tilespmem:v0+s14+$0x0], $0xffff;
	_ =	sdelay $0x4  }
0xca: {  	[tilespmem:s7+$0x60] =	vst v0  }
0xcb: {  	v0 =	vld [tilespmem:s9+$0x70]  }
0xcc: {  	v63 =	vld [tilespmem:s8+$0x0];
	_ =	sdelay $0x6  }
0xcd: {  	v0 =	vld.idx.msk [tilespmem:v0+s12+$0x0], $0xffff  }
0xce: {  	v1 =	vld.idx.msk [tilespmem:v63+s13+$0x0], $0xffff;
	_ =	sdelay $0x4  }
0xcf: {  	v0 =	vadd.s32 v0, v1;
	_ =	sdelay $0x4  }
0xd0: {  	v0 =	vld.idx.msk [tilespmem:v0+s14+$0x0], $0xffff;
	_ =	sdelay $0x1  }
0xd1: {  	p1 =	sne.s32 s16, $0x1  }
.Ltmp1:
0xd2: {  	_ = 	snop;
	(pc) =	sbr.rel @p1 .LBB2_3-.Ltmp1, $4  }
0xd3: {  	_ = 	snop  }
0xd4: {  	s16 =	sadd.s32 $0xFFFFFFFF, s16;
	[tilespmem:s7+$0x70] =	vst v0  }
0xd5: {  	[spmem:s6] =	stream.indirect.scatter.add.f32 [tilespmem:s7], [sflag:$0x1], $0x1, s9, s15, $0xb8;
	[tilespmem:$0x16D00] =	vst v63  }
0xd6: {  	s8 =	sadd.s32 $0x80, s8;
	s7 =	sadd.s32 $0x80, s7;
	s9 =	sadd.s32 $0x80, s9  }
0xd7: {  	s8 =	sadd.s32 $0x1, s11  }
0xd8: {  	p1 =	slt.u32 s8, s4  }
.Ltmp2:
0xd9: {  	_ = 	snop;
	(pc) =	sbr.rel @!p1 .LBB2_6-.Ltmp2, $4  }
0xda: {  	_ = 	snop  }
0xdb: {  	s7 =	simm.s32 $0x1  }
0xdc: {  	_ =	swait.ge [sflag:s7], $0x80  }
0xdd: {  	[sflag:s7] =	ssyncset.done $0x0  }
.LBB2_5:
0xde: {  	s8 =	sadd.s32 $0x1, s8  }
0xdf: {  	[sflag:s7] =	ssyncadd.s32 $0xFFFFFF80;
	p1 =	slt.u32 s8, s4  }
.Ltmp3:
0xe0: {  	(pc) =	sbr.rel @p1 .LBB2_5-.Ltmp3, $3  }
0xe1: {  	_ =	sdelay $0x1  }
0xe2: {  	_ =	swait.ge [sflag:s7], $0x80  }
0xe3: {  	[sflag:s7] =	ssyncset.done $0x0  }
.LBB2_6:
0xe4: {  	[sflag:s7] =	ssyncadd.s32 $0xFFFFFF80  }
0xe5: {  	s8 =	simm.s32 $0x16800;
	s31 =	simm.s32 $0x3;
	[bflag:$0x0] =	sbarrier.arrive $0xFFFF  }
0xe6: {  	[tilespmem:s8], [sflag:$0x3] =	stream.linear.gather [spmem:s5], $0x280, $0x38;
	[tilespmem:$0x16D00] =	vst v63  }
0xe7: {  	_ =	swait.ge [sflag:s31], $0x280  }
0xe8: {  	[sflag:s31] =	ssyncset.done $0x0  }
0xe9: {  	[sflag:s31] =	ssyncadd.s32 $0xFFFFFD80  }
0xea: {  	v0 =	vld [tilespmem:$0x16800]  }
0xeb: {  	v1 =	vld [tilespmem:$0x16810]  }
0xec: {  	v2 =	vld [tilespmem:$0x16820]  }
0xed: {  	v3 =	vld [tilespmem:$0x16830]  }
0xee: {  	v4 =	vld [tilespmem:$0x16840]  }
0xef: {  	(erf) = vrcp.f32 v0;
	v0 =	vld [tilespmem:$0x16850]  }
0xf0: {  	(erf) = vrcp.f32 v1;
	v1 =	vld [tilespmem:$0x16860]  }
0xf1: {  	(erf) = vrcp.f32 v2;
	v2 =	vld [tilespmem:$0x16870]  }
0xf2: {  	(erf) = vrcp.f32 v3;
	v3 =	vld [tilespmem:$0x16880]  }
0xf3: {  	(erf) = vrcp.f32 v4;
	v4 =	vld [tilespmem:$0x16890]  }
0xf4: {  	(erf) = vrcp.f32 v0;
	v0 =	vld [tilespmem:$0x168A0]  }
0xf5: {  	(erf) = vrcp.f32 v1;
	v1 =	vld [tilespmem:$0x168B0]  }
0xf6: {  	(erf) = vrcp.f32 v2;
	v2 =	vld [tilespmem:$0x168C0]  }
0xf7: {  	(erf) = vrcp.f32 v3;
	v3 =	vld [tilespmem:$0x168D0]  }
0xf8: {  	v5 =	vpop (erf);
	(erf) = vrcp.f32 v4;
	v4 =	vld [tilespmem:$0x168E0]  }
0xf9: {  	[tilespmem:$0x16800] =	vst v5;
	v5 =	vpop (erf);
	(erf) = vrcp.f32 v0;
	v0 =	vld [tilespmem:$0x168F0]  }
0xfa: {  	[tilespmem:$0x16810] =	vst v5;
	v5 =	vpop (erf);
	(erf) = vrcp.f32 v1;
	v1 =	vld [tilespmem:$0x16900]  }
0xfb: {  	[tilespmem:$0x16820] =	vst v5;
	v5 =	vpop (erf);
	(erf) = vrcp.f32 v2;
	v2 =	vld [tilespmem:$0x16910]  }
0xfc: {  	[tilespmem:$0x16830] =	vst v5;
	v5 =	vpop (erf);
	(erf) = vrcp.f32 v3;
	v3 =	vld [tilespmem:$0x16920]  }
0xfd: {  	[tilespmem:$0x16840] =	vst v5;
	v5 =	vpop (erf);
	(erf) = vrcp.f32 v4;
	v4 =	vld [tilespmem:$0x16930]  }
0xfe: {  	[tilespmem:$0x16850] =	vst v5;
	v5 =	vpop (erf);
	(erf) = vrcp.f32 v0;
	v0 =	vld [tilespmem:$0x16940]  }
0xff: {  	[tilespmem:$0x16860] =	vst v5;
	v5 =	vpop (erf);
	(erf) = vrcp.f32 v1;
	v1 =	vld [tilespmem:$0x16950]  }
0x100: {  	[tilespmem:$0x16870] =	vst v5;
	v5 =	vpop (erf);
	(erf) = vrcp.f32 v2;
	v2 =	vld [tilespmem:$0x16960]  }
0x101: {  	[tilespmem:$0x16880] =	vst v5;
	v5 =	vpop (erf);
	(erf) = vrcp.f32 v3;
	v3 =	vld [tilespmem:$0x16970]  }
0x102: {  	[tilespmem:$0x16890] =	vst v5;
	v5 =	vpop (erf);
	(erf) = vrcp.f32 v4;
	v4 =	vld [tilespmem:$0x16980]  }
0x103: {  	[tilespmem:$0x168A0] =	vst v5;
	v5 =	vpop (erf);
	(erf) = vrcp.f32 v0;
	v0 =	vld [tilespmem:$0x16990]  }
0x104: {  	[tilespmem:$0x168B0] =	vst v5;
	v5 =	vpop (erf);
	(erf) = vrcp.f32 v1;
	v1 =	vld [tilespmem:$0x169A0]  }
0x105: {  	[tilespmem:$0x168C0] =	vst v5;
	v5 =	vpop (erf);
	(erf) = vrcp.f32 v2;
	v2 =	vld [tilespmem:$0x169B0]  }
0x106: {  	[tilespmem:$0x168D0] =	vst v5;
	v5 =	vpop (erf);
	(erf) = vrcp.f32 v3;
	v3 =	vld [tilespmem:$0x169C0]  }
0x107: {  	[tilespmem:$0x168E0] =	vst v5;
	v5 =	vpop (erf);
	(erf) = vrcp.f32 v4;
	v4 =	vld [tilespmem:$0x169D0]  }
0x108: {  	[tilespmem:$0x168F0] =	vst v5;
	v5 =	vpop (erf);
	(erf) = vrcp.f32 v0;
	v0 =	vld [tilespmem:$0x169E0]  }
0x109: {  	[tilespmem:$0x16900] =	vst v5;
	v5 =	vpop (erf);
	(erf) = vrcp.f32 v1;
	v1 =	vld [tilespmem:$0x169F0]  }
0x10a: {  	[tilespmem:$0x16910] =	vst v5;
	v5 =	vpop (erf);
	(erf) = vrcp.f32 v2;
	v2 =	vld [tilespmem:$0x16A00]  }
0x10b: {  	[tilespmem:$0x16920] =	vst v5;
	v5 =	vpop (erf);
	(erf) = vrcp.f32 v3;
	v3 =	vld [tilespmem:$0x16A10]  }
0x10c: {  	[tilespmem:$0x16930] =	vst v5;
	v5 =	vpop (erf);
	(erf) = vrcp.f32 v4;
	v4 =	vld [tilespmem:$0x16A20]  }
0x10d: {  	[tilespmem:$0x16940] =	vst v5;
	v5 =	vpop (erf);
	(erf) = vrcp.f32 v0;
	v0 =	vld [tilespmem:$0x16A30]  }
0x10e: {  	[tilespmem:$0x16950] =	vst v5;
	v5 =	vpop (erf);
	(erf) = vrcp.f32 v1;
	v1 =	vld [tilespmem:$0x16A40]  }
0x10f: {  	[tilespmem:$0x16960] =	vst v5;
	v5 =	vpop (erf);
	(erf) = vrcp.f32 v2;
	v2 =	vld [tilespmem:$0x16A50]  }
0x110: {  	[tilespmem:$0x16970] =	vst v5;
	v5 =	vpop (erf);
	(erf) = vrcp.f32 v3;
	v3 =	vld [tilespmem:$0x16A60]  }
0x111: {  	[tilespmem:$0x16980] =	vst v5;
	v5 =	vpop (erf);
	(erf) = vrcp.f32 v4;
	v4 =	vld [tilespmem:$0x16A70]  }
0x112: {  	[tilespmem:$0x16990] =	vst v5;
	v5 =	vpop (erf);
	(erf) = vrcp.f32 v0  }
0x113: {  	[tilespmem:$0x169A0] =	vst v5;
	v0 =	vpop (erf);
	(erf) = vrcp.f32 v1  }
0x114: {  	[tilespmem:$0x169B0] =	vst v0;
	v0 =	vpop (erf);
	(erf) = vrcp.f32 v2  }
0x115: {  	[tilespmem:$0x169C0] =	vst v0;
	v0 =	vpop (erf);
	(erf) = vrcp.f32 v3  }
0x116: {  	[tilespmem:$0x169D0] =	vst v0;
	v0 =	vpop (erf);
	(erf) = vrcp.f32 v4  }
0x117: {  	v1 =	vpop (erf);
	[tilespmem:$0x169E0] =	vst v0  }
0x118: {  	v0 =	vpop (erf);
	[tilespmem:$0x169F0] =	vst v1  }
0x119: {  	v1 =	vpop (erf);
	[tilespmem:$0x16A00] =	vst v0  }
0x11a: {  	v0 =	vpop (erf);
	[tilespmem:$0x16A10] =	vst v1  }
0x11b: {  	v1 =	vpop (erf);
	[tilespmem:$0x16A20] =	vst v0  }
0x11c: {  	v0 =	vpop (erf);
	[tilespmem:$0x16A30] =	vst v1  }
0x11d: {  	v1 =	vpop (erf);
	[tilespmem:$0x16A40] =	vst v0  }
0x11e: {  	v0 =	vpop (erf);
	[tilespmem:$0x16A50] =	vst v1  }
0x11f: {  	[tilespmem:$0x16A60] =	vst v0;
	v0 =	vpop (erf)  }
0x120: {  	[tilespmem:$0x16A70] =	vst v0  }
0x121: {  	[spmem:s5] =	stream.linear.scatter [tilespmem:s8], [sflag:$0x3], $0x280, $0x38;
	[tilespmem:$0x16D00] =	vst v63  }
0x122: {  	_ =	swait.ge [sflag:s31], $0x280  }
0x123: {  	[sflag:s31] =	ssyncset.done $0x0  }
0x124: {  	[sflag:s31] =	ssyncadd.s32 $0xFFFFFD80  }
0x125: {  	s5 =	simm.s32 $0x14000;
	[bflag:$0x0] =	sbarrier.arrive $0xFFFF  }
0x126: {  	[tilespmem:s5], [sflag:$0x3] =	stream.linear.gather [spmem:s6], $0x2800, $0x38;
	[tilespmem:$0x16D00] =	vst v63  }
0x127: {  	_ =	swait.ge [sflag:s31], $0x2800  }
0x128: {  	[sflag:s31] =	ssyncset.done $0x0  }
0x129: {  	s7 =	simm.s32 $0x80;
	[sflag:s31] =	ssyncadd.s32 $0xFFFFD800  }
0x12a: {  	v0 =	vld [tilespmem:s7+$0x0]  }
0x12b: {  	v1 =	vld [tilespmem:s7+$0xFFFFFF80];
	_ =	sdelay $0x3  }
0x12c: {  	s6 =	simm.s32 $0xA080  }
0x12d: {  	v2 =	vld [tilespmem:s6+$0x0]  }
0x12e: {  	v3 =	vld [tilespmem:s6+$0xFFFFFF80]  }
0x12f: {  	v0 =	vld.idx.msk [tilespmem:v0+s5+$0x0], $0xffff  }
0x130: {  	v1 =	vld.idx.msk [tilespmem:v1+s5+$0x0], $0xffff;
	_ =	sdelay $0x3  }
0x131: {  	v0 =	vmul.f32 v2, v0  }
0x132: {  	v1 =	vmul.f32 v3, v1  }
0x133: {  	[tilespmem:s6+$0x0] =	vst v0  }
0x134: {  	[tilespmem:s6+$0xFFFFFF80] =	vst v1;
	v0 =	vld [tilespmem:s7+$0x10]  }
0x135: {  	v1 =	vld [tilespmem:s7+$0xFFFFFF90];
	_ =	sdelay $0x4  }
0x136: {  	v2 =	vld [tilespmem:s6+$0xFFFFFF90]  }
0x137: {  	v3 =	vld [tilespmem:s6+$0x10]  }
0x138: {  	v0 =	vld.idx.msk [tilespmem:v0+s5+$0x0], $0xffff  }
0x139: {  	v1 =	vld.idx.msk [tilespmem:v1+s5+$0x0], $0xffff;
	_ =	sdelay $0x3  }
0x13a: {  	v0 =	vmul.f32 v3, v0  }
0x13b: {  	v1 =	vmul.f32 v2, v1  }
0x13c: {  	[tilespmem:s6+$0x10] =	vst v0  }
0x13d: {  	[tilespmem:s6+$0xFFFFFF90] =	vst v1;
	v0 =	vld [tilespmem:s7+$0x20]  }
0x13e: {  	v3 =	vld [tilespmem:s7+$0xFFFFFFA0]  }
0x13f: {  	v4 =	vld [tilespmem:s6+$0xFFFFFFA0]  }
0x140: {  	v7 =	vld [tilespmem:s6+$0xFFFFFFB0]  }
0x141: {  	p5 =	sgt.u32 s4, $0x2;
	v6 =	vld [tilespmem:s6+$0xFFFFFFC0]  }
.Ltmp4:
0x142: {  	v18 =	vld [tilespmem:s6+$0x20];
	(pc) =	sbr.rel @!p5 .LBB2_7-.Ltmp4, $4  }
0x143: {  	v2 =	vld [tilespmem:s6+$0xFFFFFFD0]  }
0x144: {  	v1 =	vld [tilespmem:s6+$0xFFFFFFE0]  }
0x145: {  	p1 =	por $0x0, $0x0;
	p2 =	por $0x0, $0x0;
	v17 =	vld.idx.msk [tilespmem:v0+s5+$0x0], $0xffff  }
0x146: {  	p3 =	por $0x0, $0x0;
	p4 =	por $0x0, $0x0;
	s8 =	simm.s32 $0x180;
	v13 =	vld.idx.msk [tilespmem:v3+s5+$0x0], $0xffff  }
0x147: {  	_ =	sdelay $0x2  }
0x148: {  	v0 =	vld [tilespmem:s8+$0x0];
	v3 =	vmul.f32 v18, v17;
	_ =	sdelay $0x1  }
0x149: {  	[tilespmem:s6+$0x20] =	vst v3  }
0x14a: {  	v3 =	vld [tilespmem:s7+$0x30]  }
0x14b: {  	v5 =	vld [tilespmem:s8+$0xFFFFFF80];
	_ =	sdelay $0x1  }
0x14c: {  	s9 =	simm.s32 $0xA180  }
0x14d: {  	v8 =	vld [tilespmem:s9+$0x0]  }
0x14e: {  	v0 =	vld.idx.msk [tilespmem:v0+s5+$0x0], $0xffff;
	_ =	sdelay $0x1  }
0x14f: {  	v9 =	vld [tilespmem:s6+$0x30]  }
0x150: {  	v3 =	vld.idx.msk [tilespmem:v3+s5+$0x0], $0xffff  }
0x151: {  	v5 =	vld.idx.msk [tilespmem:v5+s5+$0x0], $0xffff  }
0x152: {  	v0 =	vmul.f32 v8, v0;
	v8 =	vld [tilespmem:s9+$0xFFFFFF80]  }
0x153: {  	v4 =	vmul.f32 v4, v13;
	_ =	sdelay $0x1  }
0x154: {  	[tilespmem:s6+$0xFFFFFFA0] =	vst v4;
	v3 =	vmul.f32 v9, v3  }
0x155: {  	[tilespmem:s9+$0x0] =	vst v0  }
0x156: {  	v0 =	vld [tilespmem:s8+$0x10];
	[tilespmem:s6+$0x30] =	vst v3;
	v3 =	vmul.f32 v8, v5  }
0x157: {  	v9 =	vld [tilespmem:s7+$0xFFFFFFB0]  }
0x158: {  	v5 =	vld [tilespmem:s7+$0x40];
	[tilespmem:s9+$0xFFFFFF80] =	vst v3  }
0x159: {  	v3 =	vld [tilespmem:s8+$0xFFFFFF90];
	_ =	sdelay $0x1  }
0x15a: {  	v10 =	vld [tilespmem:s9+$0xFFFFFF90]  }
0x15b: {  	v11 =	vld [tilespmem:s9+$0x10]  }
0x15c: {  	v13 =	vld [tilespmem:s6+$0x40]  }
0x15d: {  	v8 =	vld.idx.msk [tilespmem:v0+s5+$0x0], $0xffff  }
0x15e: {  	v12 =	vld.idx.msk [tilespmem:v9+s5+$0x0], $0xffff  }
0x15f: {  	v5 =	vld.idx.msk [tilespmem:v5+s5+$0x0], $0xffff  }
0x160: {  	v3 =	vld.idx.msk [tilespmem:v3+s5+$0x0], $0xffff  }
0x161: {  	v19 =	vld [tilespmem:s6+$0x50]  }
0x162: {  	v15 =	vld [tilespmem:s9+$0xFFFFFFD0];
	v8 =	vmul.f32 v11, v8  }
0x163: {  	v18 =	vld [tilespmem:s9+$0x20];
	v7 =	vmul.f32 v7, v12  }
0x164: {  	v4 =	vld [tilespmem:s9+$0xFFFFFFA0];
	[tilespmem:s9+$0x10] =	vst v8;
	v5 =	vmul.f32 v13, v5  }
0x165: {  	v8 =	vld [tilespmem:s8+$0x20];
	[tilespmem:s6+$0xFFFFFFB0] =	vst v7;
	v3 =	vmul.f32 v10, v3  }
0x166: {  	v7 =	vld [tilespmem:s7+$0xFFFFFFC0];
	[tilespmem:s6+$0x40] =	vst v5  }
0x167: {  	v5 =	vld [tilespmem:s7+$0x50];
	[tilespmem:s9+$0xFFFFFF90] =	vst v3  }
0x168: {  	v10 =	vld [tilespmem:s8+$0xFFFFFFA0]  }
0x169: {  	v0 =	vld [tilespmem:s6+$0xFFFFFFF0]  }
0x16a: {  	v9 =	vld [tilespmem:s9+$0xFFFFFFB0]  }
0x16b: {  	p5 =	sgt.u32 s4, $0x4;
	v11 =	vld [tilespmem:s9+$0xFFFFFFC0]  }
.Ltmp5:
0x16c: {  	v3 =	vld [tilespmem:s9+$0xFFFFFFE0];
	(pc) =	sbr.rel @!p5 .LBB2_9-.Ltmp5, $4  }
0x16d: {  	v17 =	vld.idx.msk [tilespmem:v8+s5+$0x0], $0xffff  }
0x16e: {  	v14 =	vld.idx.msk [tilespmem:v7+s5+$0x0], $0xffff  }
0x16f: {  	v16 =	vld.idx.msk [tilespmem:v5+s5+$0x0], $0xffff  }
0x170: {  	s10 =	simm.s32 $0x280;
	p1 =	por $0x1, $0x1;
	v13 =	vld.idx.msk [tilespmem:v10+s5+$0x0], $0xffff  }
0x171: {  	v5 =	vld [tilespmem:s10+$0x0];
	_ =	sdelay $0x1  }
0x172: {  	v7 =	vmul.f32 v18, v17  }
0x173: {  	v10 =	vld [tilespmem:s10+$0xFFFFFF80];
	v8 =	vmul.f32 v19, v16  }
0x174: {  	v12 =	vld [tilespmem:s9+$0x30];
	[tilespmem:s9+$0x20] =	vst v7  }
0x175: {  	v6 =	vmul.f32 v6, v14;
	v7 =	vld [tilespmem:s8+$0x30];
	[tilespmem:s6+$0x50] =	vst v8  }
0x176: {  	s11 =	simm.s32 $0xA280;
	v8 =	vld [tilespmem:s7+$0x60]  }
0x177: {  	[tilespmem:s6+$0xFFFFFFC0] =	vst v6;
	v6 =	vld [tilespmem:s11+$0x0]  }
0x178: {  	v5 =	vld.idx.msk [tilespmem:v5+s5+$0x0], $0xffff  }
0x179: {  	v20 =	vld [tilespmem:s6+$0x70]  }
0x17a: {  	v16 =	vld [tilespmem:s11+$0xFFFFFF80]  }
0x17b: {  	v14 =	vld [tilespmem:s7+$0xFFFFFFD0]  }
0x17c: {  	v10 =	vld.idx.msk [tilespmem:v10+s5+$0x0], $0xffff  }
0x17d: {  	v7 =	vld.idx.msk [tilespmem:v7+s5+$0x0], $0xffff;
	v5 =	vmul.f32 v6, v5  }
0x17e: {  	v6 =	vld.idx.msk [tilespmem:v8+s5+$0x0], $0xffff  }
0x17f: {  	v4 =	vmul.f32 v4, v13;
	v8 =	vld [tilespmem:s6+$0x60];
	[tilespmem:s11+$0x0] =	vst v5  }
0x180: {  	v13 =	vld [tilespmem:s10+$0x10]  }
0x181: {  	v17 =	vld [tilespmem:s11+$0xFFFFFF90];
	[tilespmem:s9+$0xFFFFFFA0] =	vst v4;
	v10 =	vmul.f32 v16, v10  }
0x182: {  	v5 =	vmul.f32 v12, v7;
	v7 =	vld [tilespmem:s8+$0xFFFFFFB0]  }
0x183: {  	v18 =	vld [tilespmem:s9+$0x40];
	[tilespmem:s11+$0xFFFFFF80] =	vst v10  }
0x184: {  	[tilespmem:s9+$0x30] =	vst v5;
	v6 =	vmul.f32 v8, v6;
	v8 =	vld [tilespmem:s10+$0xFFFFFF90]  }
0x185: {  	v12 =	vld [tilespmem:s8+$0x40]  }
0x186: {  	v4 =	vld [tilespmem:s11+$0xFFFFFFA0]  }
0x187: {  	v21 =	vld.idx.msk [tilespmem:v14+s5+$0x0], $0xffff  }
0x188: {  	[tilespmem:s6+$0x60] =	vst v6;
	v6 =	vld.idx.msk [tilespmem:v13+s5+$0x0], $0xffff  }
0x189: {  	v13 =	vld [tilespmem:s11+$0x10]  }
0x18a: {  	v16 =	vld.idx.msk [tilespmem:v7+s5+$0x0], $0xffff  }
0x18b: {  	v10 =	vld [tilespmem:s7+$0x70]  }
0x18c: {  	v8 =	vld.idx.msk [tilespmem:v8+s5+$0x0], $0xffff  }
0x18d: {  	v12 =	vld.idx.msk [tilespmem:v12+s5+$0x0], $0xffff  }
0x18e: {  	v5 =	vld [tilespmem:s9+$0xFFFFFFF0];
	v13 =	vmul.f32 v13, v6  }
0x18f: {  	v7 =	vld [tilespmem:s11+$0xFFFFFFB0];
	v9 =	vmul.f32 v9, v16  }
0x190: {  	v6 =	vld [tilespmem:s11+$0xFFFFFFC0];
	[tilespmem:s11+$0x10] =	vst v13  }
0x191: {  	v13 =	vld [tilespmem:s10+$0x20];
	[tilespmem:s9+$0xFFFFFFB0] =	vst v9;
	v8 =	vmul.f32 v17, v8  }
0x192: {  	v16 =	vmul.f32 v18, v12;
	v19 =	vld [tilespmem:s8+$0xFFFFFFC0]  }
0x193: {  	v10 =	vld.idx.msk [tilespmem:v10+s5+$0x0], $0xffff;
	[tilespmem:s11+$0xFFFFFF90] =	vst v8  }
0x194: {  	[tilespmem:s9+$0x40] =	vst v16;
	v8 =	vld [tilespmem:s10+$0xFFFFFFA0]  }
0x195: {  	v16 =	vld [tilespmem:s8+$0x50]  }
0x196: {  	v9 =	vld [tilespmem:s11+$0xFFFFFFE0]  }
0x197: {  	v12 =	vld [tilespmem:s11+$0xFFFFFFD0]  }
0x198: {  	p5 =	sgt.u32 s4, $0x6;
	v18 =	vld [tilespmem:s11+$0x20]  }
.Ltmp6:
0x199: {  	v17 =	vld.idx.msk [tilespmem:v13+s5+$0x0], $0xffff;
	(pc) =	sbr.rel @!p5 .LBB2_11-.Ltmp6, $4  }
0x19a: {  	v2 =	vmul.f32 v2, v21;
	v14 =	vld.idx.msk [tilespmem:v19+s5+$0x0], $0xffff  }
0x19b: {  	v10 =	vmul.f32 v20, v10;
	v19 =	vld [tilespmem:s9+$0x50]  }
0x19c: {  	[tilespmem:s6+$0xFFFFFFD0] =	vst v2;
	v13 =	vld.idx.msk [tilespmem:v8+s5+$0x0], $0xffff  }
0x19d: {  	s16 =	simm.s32 $0x380;
	p2 =	por $0x1, $0x1;
	[tilespmem:s6+$0x70] =	vst v10;
	v16 =	vld.idx.msk [tilespmem:v16+s5+$0x0], $0xffff  }
0x19e: {  	v2 =	vld [tilespmem:s16+$0x0];
	v8 =	vmul.f32 v18, v17  }
0x19f: {  	v10 =	vld [tilespmem:s16+$0xFFFFFF80]  }
0x1a0: {  	v18 =	vld [tilespmem:s11+$0x30];
	[tilespmem:s11+$0x20] =	vst v8  }
0x1a1: {  	v8 =	vld [tilespmem:s10+$0x30]  }
0x1a2: {  	v22 =	vld [tilespmem:s11+$0x40]  }
0x1a3: {  	v23 =	vld [tilespmem:s9+$0x70];
	v16 =	vmul.f32 v19, v16  }
0x1a4: {  	s17 =	simm.s32 $0xA380;
	v11 =	vmul.f32 v11, v14;
	v14 =	vld [tilespmem:s7+$0xFFFFFFE0]  }
0x1a5: {  	v17 =	vld [tilespmem:s17+$0x0];
	[tilespmem:s9+$0x50] =	vst v16  }
0x1a6: {  	[tilespmem:s9+$0xFFFFFFC0] =	vst v11;
	v11 =	vld [tilespmem:s8+$0x60]  }
0x1a7: {  	v2 =	vld.idx.msk [tilespmem:v2+s5+$0x0], $0xffff  }
0x1a8: {  	v21 =	vld [tilespmem:s17+$0xFFFFFFB0]  }
0x1a9: {  	v8 =	vld.idx.msk [tilespmem:v8+s5+$0x0], $0xffff  }
0x1aa: {  	v19 =	vld [tilespmem:s17+$0xFFFFFF80]  }
0x1ab: {  	v10 =	vld.idx.msk [tilespmem:v10+s5+$0x0], $0xffff  }
0x1ac: {  	v20 =	vld [tilespmem:s17+$0x10];
	v2 =	vmul.f32 v17, v2  }
0x1ad: {  	v4 =	vmul.f32 v4, v13;
	v17 =	vld [tilespmem:s9+$0x60]  }
0x1ae: {  	v11 =	vld.idx.msk [tilespmem:v11+s5+$0x0], $0xffff;
	[tilespmem:s17+$0x0] =	vst v2;
	v8 =	vmul.f32 v18, v8  }
0x1af: {  	[tilespmem:s11+$0xFFFFFFA0] =	vst v4;
	v2 =	vld [tilespmem:s16+$0x10]  }
0x1b0: {  	v10 =	vmul.f32 v19, v10;
	v18 =	vld [tilespmem:s10+$0xFFFFFFB0];
	[tilespmem:s11+$0x30] =	vst v8  }
0x1b1: {  	v19 =	vld [tilespmem:s10+$0x40]  }
0x1b2: {  	v16 =	vld [tilespmem:s8+$0xFFFFFFD0];
	[tilespmem:s17+$0xFFFFFF80] =	vst v10  }
0x1b3: {  	v10 =	vmul.f32 v17, v11;
	v11 =	vld [tilespmem:s16+$0xFFFFFF90]  }
0x1b4: {  	v13 =	vld [tilespmem:s17+$0xFFFFFF90]  }
0x1b5: {  	v4 =	vld [tilespmem:s17+$0xFFFFFFA0];
	[tilespmem:s9+$0x60] =	vst v10  }
0x1b6: {  	v17 =	vld [tilespmem:s8+$0x70]  }
0x1b7: {  	v2 =	vld.idx.msk [tilespmem:v2+s5+$0x0], $0xffff  }
0x1b8: {  	v18 =	vld.idx.msk [tilespmem:v18+s5+$0x0], $0xffff  }
0x1b9: {  	v19 =	vld.idx.msk [tilespmem:v19+s5+$0x0], $0xffff  }
0x1ba: {  	v16 =	vld.idx.msk [tilespmem:v16+s5+$0x0], $0xffff  }
0x1bb: {  	v11 =	vld.idx.msk [tilespmem:v11+s5+$0x0], $0xffff  }
0x1bc: {  	v8 =	vld [tilespmem:s11+$0xFFFFFFF0];
	v2 =	vmul.f32 v20, v2  }
0x1bd: {  	v10 =	vld [tilespmem:s17+$0xFFFFFFC0];
	v7 =	vmul.f32 v7, v18  }
0x1be: {  	v20 =	vld.idx.msk [tilespmem:v17+s5+$0x0], $0xffff;
	[tilespmem:s17+$0x10] =	vst v2;
	v18 =	vmul.f32 v22, v19  }
0x1bf: {  	[tilespmem:s11+$0xFFFFFFB0] =	vst v7;
	v17 =	vld [tilespmem:s16+$0x20]  }
0x1c0: {  	v7 =	vmul.f32 v13, v11;
	v13 =	vld [tilespmem:s10+$0xFFFFFFC0];
	[tilespmem:s11+$0x40] =	vst v18  }
0x1c1: {  	v19 =	vld [tilespmem:s10+$0x50]  }
0x1c2: {  	v2 =	vld [tilespmem:s17+$0xFFFFFFD0];
	[tilespmem:s17+$0xFFFFFF90] =	vst v7  }
0x1c3: {  	v7 =	vld [tilespmem:s16+$0xFFFFFFA0]  }
0x1c4: {  	v22 =	vld.idx.msk [tilespmem:v14+s5+$0x0], $0xffff  }
0x1c5: {  	v11 =	vld [tilespmem:s17+$0xFFFFFFE0]  }
0x1c6: {  	p5 =	sgt.u32 s4, $0x8;
	v18 =	vld [tilespmem:s17+$0x20]  }
.Ltmp7:
0x1c7: {  	v15 =	vmul.f32 v15, v16;
	v17 =	vld.idx.msk [tilespmem:v17+s5+$0x0], $0xffff;
	(pc) =	sbr.rel @!p5 .LBB2_13-.Ltmp7, $4  }
0x1c8: {  	v20 =	vmul.f32 v23, v20;
	v14 =	vld.idx.msk [tilespmem:v13+s5+$0x0], $0xffff  }
0x1c9: {  	[tilespmem:s9+$0xFFFFFFD0] =	vst v15;
	v1 =	vmul.f32 v1, v22;
	v16 =	vld.idx.msk [tilespmem:v19+s5+$0x0], $0xffff  }
0x1ca: {  	[tilespmem:s9+$0x70] =	vst v20;
	v19 =	vld [tilespmem:s11+$0x50]  }
0x1cb: {  	s13 =	simm.s32 $0x480;
	p3 =	por $0x1, $0x1;
	[tilespmem:s6+$0xFFFFFFE0] =	vst v1;
	v13 =	vld.idx.msk [tilespmem:v7+s5+$0x0], $0xffff  }
0x1cc: {  	v1 =	vld [tilespmem:s13+$0x0]  }
0x1cd: {  	v7 =	vmul.f32 v18, v17;
	v17 =	vld [tilespmem:s13+$0xFFFFFF80]  }
0x1ce: {  	v18 =	vld [tilespmem:s17+$0x30]  }
0x1cf: {  	v20 =	vld [tilespmem:s11+$0x60]  }
0x1d0: {  	v24 =	vld [tilespmem:s17+$0x40]  }
0x1d1: {  	v6 =	vmul.f32 v6, v14;
	v14 =	vld [tilespmem:s8+$0xFFFFFFE0];
	[tilespmem:s17+$0x20] =	vst v7  }
0x1d2: {  	s12 =	simm.s32 $0xA480;
	v7 =	vld [tilespmem:s16+$0x30]  }
0x1d3: {  	v22 =	vld [tilespmem:s12+$0xFFFFFF90];
	v4 =	vmul.f32 v4, v13  }
0x1d4: {  	v23 =	vld [tilespmem:s12+$0x10]  }
0x1d5: {  	[tilespmem:s17+$0xFFFFFFA0] =	vst v4;
	v4 =	vld [tilespmem:s12+$0x0]  }
0x1d6: {  	v15 =	vmul.f32 v19, v16;
	v1 =	vld.idx.msk [tilespmem:v1+s5+$0x0], $0xffff  }
0x1d7: {  	v16 =	vld [tilespmem:s7+$0xFFFFFFF0]  }
0x1d8: {  	v19 =	vld [tilespmem:s12+$0xFFFFFF80];
	[tilespmem:s11+$0x50] =	vst v15  }
0x1d9: {  	[tilespmem:s11+$0xFFFFFFC0] =	vst v6;
	v6 =	vld [tilespmem:s10+$0x60]  }
0x1da: {  	v7 =	vld.idx.msk [tilespmem:v7+s5+$0x0], $0xffff  }
0x1db: {  	v17 =	vld.idx.msk [tilespmem:v17+s5+$0x0], $0xffff;
	v1 =	vmul.f32 v4, v1  }
0x1dc: {  	v13 =	vld [tilespmem:s10+$0xFFFFFFD0]  }
0x1dd: {  	v15 =	vld [tilespmem:s17+$0xFFFFFFF0];
	[tilespmem:s12+$0x0] =	vst v1  }
0x1de: {  	v1 =	vld [tilespmem:s13+$0x10]  }
0x1df: {  	v63 =	vld.idx.msk [tilespmem:v14+s5+$0x0], $0xffff;
	v7 =	vmul.f32 v18, v7  }
0x1e0: {  	v17 =	vmul.f32 v19, v17;
	v18 =	vld [tilespmem:s16+$0xFFFFFFB0]  }
0x1e1: {  	v6 =	vld.idx.msk [tilespmem:v6+s5+$0x0], $0xffff;
	[tilespmem:s17+$0x30] =	vst v7  }
0x1e2: {  	[tilespmem:s12+$0xFFFFFF80] =	vst v17;
	v17 =	vld [tilespmem:s16+$0x40]  }
0x1e3: {  	v19 =	vld [tilespmem:s13+$0xFFFFFF90]  }
0x1e4: {  	v26 =	vld.idx.msk [tilespmem:v16+s5+$0x0], $0xffff  }
0x1e5: {  	v13 =	vld.idx.msk [tilespmem:v13+s5+$0x0], $0xffff  }
0x1e6: {  	v6 =	vmul.f32 v20, v6;
	v1 =	vld.idx.msk [tilespmem:v1+s5+$0x0], $0xffff  }
0x1e7: {  	v4 =	vld [tilespmem:s12+$0xFFFFFFA0]  }
0x1e8: {  	[tilespmem:s11+$0x60] =	vst v6;
	v18 =	vld.idx.msk [tilespmem:v18+s5+$0x0], $0xffff  }
0x1e9: {  	v20 =	vld [tilespmem:s10+$0x70]  }
0x1ea: {  	v17 =	vld.idx.msk [tilespmem:v17+s5+$0x0], $0xffff  }
0x1eb: {  	v19 =	vld.idx.msk [tilespmem:v19+s5+$0x0], $0xffff;
	v1 =	vmul.f32 v23, v1  }
0x1ec: {  	v7 =	vld [tilespmem:s12+$0xFFFFFFB0]  }
0x1ed: {  	v6 =	vld [tilespmem:s12+$0xFFFFFFC0];
	[tilespmem:s12+$0x10] =	vst v1;
	v1 =	vmul.f32 v21, v18  }
0x1ee: {  	v18 =	vld [tilespmem:s13+$0x20]  }
0x1ef: {  	v23 =	vld [tilespmem:s11+$0x70];
	v17 =	vmul.f32 v24, v17;
	[tilespmem:s17+$0xFFFFFFB0] =	vst v1  }
0x1f0: {  	v1 =	vmul.f32 v22, v19;
	v19 =	vld [tilespmem:s16+$0xFFFFFFC0]  }
0x1f1: {  	v20 =	vld.idx.msk [tilespmem:v20+s5+$0x0], $0xffff;
	[tilespmem:s17+$0x40] =	vst v17  }
0x1f2: {  	v22 =	vld [tilespmem:s16+$0x50];
	[tilespmem:s12+$0xFFFFFF90] =	vst v1  }
0x1f3: {  	v25 =	vld [tilespmem:s13+$0xFFFFFFA0]  }
0x1f4: {  	v21 =	vld [tilespmem:s12+$0xFFFFFFD0]  }
0x1f5: {  	v1 =	vld [tilespmem:s12+$0xFFFFFFE0]  }
0x1f6: {  	p5 =	sgt.u32 s4, $0xA;
	v17 =	vld.idx.msk [tilespmem:v18+s5+$0x0], $0xffff  }
.Ltmp8:
0x1f7: {  	v12 =	vmul.f32 v12, v13;
	v18 =	vld [tilespmem:s12+$0x20];
	(pc) =	sbr.rel @!p5 .LBB2_19-.Ltmp8, $4  }
0x1f8: {  	v16 =	vmul.f32 v23, v20;
	v14 =	vld.idx.msk [tilespmem:v19+s5+$0x0], $0xffff  }
0x1f9: {  	v13 =	vmul.f32 v3, v63;
	[tilespmem:s11+$0xFFFFFFD0] =	vst v12;
	v19 =	vld [tilespmem:s17+$0x50]  }
0x1fa: {  	s19 =	simm.s32 $0xA;
	s20 =	simm.s32 $0x580;
	p4 =	por $0x1, $0x1;
	[tilespmem:s11+$0x70] =	vst v16;
	v16 =	vld.idx.msk [tilespmem:v22+s5+$0x0], $0xffff  }
0x1fb: {  	s15 =	simm.s32 $0xA080;
	s14 =	simm.s32 $0xA180;
	s18 =	simm.s32 $0x180;
	[tilespmem:s9+$0xFFFFFFE0] =	vst v13;
	v20 =	vmul.f32 v0, v26;
	v13 =	vld.idx.msk [tilespmem:v25+s5+$0x0], $0xffff  }
0x1fc: {  	v12 =	vmov v5  }
.LBB2_16:
0x1fd: {  	v22 =	vld [tilespmem:s20+$0x0];
	s19 =	sadd.s32 $0x2, s19;
	v17 =	vmul.f32 v18, v17  }
0x1fe: {  	v18 =	vld [tilespmem:s20+$0xFFFFFF80];
	p5 =	slt.u32 s19, s4;
	[tilespmem:s15+$0xFFFFFFF0] =	vst v20;
	s15 =	smov.u32 s14;
	s14 =	smov.u32 s11  }
0x1ff: {  	v14 =	vmul.f32 v10, v14;
	v10 =	vmov v6;
	s11 =	smov.u32 s17;
	s17 =	smov.u32 s12;
	[tilespmem:s12+$0x20] =	vst v17;
	v17 =	vld [tilespmem:s10+$0xFFFFFFE0]  }
0x200: {  	v6 =	vld [tilespmem:s13+$0x30];
	v16 =	vmul.f32 v19, v16  }
0x201: {  	[tilespmem:s11+$0xFFFFFFC0] =	vst v14;
	v14 =	vld [tilespmem:s18+$0xFFFFFFF0];
	s18 =	smov.u32 s10;
	s10 =	smov.u32 s16;
	s16 =	smov.u32 s13  }
0x202: {  	v4 =	vmul.f32 v4, v13;
	s13 =	smov.u32 s20;
	v13 =	vld [tilespmem:s10+$0xFFFFFFD0];
	[tilespmem:s11+$0x50] =	vst v16  }
0x203: {  	v16 =	vld [tilespmem:s10+$0x60]  }
0x204: {  	[tilespmem:s12+$0xFFFFFFA0] =	vst v4;
	v23 =	vld [tilespmem:s12+$0xFFFFFFF0]  }
0x205: {  	s12 =	sadd.s32 $0x100, s12;
	v4 =	vld.idx.msk [tilespmem:v22+s5+$0x0], $0xffff  }
0x206: {  	v19 =	vld [tilespmem:s12+$0x0]  }
0x207: {  	v18 =	vld.idx.msk [tilespmem:v18+s5+$0x0], $0xffff  }
0x208: {  	v6 =	vld.idx.msk [tilespmem:v6+s5+$0x0], $0xffff  }
0x209: {  	v20 =	vld [tilespmem:s17+$0x30]  }
0x20a: {  	v22 =	vld [tilespmem:s12+$0xFFFFFF80]  }
0x20b: {  	v4 =	vmul.f32 v19, v4;
	v16 =	vld.idx.msk [tilespmem:v16+s5+$0x0], $0xffff  }
0x20c: {  	v19 =	vld [tilespmem:s11+$0x60]  }
0x20d: {  	v24 =	vld [tilespmem:s12+$0xFFFFFF90];
	[tilespmem:s12+$0x0] =	vst v4  }
0x20e: {  	v25 =	vld [tilespmem:s20+$0x10];
	v6 =	vmul.f32 v20, v6  }
0x20f: {  	v18 =	vmul.f32 v22, v18;
	v4 =	vld [tilespmem:s12+$0xFFFFFFA0]  }
0x210: {  	v20 =	vld [tilespmem:s16+$0xFFFFFFB0];
	[tilespmem:s17+$0x30] =	vst v6  }
0x211: {  	[tilespmem:s12+$0xFFFFFF80] =	vst v18;
	v18 =	vld [tilespmem:s16+$0x40];
	v6 =	vmul.f32 v19, v16  }
0x212: {  	v16 =	vld [tilespmem:s20+$0xFFFFFF90]  }
0x213: {  	v19 =	vld [tilespmem:s12+$0xFFFFFFB0];
	[tilespmem:s11+$0x60] =	vst v6  }
0x214: {  	v22 =	vld [tilespmem:s10+$0x70]  }
0x215: {  	v6 =	vld [tilespmem:s12+$0xFFFFFFC0]  }
0x216: {  	v25 =	vld.idx.msk [tilespmem:v25+s5+$0x0], $0xffff  }
0x217: {  	v26 =	vld [tilespmem:s12+$0x10]  }
0x218: {  	v20 =	vld.idx.msk [tilespmem:v20+s5+$0x0], $0xffff  }
0x219: {  	v18 =	vld.idx.msk [tilespmem:v18+s5+$0x0], $0xffff  }
0x21a: {  	v27 =	vld [tilespmem:s17+$0x40]  }
0x21b: {  	v16 =	vld.idx.msk [tilespmem:v16+s5+$0x0], $0xffff  }
0x21c: {  	v25 =	vmul.f32 v26, v25;
	v22 =	vld.idx.msk [tilespmem:v22+s5+$0x0], $0xffff  }
0x21d: {  	v26 =	vld [tilespmem:s11+$0x70]  }
0x21e: {  	v20 =	vmul.f32 v7, v20;
	v7 =	vmov v19;
	[tilespmem:s12+$0x10] =	vst v25;
	v13 =	vld.idx.msk [tilespmem:v13+s5+$0x0], $0xffff  }
0x21f: {  	v19 =	vld [tilespmem:s20+$0x20];
	v18 =	vmul.f32 v27, v18  }
0x220: {  	v25 =	vld [tilespmem:s12+$0xFFFFFFD0];
	[tilespmem:s17+$0xFFFFFFB0] =	vst v20  }
0x221: {  	v16 =	vmul.f32 v24, v16;
	v20 =	vld [tilespmem:s16+$0xFFFFFFC0];
	[tilespmem:s17+$0x40] =	vst v18  }
0x222: {  	v24 =	vld [tilespmem:s16+$0x50];
	v18 =	vmul.f32 v26, v22  }
0x223: {  	[tilespmem:s12+$0xFFFFFF90] =	vst v16;
	v16 =	vld.idx.msk [tilespmem:v17+s5+$0x0], $0xffff  }
0x224: {  	v13 =	vmul.f32 v2, v13;
	v2 =	vmov v21;
	v22 =	vld [tilespmem:s20+$0xFFFFFFA0];
	[tilespmem:s11+$0x70] =	vst v18  }
0x225: {  	v26 =	vld [tilespmem:s12+$0xFFFFFFE0];
	v21 =	vmov v25  }
0x226: {  	[tilespmem:s11+$0xFFFFFFD0] =	vst v13;
	v25 =	vld.idx.msk [tilespmem:v14+s5+$0x0], $0xffff  }
0x227: {  	v17 =	vld.idx.msk [tilespmem:v19+s5+$0x0], $0xffff  }
.Ltmp9:
0x228: {  	v18 =	vld [tilespmem:s12+$0x20];
	(pc) =	sbr.rel @p5 .LBB2_16-.Ltmp9, $4  }
0x229: {  	v13 =	vmul.f32 v9, v16;
	v9 =	vmov v11;
	v11 =	vmov v1;
	v14 =	vld.idx.msk [tilespmem:v20+s5+$0x0], $0xffff  }
0x22a: {  	v16 =	vld.idx.msk [tilespmem:v24+s5+$0x0], $0xffff;
	v1 =	vmov v26  }
0x22b: {  	v19 =	vld [tilespmem:s17+$0x50];
	[tilespmem:s14+$0xFFFFFFE0] =	vst v13  }
0x22c: {  	s20 =	sadd.s32 $0x100, s20;
	v20 =	vmul.f32 v12, v25;
	v12 =	vmovc v8;
	v8 =	vmov v15;
	v15 =	vmov v23;
	v13 =	vld.idx.msk [tilespmem:v22+s5+$0x0], $0xffff  }
0x22d: {  	s4 =	smov.u32 s11;
	v24 =	vmov v2;
	v22 =	vmov v8  }
0x22e: {  	s19 =	smov.u32 s10;
	v23 =	vmovc v10;
	s11 =	smov.u32 s17;
	s10 =	smov.u32 s16;
	v2 =	vmovc v21;
	v21 =	vmov v9;
	v10 =	vmov v11;
	v8 =	vmov v15  }
.LBB2_18:
0x22f: {  	v9 =	vmul.f32 v18, v17;
	_ =	sdelay $0x1  }
0x230: {  	[tilespmem:s12+$0x20] =	vst v9;
	v4 =	vmul.f32 v4, v13  }
0x231: {  	v9 =	vld [tilespmem:s13+$0x30]  }
0x232: {  	[tilespmem:s12+$0xFFFFFFA0] =	vst v4  }
0x233: {  	v11 =	vld [tilespmem:s13+$0xFFFFFFB0];
	_ =	sdelay $0x4  }
0x234: {  	v54 =	vld [tilespmem:s12+$0x30]  }
0x235: {  	v9 =	vld.idx.msk [tilespmem:v9+s5+$0x0], $0xffff;
	_ =	sdelay $0x1  }
0x236: {  	v55 =	vld.idx.msk [tilespmem:v11+s5+$0x0], $0xffff;
	_ =	sdelay $0x2  }
0x237: {  	v4 =	vmul.f32 v54, v9;
	_ =	sdelay $0x1  }
0x238: {  	[tilespmem:s12+$0x30] =	vst v4;
	v7 =	vmul.f32 v7, v55  }
0x239: {  	v4 =	vld [tilespmem:s13+$0x40]  }
0x23a: {  	[tilespmem:s12+$0xFFFFFFB0] =	vst v7  }
0x23b: {  	v7 =	vld [tilespmem:s13+$0xFFFFFFC0];
	_ =	sdelay $0x4  }
0x23c: {  	v57 =	vld [tilespmem:s12+$0x40]  }
0x23d: {  	v4 =	vld.idx.msk [tilespmem:v4+s5+$0x0], $0xffff;
	_ =	sdelay $0x1  }
0x23e: {  	v58 =	vld.idx.msk [tilespmem:v7+s5+$0x0], $0xffff;
	_ =	sdelay $0x1  }
0x23f: {  	v11 =	vmul.f32 @p1 v23, v14  }
0x240: {  	v4 =	vmul.f32 v57, v4  }
0x241: {  	[tilespmem:s11+$0xFFFFFFC0] =	vst @p1 v11  }
0x242: {  	[tilespmem:s12+$0x40] =	vst v4;
	v4 =	vmul.f32 v6, v58;
	v6 =	vld @p1 [tilespmem:s10+$0xFFFFFFD0]  }
0x243: {  	v59 =	vld [tilespmem:s13+$0x50]  }
0x244: {  	[tilespmem:s12+$0xFFFFFFC0] =	vst v4  }
0x245: {  	v11 =	vmul.f32 @p1 v19, v16;
	v4 =	vld [tilespmem:s13+$0xFFFFFFD0];
	_ =	sdelay $0x1  }
0x246: {  	[tilespmem:s11+$0x50] =	vst @p1 v11  }
0x247: {  	v11 =	vld @p1 [tilespmem:s10+$0x60]  }
0x248: {  	v60 =	vld [tilespmem:s12+$0x50]  }
0x249: {  	v6 =	vld.idx.msk @p1 [tilespmem:v6+s5+$0x0], $0xffff  }
0x24a: {  	v7 =	vld.idx.msk [tilespmem:v59+s5+$0x0], $0xffff;
	_ =	sdelay $0x1  }
0x24b: {  	v4 =	vld.idx.msk [tilespmem:v4+s5+$0x0], $0xffff;
	_ =	sdelay $0x1  }
0x24c: {  	v13 =	vld @p2 [tilespmem:s19+$0xFFFFFFE0];
	v6 =	vmul.f32 @p1 v24, v6  }
0x24d: {  	v11 =	vld.idx.msk @p1 [tilespmem:v11+s5+$0x0], $0xffff;
	v7 =	vmul.f32 v60, v7  }
0x24e: {  	s8 =	smov.u32 @p1 s10;
	[tilespmem:s11+$0xFFFFFFD0] =	vst @p1 v6;
	v6 =	vld @p1 [tilespmem:s11+$0x60]  }
0x24f: {  	[tilespmem:s12+$0x50] =	vst v7;
	v2 =	vmul.f32 v2, v4;
	v4 =	vld @p1 [tilespmem:s8+$0xFFFFFFE0]  }
0x250: {  	v7 =	vld [tilespmem:s13+$0x60]  }
0x251: {  	[tilespmem:s12+$0xFFFFFFD0] =	vst v2  }
0x252: {  	v2 =	vld [tilespmem:s13+$0xFFFFFFE0];
	_ =	sdelay $0x1  }
0x253: {  	v61 =	vld [tilespmem:s12+$0x60]  }
0x254: {  	v6 =	vmul.f32 @p1 v6, v11;
	v11 =	vld.idx.msk @p2 [tilespmem:v13+s5+$0x0], $0xffff  }
0x255: {  	v13 =	vld @p3 [tilespmem:s18+$0xFFFFFFF0]  }
0x256: {  	v4 =	vld.idx.msk @p1 [tilespmem:v4+s5+$0x0], $0xffff  }
0x257: {  	[tilespmem:s11+$0x60] =	vst @p1 v6;
	v7 =	vld.idx.msk [tilespmem:v7+s5+$0x0], $0xffff  }
0x258: {  	v6 =	vld @p1 [tilespmem:s10+$0x70]  }
0x259: {  	v11 =	vmul.f32 @p2 v21, v11;
	v2 =	vld.idx.msk [tilespmem:v2+s5+$0x0], $0xffff  }
0x25a: {  	v3 =	vpsel p1, v10, v3;
	s10 =	smov.u32 @p2 s19  }
0x25b: {  	s7 =	smov.u32 @p2 s10;
	[tilespmem:s4+$0xFFFFFFE0] =	vst @p2 v11;
	v3 =	vmul.f32 @p1 v3, v4  }
0x25c: {  	s9 =	smov.u32 @p1 s11;
	v4 =	vld @p2 [tilespmem:s7+$0xFFFFFFF0];
	v7 =	vmul.f32 v61, v7  }
0x25d: {  	v10 =	vld.idx.msk @p3 [tilespmem:v13+s5+$0x0], $0xffff;
	s7 =	smov.u32 @p1 s8;
	[tilespmem:s9+$0xFFFFFFE0] =	vst @p1 v3  }
0x25e: {  	[tilespmem:s12+$0x60] =	vst v7;
	v1 =	vmul.f32 v1, v2;
	v2 =	vld @p1 [tilespmem:s7+$0xFFFFFFF0]  }
0x25f: {  	v7 =	vld [tilespmem:s13+$0x70]  }
0x260: {  	v3 =	vld.idx.msk @p1 [tilespmem:v6+s5+$0x0], $0xffff;
	[tilespmem:s12+$0xFFFFFFE0] =	vst v1  }
0x261: {  	v1 =	vld [tilespmem:s13+$0xFFFFFFF0]  }
0x262: {  	v6 =	vld @p1 [tilespmem:s11+$0x70];
	_ =	sdelay $0x1  }
0x263: {  	v4 =	vld.idx.msk @p2 [tilespmem:v4+s5+$0x0], $0xffff  }
0x264: {  	v62 =	vld [tilespmem:s12+$0x70]  }
0x265: {  	v10 =	vmul.f32 @p3 v12, v10;
	v2 =	vld.idx.msk @p1 [tilespmem:v2+s5+$0x0], $0xffff  }
0x266: {  	v3 =	vmul.f32 @p1 v6, v3;
	v6 =	vmov @p2 v22;
	v7 =	vld.idx.msk [tilespmem:v7+s5+$0x0], $0xffff  }
0x267: {  	v56 =	vld [tilespmem:s12+$0xFFFFFFF0];
	v5 =	vpsel p1, v8, v5;
	v8 =	vpsel p3, v10, v0;
	v0 =	vpsel p2, v6, v0  }
0x268: {  	v0 =	vmul.f32 @p2 v0, v4;
	v1 =	vld.idx.msk [tilespmem:v1+s5+$0x0], $0xffff  }
0x269: {  	[tilespmem:s15+$0xFFFFFFF0] =	vst @p4 v20;
	s6 =	smov.u32 @p2 s4;
	s5 =	smov.u32 @p3 s14  }
0x26a: {  	s4 =	smov.u32 @p2 s6;
	[tilespmem:s11+$0x70] =	vst @p1 v3;
	s5 =	smov.u32 @p3 s5;
	v4 =	vpsel p1, v5, v0  }
0x26b: {  	s4 =	smov.u32 @p2 s4;
	v0 =	vpsel p2, v0, v0;
	[tilespmem:s5+$0xFFFFFFF0] =	vst @p3 v8;
	v2 =	vmul.f32 @p1 v4, v2;
	v63 =	vmul.f32 v62, v7  }
0x26c: {  	s5 =	smov.u32 @p1 s9;
	[tilespmem:s4+$0xFFFFFFF0] =	vst @p2 v0  }
0x26d: {  	s4 =	smov.u32 @p1 s5;
	v0 =	vpsel p1, v2, v0;
	[tilespmem:s12+$0x70] =	vst v63;
	v1 =	vmul.f32 v56, v1  }
0x26e: {  	[tilespmem:s4+$0xFFFFFFF0] =	vst @p1 v0  }
0x26f: {  	s5 =	simm.s32 @p0 $0xA000;
	s4 =	simm.s32 @p0 $0x0;
	[tilespmem:s12+$0xFFFFFFF0] =	vst v1  }
0x270: {  	[hbm4b:s3+s4] =	stream.linear.scatter @p0 [tilespmem:s5], [sflag:$0x3], $0x3200, $0x38;
	[tilespmem:$0x16D00] =	vst v63  }
0x271: {  	s3 =	simm.s32 @p0 $0x3  }
0x272: {  	_ =	swait.ge @p0 [sflag:s3], $0x3200  }
0x273: {  	[sflag:s3] =	ssyncset.done @p0 $0x0  }
0x274: {  	s4 =	simm.s32 @!p0 $0xA000;
	[sflag:s3] =	ssyncadd.s32 @p0 $0xFFFFCE00;
	s3 =	simm.s32 @!p0 $0x0  }
0x275: {  	[hbm4b:s2+s3] =	stream.linear.scatter @!p0 [tilespmem:s4], [sflag:$0x3], $0x5000, $0x38;
	[tilespmem:$0x16D00] =	vst v63  }
0x276: {  	s2 =	simm.s32 @!p0 $0x3  }
0x277: {  	_ =	swait.ge @!p0 [sflag:s2], $0x5000  }
0x278: {  	[sflag:s2] =	ssyncset.done @!p0 $0x0  }
0x279: {  	[sflag:s2] =	ssyncadd.s32 @!p0 $0xFFFFB000  }
0x27a: {  	_ =	sfence.sel $0x180000  }
0x27b: {  	[bflag:$0x0] =	sbarrier.arrive $0xFFFF  }
0x27c: {  	p0 =	sne.s32 s1, $0x0;
	_ =	strace $0x90000047  }
0x27d: {  	s0 =	sadd.s32 @!p0 $0x100000, s0;
	[bflag:$0x2] =	sbarrier.arrive $0xFFFF  }
0x27e: {  	[sflag:s0] =	ssyncadd.tile.s32 @!p0 $0x1;
	_ =	shalt  }
.LBB2_7:
.Ltmp10:
0x27f: {  	(pc) =	sbr.rel .LBB2_18-.Ltmp10, $2  }
0x280: {  	_ =	sdelay $0x2  }
0x281: {  	s12 =	simm.s32 $0xA080;
	s13 =	simm.s32 $0x80  }
.LBB2_9:
.Ltmp11:
0x282: {  	(pc) =	sbr.rel .LBB2_18-.Ltmp11, $3  }
0x283: {  	_ =	sdelay $0x1  }
0x284: {  	v10 =	vmov v1;
	s12 =	simm.s32 $0xA180;
	v23 =	vmov v6;
	v24 =	vmov v2  }
0x285: {  	v1 =	vmovc v3;
	v8 =	vmovc v0;
	v6 =	vmov v11;
	s11 =	simm.s32 $0xA080;
	s13 =	simm.s32 $0x180;
	s10 =	simm.s32 $0x80;
	v7 =	vmov v9;
	v2 =	vmov v15  }
.LBB2_11:
.Ltmp12:
0x286: {  	(pc) =	sbr.rel .LBB2_18-.Ltmp12, $3  }
0x287: {  	_ =	sdelay $0x1  }
0x288: {  	s4 =	simm.s32 $0xA080;
	s12 =	simm.s32 $0xA280;
	s19 =	simm.s32 $0x80;
	v21 =	vmov v1;
	v10 =	vmov v3;
	v22 =	vmov v0  }
0x289: {  	v8 =	vmovc v5;
	v23 =	vmovc v11;
	s11 =	simm.s32 $0xA180;
	s13 =	simm.s32 $0x280;
	s10 =	simm.s32 $0x180;
	v24 =	vmov v15;
	v2 =	vmov v12;
	v1 =	vmov v9  }
.LBB2_13:
.Ltmp13:
0x28a: {  	(pc) =	sbr.rel .LBB2_18-.Ltmp13, $3  }
0x28b: {  	_ =	sdelay $0x1  }
0x28c: {  	s14 =	simm.s32 $0xA080;
	s4 =	simm.s32 $0xA180;
	s12 =	simm.s32 $0xA380;
	v23 =	vmovc v6;
	v6 =	vmov v10;
	v7 =	vmov v21;
	v24 =	vmov v12  }
0x28d: {  	s19 =	simm.s32 $0x180;
	s13 =	simm.s32 $0x380;
	s18 =	simm.s32 $0x80;
	v21 =	vmovc v3;
	v10 =	vmovc v9;
	v1 =	vmov v11;
	v12 =	vmov v0;
	v22 =	vmov v5  }
.LBB2_19:
.Ltmp14:
0x28e: {  	(pc) =	sbr.rel .LBB2_18-.Ltmp14, $4  }
0x28f: {  	_ = 	snop  }
0x290: {  	s15 =	simm.s32 $0xA080  }
0x291: {  	s14 =	simm.s32 $0xA180;
	s4 =	simm.s32 $0xA280;
	s19 =	simm.s32 $0x280;
	v24 =	vmov v2;
	v22 =	vmov v8;
	v23 =	vmov v10  }
0x292: {  	s11 =	simm.s32 $0xA380;
	s18 =	simm.s32 $0x180;
	s10 =	simm.s32 $0x380;
	v2 =	vmovc v21;
	v21 =	vmovc v9;
	v10 =	vmov v11;
	v12 =	vmov v5;
	v8 =	vmov v15  }
.Lfunc_end2:
_tile_overlayer_lowered:
.L_overlay_start_2:
0x293: {  	(tag) =	ssettag $0x2  }
0x294: {  	s0 =	rddreg [dreg:$0x0];
	s2 =	stileid.u32  }
0x295: {  	s1 =	rddreg [dreg:$0x1];
	p0 =	sne.s32 s2, $0x0  }
0x296: {  	s3 =	rddreg [dreg:$0x2];
	[bflag:$0x3] =	sbarrier.arrive $0xFFFF;
	s2 =	simm.s32 @!p0 $0x1C03  }
0x297: {  	[timem:s3], [sflag:s2] =	dma.local @!p0 [hbm:s0], s1  }
0x298: {  	s0 =	simm.s32 @!p0 $0x3  }
0x299: {  	_ =	swait.ge @!p0 [sflag:s0], s1  }
0x29a: {  	s1 =	ssub.s32 @!p0 $0x0, s1;
	[sflag:s0] =	ssyncset.done @!p0 $0x0  }
0x29b: {  	[sflag:s0] =	ssyncadd.s32 @!p0 s1  }
0x29c: {  	[bflag:$0x3] =	sbarrier.arrive $0xFFFF  }
0x29d: {  	_ =	shalt  }

</sc_bundles>
